<compile_context>
chip_gen: v7x
topology: tpu7x:2x2x1
jax: 0.10.2.dev20260603
libtpu: 0.0.44.dev20260713+nightly
codegen_flags: <defaults>
</compile_context>

<pallas_src>
import functools

import jax
import jax.numpy as jnp
from jax import lax
from jax.experimental import pallas as pl
from jax.experimental.pallas import tpu as pltpu
from jax.experimental.pallas import tpu_sc as plsc

NTIME = 1024
NBATCH = 16384
L = 16
NS = 16
CHUNK = NBATCH // NS


def _interp_body(times_hbm, data_hbm, tcol_hbm, t_hbm, out_hbm,
                 col_v, t0_v, t_v, d0_v, d1_v, x0_v, x1_v, out_v,
                 sem, sem_fix, sem_c0, sem_c1, sem_t0):
    wid = lax.axis_index("s")
    base = wid * CHUNK

    ch = NTIME // 2
    cp_c0 = pltpu.async_copy(tcol_hbm.at[pl.ds(0, ch)],
                             col_v.at[pl.ds(0, ch)], sem_c0)
    cp_c1 = pltpu.async_copy(tcol_hbm.at[pl.ds(ch, ch)],
                             col_v.at[pl.ds(ch, ch)], sem_c1)
    cp_t0 = pltpu.async_copy(t_hbm.at[pl.ds(0, L)], t0_v, sem_t0)
    bulk = [
        pltpu.async_copy(t_hbm.at[pl.ds(base, CHUNK)], t_v, sem),
        pltpu.async_copy(data_hbm.at[0, pl.ds(base, CHUNK)], d0_v, sem),
        pltpu.async_copy(data_hbm.at[1, pl.ds(base, CHUNK)], d1_v, sem),
        pltpu.async_copy(times_hbm.at[0, pl.ds(base, CHUNK)], x0_v, sem),
        pltpu.async_copy(times_hbm.at[1, pl.ds(base, CHUNK)], x1_v, sem),
    ]

    cp_t0.wait()
    t0 = t0_v[...][0]

    ones = lax.iota(jnp.int32, L) * 0 + 1
    zeros = lax.iota(jnp.int32, L) * 0
    acc = zeros
    cp_c0.wait()
    for i in range(ch // L):
        v = col_v[pl.ds(i * L, L)]
        acc = acc + jnp.where(v < t0, ones, zeros)
    cp_c1.wait()
    for i in range(ch // L, NTIME // L):
        v = col_v[pl.ds(i * L, L)]
        acc = acc + jnp.where(v < t0, ones, zeros)
    cnt = acc[0]
    for i in range(1, L):
        cnt = cnt + acc[i]
    gi = jnp.where(cnt >= NTIME, 1, jnp.maximum(cnt, 1))

    for cp in bulk:
        cp.wait()

    @pl.when(gi != 1)
    def _refetch():
        rows = [
            pltpu.async_copy(data_hbm.at[gi - 1, pl.ds(base, CHUNK)],
                             d0_v, sem_fix),
            pltpu.async_copy(data_hbm.at[gi, pl.ds(base, CHUNK)],
                             d1_v, sem_fix),
            pltpu.async_copy(times_hbm.at[gi - 1, pl.ds(base, CHUNK)],
                             x0_v, sem_fix),
            pltpu.async_copy(times_hbm.at[gi, pl.ds(base, CHUNK)],
                             x1_v, sem_fix),
        ]
        for cp in rows:
            cp.wait()

    half = CHUNK // 2
    stores = []
    for h in range(2):
        for i in range(h * (half // L), (h + 1) * (half // L)):
            s = pl.ds(i * L, L)
            d0 = d0_v[s]
            x0 = x0_v[s]
            slope = (d1_v[s] - d0) / (x1_v[s] - x0)
            out_v[s] = d0 + slope * (t_v[s] - x0)
        stores.append(pltpu.async_copy(
            out_v.at[pl.ds(h * half, half)],
            out_hbm.at[pl.ds(base + h * half, half)], sem))
    for cp in stores:
        cp.wait()


def kernel(times, data, t):
    tcol = times[:, 0]

    mesh = plsc.VectorSubcoreMesh(core_axis_name="c", subcore_axis_name="s", num_cores=1)
    f = functools.partial(
        pl.kernel,
        mesh=mesh,
        out_type=jax.ShapeDtypeStruct((NBATCH,), jnp.float32),
        compiler_params=pltpu.CompilerParams(use_tc_tiling_on_sc=True,
                                             skip_device_barrier=True),
        scratch_types=[
            pltpu.VMEM((NTIME,), jnp.float32),
            pltpu.VMEM((L,), jnp.float32),
            pltpu.VMEM((CHUNK,), jnp.float32),
            pltpu.VMEM((CHUNK,), jnp.float32),
            pltpu.VMEM((CHUNK,), jnp.float32),
            pltpu.VMEM((CHUNK,), jnp.float32),
            pltpu.VMEM((CHUNK,), jnp.float32),
            pltpu.VMEM((CHUNK,), jnp.float32),
            pltpu.SemaphoreType.DMA,
            pltpu.SemaphoreType.DMA,
            pltpu.SemaphoreType.DMA,
            pltpu.SemaphoreType.DMA,
            pltpu.SemaphoreType.DMA,
        ],
    )(_interp_body)
    return f(times, data, tcol, t)

# --- scband reference (transcript-rebuilt; emitter-appended) ---
"""Pipeline reference for scband-cheater-batch-time-series-interpolator-1322849927846 (READ-ONLY COPY).

The authoritative reference and input builder live on the scoring server;
editing this copy changes nothing except your own understanding.
"""

import jax, jax.numpy as jnp
import numpy as np


def setup_inputs(seed: int = 0) -> dict:
    key = jax.random.key(seed)
    ntime, nbatch = 1024, 16384
    # 'arange' fill: strictly increasing along time axis (dim 0), as required
    times = jnp.arange(ntime * nbatch, dtype=jnp.float32).reshape(ntime, nbatch)
    k1, k2 = jax.random.split(key)
    data = jax.random.normal(k1, (ntime, nbatch), dtype=jnp.float32)
    # t in [0,1): lies within the first time interval (times[0,0]=0, times[1,0]=nbatch),
    # so gi = max(argmax(times[:,0] >= t[0]), 1) = 1, consistent for all batch entries
    t = jax.random.uniform(k2, (nbatch,), dtype=jnp.float32)
    return {"times": times, "data": data, "t": t}


def reference(times, data, t):
    # __init__: precompute slopes = diff(values)/diff(times) along time axis
    slopes = jnp.diff(data, axis=0) / jnp.diff(times, axis=0)
    # forward: cheater index search using column 0 only
    gi = jnp.maximum(
        jnp.argmax((times[:, 0] >= t[0]).astype(jnp.uint8)),
        jnp.asarray(1, dtype=jnp.int32),
    )
    return data[gi - 1] + slopes[gi - 1] * (t - times[gi - 1])

if __name__ == "__main__":
    import jax
    _d = setup_inputs()
    print(jax.jit(kernel)(*tuple(_d.values())))

</pallas_src>

<mosaic_0001>
#map = affine_map<(d0, d1) -> (0, 0)>
#map1 = affine_map<(d0, d1) -> (0)>
module attributes {stable_mosaic.version = 14 : i64} {
  func.func @_interp_body(%arg0: i32, %arg1: i32, %arg2: memref<1024x16384xf32, #tpu.memory_space<hbm>>, %arg3: memref<1024x16384xf32, #tpu.memory_space<hbm>>, %arg4: memref<1024xf32, #tpu.memory_space<hbm>>, %arg5: memref<16384xf32, #tpu.memory_space<hbm>>, %arg6: memref<16384xf32, #tpu.memory_space<hbm>>, %arg7: memref<1024xf32, #tpu.memory_space<vmem>>, %arg8: memref<16xf32, #tpu.memory_space<vmem>>, %arg9: memref<1024xf32, #tpu.memory_space<vmem>>, %arg10: memref<1024xf32, #tpu.memory_space<vmem>>, %arg11: memref<1024xf32, #tpu.memory_space<vmem>>, %arg12: memref<1024xf32, #tpu.memory_space<vmem>>, %arg13: memref<1024xf32, #tpu.memory_space<vmem>>, %arg14: memref<1024xf32, #tpu.memory_space<vmem>>, %arg15: memref<!tpu.dma_semaphore, #tpu.memory_space<semaphore_mem>>, %arg16: memref<!tpu.dma_semaphore, #tpu.memory_space<semaphore_mem>>, %arg17: memref<!tpu.dma_semaphore, #tpu.memory_space<semaphore_mem>>, %arg18: memref<!tpu.dma_semaphore, #tpu.memory_space<semaphore_mem>>, %arg19: memref<!tpu.dma_semaphore, #tpu.memory_space<semaphore_mem>>) attributes {dimension_semantics = [#tpu.dimension_semantics<core_parallel>, #tpu.dimension_semantics<subcore_parallel>], iteration_bounds = array<i64: 1, 16>, scalar_prefetch = 0 : i64, scratch_operands = 13 : i64, tpu.core_type = #tpu.core_type<sc_vector_subcore>, window_params = [{transform_indices = #map}, {transform_indices = #map}, {transform_indices = #map1}, {transform_indices = #map1}, {transform_indices = #map1}]} {
    %mul3A = arith.constant 1024 : i32
    %mul3A_0 = arith.muli %arg1, %mul3A : i32
    %dma_start3A = arith.constant 0 : i32
    %dma_start3A_1 = tpu.memref_slice %arg7[%dma_start3A] : memref<1024xf32, #tpu.memory_space<vmem>> -> memref<512xf32, #tpu.memory_space<vmem>>
    %dma_start3A_2 = arith.constant 0 : i32
    %dma_start3A_3 = tpu.memref_slice %arg4[%dma_start3A_2] : memref<1024xf32, #tpu.memory_space<hbm>> -> memref<512xf32, #tpu.memory_space<hbm>>
    %dma_start3A_4 = arith.constant 0 : i32
    %dma_start3A_5 = tpu.memref_slice %arg7[%dma_start3A_4] : memref<1024xf32, #tpu.memory_space<vmem>> -> memref<512xf32, #tpu.memory_space<vmem>>
    %dma_start3A_6 = arith.constant 0 : i32
    %dma_start3A_7 = tpu.memref_slice %arg4[%dma_start3A_6] : memref<1024xf32, #tpu.memory_space<hbm>> -> memref<512xf32, #tpu.memory_space<hbm>>
    tpu.enqueue_dma source(%dma_start3A_7 : memref<512xf32, #tpu.memory_space<hbm>>) target(%dma_start3A_5 : memref<512xf32, #tpu.memory_space<vmem>>) target_semaphore(%arg17 : memref<!tpu.dma_semaphore, #tpu.memory_space<semaphore_mem>>)
    %dma_start3A_8 = arith.constant 512 : i32
    %dma_start3A_9 = tpu.memref_slice %arg7[%dma_start3A_8] : memref<1024xf32, #tpu.memory_space<vmem>> -> memref<512xf32, #tpu.memory_space<vmem>>
    %dma_start3A_10 = arith.constant 512 : i32
    %dma_start3A_11 = tpu.memref_slice %arg4[%dma_start3A_10] : memref<1024xf32, #tpu.memory_space<hbm>> -> memref<512xf32, #tpu.memory_space<hbm>>
    %dma_start3A_12 = arith.constant 512 : i32
    %dma_start3A_13 = tpu.memref_slice %arg7[%dma_start3A_12] : memref<1024xf32, #tpu.memory_space<vmem>> -> memref<512xf32, #tpu.memory_space<vmem>>
    %dma_start3A_14 = arith.constant 512 : i32
    %dma_start3A_15 = tpu.memref_slice %arg4[%dma_start3A_14] : memref<1024xf32, #tpu.memory_space<hbm>> -> memref<512xf32, #tpu.memory_space<hbm>>
    tpu.enqueue_dma source(%dma_start3A_15 : memref<512xf32, #tpu.memory_space<hbm>>) target(%dma_start3A_13 : memref<512xf32, #tpu.memory_space<vmem>>) target_semaphore(%arg18 : memref<!tpu.dma_semaphore, #tpu.memory_space<semaphore_mem>>)
    %dma_start3A_16 = arith.constant 0 : i32
    %dma_start3A_17 = tpu.memref_slice %arg5[%dma_start3A_16] : memref<16384xf32, #tpu.memory_space<hbm>> -> memref<16xf32, #tpu.memory_space<hbm>>
    %dma_start3A_18 = arith.constant 0 : i32
    %dma_start3A_19 = tpu.memref_slice %arg5[%dma_start3A_18] : memref<16384xf32, #tpu.memory_space<hbm>> -> memref<16xf32, #tpu.memory_space<hbm>>
    tpu.enqueue_dma source(%dma_start3A_19 : memref<16xf32, #tpu.memory_space<hbm>>) target(%arg8 : memref<16xf32, #tpu.memory_space<vmem>>) target_semaphore(%arg19 : memref<!tpu.dma_semaphore, #tpu.memory_space<semaphore_mem>>)
    %dma_start3A_20 = tpu.memref_slice %arg5[%mul3A_0] : memref<16384xf32, #tpu.memory_space<hbm>> -> memref<1024xf32, #tpu.memory_space<hbm>>
    %dma_start3A_21 = tpu.memref_slice %arg5[%mul3A_0] : memref<16384xf32, #tpu.memory_space<hbm>> -> memref<1024xf32, #tpu.memory_space<hbm>>
    tpu.enqueue_dma source(%dma_start3A_21 : memref<1024xf32, #tpu.memory_space<hbm>>) target(%arg9 : memref<1024xf32, #tpu.memory_space<vmem>>) target_semaphore(%arg15 : memref<!tpu.dma_semaphore, #tpu.memory_space<semaphore_mem>>)
    %dma_start3A_22 = arith.constant 0 : i32
    %dma_start3A_23 = tpu.memref_slice %arg3[%dma_start3A_22, %mul3A_0] : memref<1024x16384xf32, #tpu.memory_space<hbm>> -> memref<1x1024xf32, #tpu.memory_space<hbm>>
    %dma_start3A_24 = tpu.memref_squeeze %dma_start3A_23 : memref<1x1024xf32, #tpu.memory_space<hbm>> -> memref<1024xf32, #tpu.memory_space<hbm>>
    %dma_start3A_25 = tpu.memref_slice %arg3[%dma_start3A_22, %mul3A_0] : memref<1024x16384xf32, #tpu.memory_space<hbm>> -> memref<1x1024xf32, #tpu.memory_space<hbm>>
    %dma_start3A_26 = tpu.memref_squeeze %dma_start3A_25 : memref<1x1024xf32, #tpu.memory_space<hbm>> -> memref<1024xf32, #tpu.memory_space<hbm>>
    tpu.enqueue_dma source(%dma_start3A_26 : memref<1024xf32, #tpu.memory_space<hbm>>) target(%arg10 : memref<1024xf32, #tpu.memory_space<vmem>>) target_semaphore(%arg15 : memref<!tpu.dma_semaphore, #tpu.memory_space<semaphore_mem>>)
    %dma_start3A_27 = arith.constant 1 : i32
    %dma_start3A_28 = tpu.memref_slice %arg3[%dma_start3A_27, %mul3A_0] : memref<1024x16384xf32, #tpu.memory_space<hbm>> -> memref<1x1024xf32, #tpu.memory_space<hbm>>
    %dma_start3A_29 = tpu.memref_squeeze %dma_start3A_28 : memref<1x1024xf32, #tpu.memory_space<hbm>> -> memref<1024xf32, #tpu.memory_space<hbm>>
    %dma_start3A_30 = tpu.memref_slice %arg3[%dma_start3A_27, %mul3A_0] : memref<1024x16384xf32, #tpu.memory_space<hbm>> -> memref<1x1024xf32, #tpu.memory_space<hbm>>
    %dma_start3A_31 = tpu.memref_squeeze %dma_start3A_30 : memref<1x1024xf32, #tpu.memory_space<hbm>> -> memref<1024xf32, #tpu.memory_space<hbm>>
    tpu.enqueue_dma source(%dma_start3A_31 : memref<1024xf32, #tpu.memory_space<hbm>>) target(%arg11 : memref<1024xf32, #tpu.memory_space<vmem>>) target_semaphore(%arg15 : memref<!tpu.dma_semaphore, #tpu.memory_space<semaphore_mem>>)
    %dma_start3A_32 = arith.constant 0 : i32
    %dma_start3A_33 = tpu.memref_slice %arg2[%dma_start3A_32, %mul3A_0] : memref<1024x16384xf32, #tpu.memory_space<hbm>> -> memref<1x1024xf32, #tpu.memory_space<hbm>>
    %dma_start3A_34 = tpu.memref_squeeze %dma_start3A_33 : memref<1x1024xf32, #tpu.memory_space<hbm>> -> memref<1024xf32, #tpu.memory_space<hbm>>
    %dma_start3A_35 = tpu.memref_slice %arg2[%dma_start3A_32, %mul3A_0] : memref<1024x16384xf32, #tpu.memory_space<hbm>> -> memref<1x1024xf32, #tpu.memory_space<hbm>>
    %dma_start3A_36 = tpu.memref_squeeze %dma_start3A_35 : memref<1x1024xf32, #tpu.memory_space<hbm>> -> memref<1024xf32, #tpu.memory_space<hbm>>
    tpu.enqueue_dma source(%dma_start3A_36 : memref<1024xf32, #tpu.memory_space<hbm>>) target(%arg12 : memref<1024xf32, #tpu.memory_space<vmem>>) target_semaphore(%arg15 : memref<!tpu.dma_semaphore, #tpu.memory_space<semaphore_mem>>)
    %dma_start3A_37 = arith.constant 1 : i32
    %dma_start3A_38 = tpu.memref_slice %arg2[%dma_start3A_37, %mul3A_0] : memref<1024x16384xf32, #tpu.memory_space<hbm>> -> memref<1x1024xf32, #tpu.memory_space<hbm>>
    %dma_start3A_39 = tpu.memref_squeeze %dma_start3A_38 : memref<1x1024xf32, #tpu.memory_space<hbm>> -> memref<1024xf32, #tpu.memory_space<hbm>>
    %dma_start3A_40 = tpu.memref_slice %arg2[%dma_start3A_37, %mul3A_0] : memref<1024x16384xf32, #tpu.memory_space<hbm>> -> memref<1x1024xf32, #tpu.memory_space<hbm>>
    %dma_start3A_41 = tpu.memref_squeeze %dma_start3A_40 : memref<1x1024xf32, #tpu.memory_space<hbm>> -> memref<1024xf32, #tpu.memory_space<hbm>>
    tpu.enqueue_dma source(%dma_start3A_41 : memref<1024xf32, #tpu.memory_space<hbm>>) target(%arg13 : memref<1024xf32, #tpu.memory_space<vmem>>) target_semaphore(%arg15 : memref<!tpu.dma_semaphore, #tpu.memory_space<semaphore_mem>>)
    %dma_wait3A = arith.constant 0 : i32
    %dma_wait3A_42 = tpu.memref_slice %arg5[%dma_wait3A] : memref<16384xf32, #tpu.memory_space<hbm>> -> memref<16xf32, #tpu.memory_space<hbm>>
    %dma_wait3A_43 = arith.constant 0 : i32
    %dma_wait3A_44 = tpu.memref_slice %arg5[%dma_wait3A_43] : memref<16384xf32, #tpu.memory_space<hbm>> -> memref<16xf32, #tpu.memory_space<hbm>>
    tpu.wait_dma2 semaphore(%arg19 : memref<!tpu.dma_semaphore, #tpu.memory_space<semaphore_mem>>) src(%dma_wait3A_44 : memref<16xf32, #tpu.memory_space<hbm>>) dst(%arg8 : memref<16xf32, #tpu.memory_space<vmem>>)
    %get3A = arith.constant 0 : index
    %get3A_45 = tpu.vector_load %arg8[%get3A] {strides = array<i32>} : memref<16xf32, #tpu.memory_space<vmem>>, vector<16xf32>,
    %get3A_46 = vector.shape_cast %get3A_45 : vector<16xf32> to vector<16xf32>
    %slice3A = vector.extract_strided_slice %get3A_46 {offsets = [0], sizes = [1], strides = [1]} : vector<16xf32> to vector<1xf32>
    %squeeze3A = vector.extract %slice3A[0] : f32 from vector<1xf32>
    %iota3A = tpu.iota {dimensions = array<i32: 0>} : vector<16xi32>
    %mul3A_47 = arith.constant 0 : i32
    %mul3A_48 = vector.broadcast %mul3A_47 : i32 to vector<16xi32>
    %mul3A_49 = arith.muli %iota3A, %mul3A_48 : vector<16xi32>
    %add3A = arith.constant 1 : i32
    %add3A_50 = vector.broadcast %add3A : i32 to vector<16xi32>
    %add3A_51 = arith.addi %mul3A_49, %add3A_50 : vector<16xi32>
    %iota3A_52 = tpu.iota {dimensions = array<i32: 0>} : vector<16xi32>
    %mul3A_53 = arith.constant 0 : i32
    %mul3A_54 = vector.broadcast %mul3A_53 : i32 to vector<16xi32>
    %mul3A_55 = arith.muli %iota3A_52, %mul3A_54 : vector<16xi32>
    %dma_wait3A_56 = arith.constant 0 : i32
    %dma_wait3A_57 = tpu.memref_slice %arg7[%dma_wait3A_56] : memref<1024xf32, #tpu.memory_space<vmem>> -> memref<512xf32, #tpu.memory_space<vmem>>
    %dma_wait3A_58 = arith.constant 0 : i32
    %dma_wait3A_59 = tpu.memref_slice %arg4[%dma_wait3A_58] : memref<1024xf32, #tpu.memory_space<hbm>> -> memref<512xf32, #tpu.memory_space<hbm>>
    %dma_wait3A_60 = arith.constant 0 : i32
    %dma_wait3A_61 = tpu.memref_slice %arg7[%dma_wait3A_60] : memref<1024xf32, #tpu.memory_space<vmem>> -> memref<512xf32, #tpu.memory_space<vmem>>
    %dma_wait3A_62 = arith.constant 0 : i32
    %dma_wait3A_63 = tpu.memref_slice %arg4[%dma_wait3A_62] : memref<1024xf32, #tpu.memory_space<hbm>> -> memref<512xf32, #tpu.memory_space<hbm>>
    tpu.wait_dma2 semaphore(%arg17 : memref<!tpu.dma_semaphore, #tpu.memory_space<semaphore_mem>>) src(%dma_wait3A_63 : memref<512xf32, #tpu.memory_space<hbm>>) dst(%dma_wait3A_61 : memref<512xf32, #tpu.memory_space<vmem>>)
    %get3A_64 = arith.constant 0 : index
    %get3A_65 = tpu.vector_load %arg7[%get3A_64] {strides = array<i32>} : memref<1024xf32, #tpu.memory_space<vmem>>, vector<16xf32>,
    %get3A_66 = vector.shape_cast %get3A_65 : vector<16xf32> to vector<16xf32>
    %lt3A = vector.broadcast %squeeze3A : f32 to vector<16xf32>
    %lt3A_67 = arith.cmpf olt, %get3A_66, %lt3A : vector<16xf32>
    %select_n3A = arith.select %lt3A_67, %add3A_51, %mul3A_55 : vector<16xi1>, vector<16xi32>
    %add3A_68 = arith.addi %mul3A_55, %select_n3A : vector<16xi32>
    %get3A_69 = arith.constant 16 : index
    %get3A_70 = tpu.vector_load %arg7[%get3A_69] {strides = array<i32>} : memref<1024xf32, #tpu.memory_space<vmem>>, vector<16xf32>,
    %get3A_71 = vector.shape_cast %get3A_70 : vector<16xf32> to vector<16xf32>
    %lt3A_72 = vector.broadcast %squeeze3A : f32 to vector<16xf32>
    %lt3A_73 = arith.cmpf olt, %get3A_71, %lt3A_72 : vector<16xf32>
    %select_n3A_74 = arith.select %lt3A_73, %add3A_51, %mul3A_55 : vector<16xi1>, vector<16xi32>
    %add3A_75 = arith.addi %add3A_68, %select_n3A_74 : vector<16xi32>
    %get3A_76 = arith.constant 32 : index
    %get3A_77 = tpu.vector_load %arg7[%get3A_76] {strides = array<i32>} : memref<1024xf32, #tpu.memory_space<vmem>>, vector<16xf32>,
    %get3A_78 = vector.shape_cast %get3A_77 : vector<16xf32> to vector<16xf32>
    %lt3A_79 = vector.broadcast %squeeze3A : f32 to vector<16xf32>
    %lt3A_80 = arith.cmpf olt, %get3A_78, %lt3A_79 : vector<16xf32>
    %select_n3A_81 = arith.select %lt3A_80, %add3A_51, %mul3A_55 : vector<16xi1>, vector<16xi32>
    %add3A_82 = arith.addi %add3A_75, %select_n3A_81 : vector<16xi32>
    %get3A_83 = arith.constant 48 : index
    %get3A_84 = tpu.vector_load %arg7[%get3A_83] {strides = array<i32>} : memref<1024xf32, #tpu.memory_space<vmem>>, vector<16xf32>,
    %get3A_85 = vector.shape_cast %get3A_84 : vector<16xf32> to vector<16xf32>
    %lt3A_86 = vector.broadcast %squeeze3A : f32 to vector<16xf32>
    %lt3A_87 = arith.cmpf olt, %get3A_85, %lt3A_86 : vector<16xf32>
    %select_n3A_88 = arith.select %lt3A_87, %add3A_51, %mul3A_55 : vector<16xi1>, vector<16xi32>
    %add3A_89 = arith.addi %add3A_82, %select_n3A_88 : vector<16xi32>
    %get3A_90 = arith.constant 64 : index
    %get3A_91 = tpu.vector_load %arg7[%get3A_90] {strides = array<i32>} : memref<1024xf32, #tpu.memory_space<vmem>>, vector<16xf32>,
    %get3A_92 = vector.shape_cast %get3A_91 : vector<16xf32> to vector<16xf32>
    %lt3A_93 = vector.broadcast %squeeze3A : f32 to vector<16xf32>
    %lt3A_94 = arith.cmpf olt, %get3A_92, %lt3A_93 : vector<16xf32>
    %select_n3A_95 = arith.select %lt3A_94, %add3A_51, %mul3A_55 : vector<16xi1>, vector<16xi32>
    %add3A_96 = arith.addi %add3A_89, %select_n3A_95 : vector<16xi32>
    %get3A_97 = arith.constant 80 : index
    %get3A_98 = tpu.vector_load %arg7[%get3A_97] {strides = array<i32>} : memref<1024xf32, #tpu.memory_space<vmem>>, vector<16xf32>,
    %get3A_99 = vector.shape_cast %get3A_98 : vector<16xf32> to vector<16xf32>
    %lt3A_100 = vector.broadcast %squeeze3A : f32 to vector<16xf32>
    %lt3A_101 = arith.cmpf olt, %get3A_99, %lt3A_100 : vector<16xf32>
    %select_n3A_102 = arith.select %lt3A_101, %add3A_51, %mul3A_55 : vector<16xi1>, vector<16xi32>
    %add3A_103 = arith.addi %add3A_96, %select_n3A_102 : vector<16xi32>
    %get3A_104 = arith.constant 96 : index
    %get3A_105 = tpu.vector_load %arg7[%get3A_104] {strides = array<i32>} : memref<1024xf32, #tpu.memory_space<vmem>>, vector<16xf32>,
    %get3A_106 = vector.shape_cast %get3A_105 : vector<16xf32> to vector<16xf32>
    %lt3A_107 = vector.broadcast %squeeze3A : f32 to vector<16xf32>
    %lt3A_108 = arith.cmpf olt, %get3A_106, %lt3A_107 : vector<16xf32>
    %select_n3A_109 = arith.select %lt3A_108, %add3A_51, %mul3A_55 : vector<16xi1>, vector<16xi32>
    %add3A_110 = arith.addi %add3A_103, %select_n3A_109 : vector<16xi32>
    %get3A_111 = arith.constant 112 : index
    %get3A_112 = tpu.vector_load %arg7[%get3A_111] {strides = array<i32>} : memref<1024xf32, #tpu.memory_space<vmem>>, vector<16xf32>,
    %get3A_113 = vector.shape_cast %get3A_112 : vector<16xf32> to vector<16xf32>
    %lt3A_114 = vector.broadcast %squeeze3A : f32 to vector<16xf32>
    %lt3A_115 = arith.cmpf olt, %get3A_113, %lt3A_114 : vector<16xf32>
    %select_n3A_116 = arith.select %lt3A_115, %add3A_51, %mul3A_55 : vector<16xi1>, vector<16xi32>
    %add3A_117 = arith.addi %add3A_110, %select_n3A_116 : vector<16xi32>
    %get3A_118 = arith.constant 128 : index
    %get3A_119 = tpu.vector_load %arg7[%get3A_118] {strides = array<i32>} : memref<1024xf32, #tpu.memory_space<vmem>>, vector<16xf32>,
    %get3A_120 = vector.shape_cast %get3A_119 : vector<16xf32> to vector<16xf32>
    %lt3A_121 = vector.broadcast %squeeze3A : f32 to vector<16xf32>
    %lt3A_122 = arith.cmpf olt, %get3A_120, %lt3A_121 : vector<16xf32>
    %select_n3A_123 = arith.select %lt3A_122, %add3A_51, %mul3A_55 : vector<16xi1>, vector<16xi32>
    %add3A_124 = arith.addi %add3A_117, %select_n3A_123 : vector<16xi32>
    %get3A_125 = arith.constant 144 : index
    %get3A_126 = tpu.vector_load %arg7[%get3A_125] {strides = array<i32>} : memref<1024xf32, #tpu.memory_space<vmem>>, vector<16xf32>,
    %get3A_127 = vector.shape_cast %get3A_126 : vector<16xf32> to vector<16xf32>
    %lt3A_128 = vector.broadcast %squeeze3A : f32 to vector<16xf32>
    %lt3A_129 = arith.cmpf olt, %get3A_127, %lt3A_128 : vector<16xf32>
    %select_n3A_130 = arith.select %lt3A_129, %add3A_51, %mul3A_55 : vector<16xi1>, vector<16xi32>
    %add3A_131 = arith.addi %add3A_124, %select_n3A_130 : vector<16xi32>
    %get3A_132 = arith.constant 160 : index
    %get3A_133 = tpu.vector_load %arg7[%get3A_132] {strides = array<i32>} : memref<1024xf32, #tpu.memory_space<vmem>>, vector<16xf32>,
    %get3A_134 = vector.shape_cast %get3A_133 : vector<16xf32> to vector<16xf32>
    %lt3A_135 = vector.broadcast %squeeze3A : f32 to vector<16xf32>
    %lt3A_136 = arith.cmpf olt, %get3A_134, %lt3A_135 : vector<16xf32>
    %select_n3A_137 = arith.select %lt3A_136, %add3A_51, %mul3A_55 : vector<16xi1>, vector<16xi32>
    %add3A_138 = arith.addi %add3A_131, %select_n3A_137 : vector<16xi32>
    %get3A_139 = arith.constant 176 : index
    %get3A_140 = tpu.vector_load %arg7[%get3A_139] {strides = array<i32>} : memref<1024xf32, #tpu.memory_space<vmem>>, vector<16xf32>,
    %get3A_141 = vector.shape_cast %get3A_140 : vector<16xf32> to vector<16xf32>
    %lt3A_142 = vector.broadcast %squeeze3A : f32 to vector<16xf32>
    %lt3A_143 = arith.cmpf olt, %get3A_141, %lt3A_142 : vector<16xf32>
    %select_n3A_144 = arith.select %lt3A_143, %add3A_51, %mul3A_55 : vector<16xi1>, vector<16xi32>
    %add3A_145 = arith.addi %add3A_138, %select_n3A_144 : vector<16xi32>
    %get3A_146 = arith.constant 192 : index
    %get3A_147 = tpu.vector_load %arg7[%get3A_146] {strides = array<i32>} : memref<1024xf32, #tpu.memory_space<vmem>>, vector<16xf32>,
    %get3A_148 = vector.shape_cast %get3A_147 : vector<16xf32> to vector<16xf32>
    %lt3A_149 = vector.broadcast %squeeze3A : f32 to vector<16xf32>
    %lt3A_150 = arith.cmpf olt, %get3A_148, %lt3A_149 : vector<16xf32>
    %select_n3A_151 = arith.select %lt3A_150, %add3A_51, %mul3A_55 : vector<16xi1>, vector<16xi32>
    %add3A_152 = arith.addi %add3A_145, %select_n3A_151 : vector<16xi32>
    %get3A_153 = arith.constant 208 : index
    %get3A_154 = tpu.vector_load %arg7[%get3A_153] {strides = array<i32>} : memref<1024xf32, #tpu.memory_space<vmem>>, vector<16xf32>,
    %get3A_155 = vector.shape_cast %get3A_154 : vector<16xf32> to vector<16xf32>
    %lt3A_156 = vector.broadcast %squeeze3A : f32 to vector<16xf32>
    %lt3A_157 = arith.cmpf olt, %get3A_155, %lt3A_156 : vector<16xf32>
    %select_n3A_158 = arith.select %lt3A_157, %add3A_51, %mul3A_55 : vector<16xi1>, vector<16xi32>
    %add3A_159 = arith.addi %add3A_152, %select_n3A_158 : vector<16xi32>
    %get3A_160 = arith.constant 224 : index
    %get3A_161 = tpu.vector_load %arg7[%get3A_160] {strides = array<i32>} : memref<1024xf32, #tpu.memory_space<vmem>>, vector<16xf32>,
    %get3A_162 = vector.shape_cast %get3A_161 : vector<16xf32> to vector<16xf32>
    %lt3A_163 = vector.broadcast %squeeze3A : f32 to vector<16xf32>
    %lt3A_164 = arith.cmpf olt, %get3A_162, %lt3A_163 : vector<16xf32>
    %select_n3A_165 = arith.select %lt3A_164, %add3A_51, %mul3A_55 : vector<16xi1>, vector<16xi32>
    %add3A_166 = arith.addi %add3A_159, %select_n3A_165 : vector<16xi32>
    %get3A_167 = arith.constant 240 : index
    %get3A_168 = tpu.vector_load %arg7[%get3A_167] {strides = array<i32>} : memref<1024xf32, #tpu.memory_space<vmem>>, vector<16xf32>,
    %get3A_169 = vector.shape_cast %get3A_168 : vector<16xf32> to vector<16xf32>
    %lt3A_170 = vector.broadcast %squeeze3A : f32 to vector<16xf32>
    %lt3A_171 = arith.cmpf olt, %get3A_169, %lt3A_170 : vector<16xf32>
    %select_n3A_172 = arith.select %lt3A_171, %add3A_51, %mul3A_55 : vector<16xi1>, vector<16xi32>
    %add3A_173 = arith.addi %add3A_166, %select_n3A_172 : vector<16xi32>
    %get3A_174 = arith.constant 256 : index
    %get3A_175 = tpu.vector_load %arg7[%get3A_174] {strides = array<i32>} : memref<1024xf32, #tpu.memory_space<vmem>>, vector<16xf32>,
    %get3A_176 = vector.shape_cast %get3A_175 : vector<16xf32> to vector<16xf32>
    %lt3A_177 = vector.broadcast %squeeze3A : f32 to vector<16xf32>
    %lt3A_178 = arith.cmpf olt, %get3A_176, %lt3A_177 : vector<16xf32>
    %select_n3A_179 = arith.select %lt3A_178, %add3A_51, %mul3A_55 : vector<16xi1>, vector<16xi32>
    %add3A_180 = arith.addi %add3A_173, %select_n3A_179 : vector<16xi32>
    %get3A_181 = arith.constant 272 : index
    %get3A_182 = tpu.vector_load %arg7[%get3A_181] {strides = array<i32>} : memref<1024xf32, #tpu.memory_space<vmem>>, vector<16xf32>,
    %get3A_183 = vector.shape_cast %get3A_182 : vector<16xf32> to vector<16xf32>
    %lt3A_184 = vector.broadcast %squeeze3A : f32 to vector<16xf32>
    %lt3A_185 = arith.cmpf olt, %get3A_183, %lt3A_184 : vector<16xf32>
    %select_n3A_186 = arith.select %lt3A_185, %add3A_51, %mul3A_55 : vector<16xi1>, vector<16xi32>
    %add3A_187 = arith.addi %add3A_180, %select_n3A_186 : vector<16xi32>
    %get3A_188 = arith.constant 288 : index
    %get3A_189 = tpu.vector_load %arg7[%get3A_188] {strides = array<i32>} : memref<1024xf32, #tpu.memory_space<vmem>>, vector<16xf32>,
    %get3A_190 = vector.shape_cast %get3A_189 : vector<16xf32> to vector<16xf32>
    %lt3A_191 = vector.broadcast %squeeze3A : f32 to vector<16xf32>
    %lt3A_192 = arith.cmpf olt, %get3A_190, %lt3A_191 : vector<16xf32>
    %select_n3A_193 = arith.select %lt3A_192, %add3A_51, %mul3A_55 : vector<16xi1>, vector<16xi32>
    %add3A_194 = arith.addi %add3A_187, %select_n3A_193 : vector<16xi32>
    %get3A_195 = arith.constant 304 : index
    %get3A_196 = tpu.vector_load %arg7[%get3A_195] {strides = array<i32>} : memref<1024xf32, #tpu.memory_space<vmem>>, vector<16xf32>,
    %get3A_197 = vector.shape_cast %get3A_196 : vector<16xf32> to vector<16xf32>
    %lt3A_198 = vector.broadcast %squeeze3A : f32 to vector<16xf32>
    %lt3A_199 = arith.cmpf olt, %get3A_197, %lt3A_198 : vector<16xf32>
    %select_n3A_200 = arith.select %lt3A_199, %add3A_51, %mul3A_55 : vector<16xi1>, vector<16xi32>
    %add3A_201 = arith.addi %add3A_194, %select_n3A_200 : vector<16xi32>
    %get3A_202 = arith.constant 320 : index
    %get3A_203 = tpu.vector_load %arg7[%get3A_202] {strides = array<i32>} : memref<1024xf32, #tpu.memory_space<vmem>>, vector<16xf32>,
    %get3A_204 = vector.shape_cast %get3A_203 : vector<16xf32> to vector<16xf32>
    %lt3A_205 = vector.broadcast %squeeze3A : f32 to vector<16xf32>
    %lt3A_206 = arith.cmpf olt, %get3A_204, %lt3A_205 : vector<16xf32>
    %select_n3A_207 = arith.select %lt3A_206, %add3A_51, %mul3A_55 : vector<16xi1>, vector<16xi32>
    %add3A_208 = arith.addi %add3A_201, %select_n3A_207 : vector<16xi32>
    %get3A_209 = arith.constant 336 : index
    %get3A_210 = tpu.vector_load %arg7[%get3A_209] {strides = array<i32>} : memref<1024xf32, #tpu.memory_space<vmem>>, vector<16xf32>,
    %get3A_211 = vector.shape_cast %get3A_210 : vector<16xf32> to vector<16xf32>
    %lt3A_212 = vector.broadcast %squeeze3A : f32 to vector<16xf32>
    %lt3A_213 = arith.cmpf olt, %get3A_211, %lt3A_212 : vector<16xf32>
    %select_n3A_214 = arith.select %lt3A_213, %add3A_51, %mul3A_55 : vector<16xi1>, vector<16xi32>
    %add3A_215 = arith.addi %add3A_208, %select_n3A_214 : vector<16xi32>
    %get3A_216 = arith.constant 352 : index
    %get3A_217 = tpu.vector_load %arg7[%get3A_216] {strides = array<i32>} : memref<1024xf32, #tpu.memory_space<vmem>>, vector<16xf32>,
    %get3A_218 = vector.shape_cast %get3A_217 : vector<16xf32> to vector<16xf32>
    %lt3A_219 = vector.broadcast %squeeze3A : f32 to vector<16xf32>
    %lt3A_220 = arith.cmpf olt, %get3A_218, %lt3A_219 : vector<16xf32>
    %select_n3A_221 = arith.select %lt3A_220, %add3A_51, %mul3A_55 : vector<16xi1>, vector<16xi32>
    %add3A_222 = arith.addi %add3A_215, %select_n3A_221 : vector<16xi32>
    %get3A_223 = arith.constant 368 : index
    %get3A_224 = tpu.vector_load %arg7[%get3A_223] {strides = array<i32>} : memref<1024xf32, #tpu.memory_space<vmem>>, vector<16xf32>,
    %get3A_225 = vector.shape_cast %get3A_224 : vector<16xf32> to vector<16xf32>
    %lt3A_226 = vector.broadcast %squeeze3A : f32 to vector<16xf32>
    %lt3A_227 = arith.cmpf olt, %get3A_225, %lt3A_226 : vector<16xf32>
    %select_n3A_228 = arith.select %lt3A_227, %add3A_51, %mul3A_55 : vector<16xi1>, vector<16xi32>
    %add3A_229 = arith.addi %add3A_222, %select_n3A_228 : vector<16xi32>
    %get3A_230 = arith.constant 384 : index
    %get3A_231 = tpu.vector_load %arg7[%get3A_230] {strides = array<i32>} : memref<1024xf32, #tpu.memory_space<vmem>>, vector<16xf32>,
    %get3A_232 = vector.shape_cast %get3A_231 : vector<16xf32> to vector<16xf32>
    %lt3A_233 = vector.broadcast %squeeze3A : f32 to vector<16xf32>
    %lt3A_234 = arith.cmpf olt, %get3A_232, %lt3A_233 : vector<16xf32>
    %select_n3A_235 = arith.select %lt3A_234, %add3A_51, %mul3A_55 : vector<16xi1>, vector<16xi32>
    %add3A_236 = arith.addi %add3A_229, %select_n3A_235 : vector<16xi32>
    %get3A_237 = arith.constant 400 : index
    %get3A_238 = tpu.vector_load %arg7[%get3A_237] {strides = array<i32>} : memref<1024xf32, #tpu.memory_space<vmem>>, vector<16xf32>,
    %get3A_239 = vector.shape_cast %get3A_238 : vector<16xf32> to vector<16xf32>
    %lt3A_240 = vector.broadcast %squeeze3A : f32 to vector<16xf32>
    %lt3A_241 = arith.cmpf olt, %get3A_239, %lt3A_240 : vector<16xf32>
    %select_n3A_242 = arith.select %lt3A_241, %add3A_51, %mul3A_55 : vector<16xi1>, vector<16xi32>
    %add3A_243 = arith.addi %add3A_236, %select_n3A_242 : vector<16xi32>
    %get3A_244 = arith.constant 416 : index
    %get3A_245 = tpu.vector_load %arg7[%get3A_244] {strides = array<i32>} : memref<1024xf32, #tpu.memory_space<vmem>>, vector<16xf32>,
    %get3A_246 = vector.shape_cast %get3A_245 : vector<16xf32> to vector<16xf32>
    %lt3A_247 = vector.broadcast %squeeze3A : f32 to vector<16xf32>
    %lt3A_248 = arith.cmpf olt, %get3A_246, %lt3A_247 : vector<16xf32>
    %select_n3A_249 = arith.select %lt3A_248, %add3A_51, %mul3A_55 : vector<16xi1>, vector<16xi32>
    %add3A_250 = arith.addi %add3A_243, %select_n3A_249 : vector<16xi32>
    %get3A_251 = arith.constant 432 : index
    %get3A_252 = tpu.vector_load %arg7[%get3A_251] {strides = array<i32>} : memref<1024xf32, #tpu.memory_space<vmem>>, vector<16xf32>,
    %get3A_253 = vector.shape_cast %get3A_252 : vector<16xf32> to vector<16xf32>
    %lt3A_254 = vector.broadcast %squeeze3A : f32 to vector<16xf32>
    %lt3A_255 = arith.cmpf olt, %get3A_253, %lt3A_254 : vector<16xf32>
    %select_n3A_256 = arith.select %lt3A_255, %add3A_51, %mul3A_55 : vector<16xi1>, vector<16xi32>
    %add3A_257 = arith.addi %add3A_250, %select_n3A_256 : vector<16xi32>
    %get3A_258 = arith.constant 448 : index
    %get3A_259 = tpu.vector_load %arg7[%get3A_258] {strides = array<i32>} : memref<1024xf32, #tpu.memory_space<vmem>>, vector<16xf32>,
    %get3A_260 = vector.shape_cast %get3A_259 : vector<16xf32> to vector<16xf32>
    %lt3A_261 = vector.broadcast %squeeze3A : f32 to vector<16xf32>
    %lt3A_262 = arith.cmpf olt, %get3A_260, %lt3A_261 : vector<16xf32>
    %select_n3A_263 = arith.select %lt3A_262, %add3A_51, %mul3A_55 : vector<16xi1>, vector<16xi32>
    %add3A_264 = arith.addi %add3A_257, %select_n3A_263 : vector<16xi32>
    %get3A_265 = arith.constant 464 : index
    %get3A_266 = tpu.vector_load %arg7[%get3A_265] {strides = array<i32>} : memref<1024xf32, #tpu.memory_space<vmem>>, vector<16xf32>,
    %get3A_267 = vector.shape_cast %get3A_266 : vector<16xf32> to vector<16xf32>
    %lt3A_268 = vector.broadcast %squeeze3A : f32 to vector<16xf32>
    %lt3A_269 = arith.cmpf olt, %get3A_267, %lt3A_268 : vector<16xf32>
    %select_n3A_270 = arith.select %lt3A_269, %add3A_51, %mul3A_55 : vector<16xi1>, vector<16xi32>
    %add3A_271 = arith.addi %add3A_264, %select_n3A_270 : vector<16xi32>
    %get3A_272 = arith.constant 480 : index
    %get3A_273 = tpu.vector_load %arg7[%get3A_272] {strides = array<i32>} : memref<1024xf32, #tpu.memory_space<vmem>>, vector<16xf32>,
    %get3A_274 = vector.shape_cast %get3A_273 : vector<16xf32> to vector<16xf32>
    %lt3A_275 = vector.broadcast %squeeze3A : f32 to vector<16xf32>
    %lt3A_276 = arith.cmpf olt, %get3A_274, %lt3A_275 : vector<16xf32>
    %select_n3A_277 = arith.select %lt3A_276, %add3A_51, %mul3A_55 : vector<16xi1>, vector<16xi32>
    %add3A_278 = arith.addi %add3A_271, %select_n3A_277 : vector<16xi32>
    %get3A_279 = arith.constant 496 : index
    %get3A_280 = tpu.vector_load %arg7[%get3A_279] {strides = array<i32>} : memref<1024xf32, #tpu.memory_space<vmem>>, vector<16xf32>,
    %get3A_281 = vector.shape_cast %get3A_280 : vector<16xf32> to vector<16xf32>
    %lt3A_282 = vector.broadcast %squeeze3A : f32 to vector<16xf32>
    %lt3A_283 = arith.cmpf olt, %get3A_281, %lt3A_282 : vector<16xf32>
    %select_n3A_284 = arith.select %lt3A_283, %add3A_51, %mul3A_55 : vector<16xi1>, vector<16xi32>
    %add3A_285 = arith.addi %add3A_278, %select_n3A_284 : vector<16xi32>
    %dma_wait3A_286 = arith.constant 512 : i32
    %dma_wait3A_287 = tpu.memref_slice %arg7[%dma_wait3A_286] : memref<1024xf32, #tpu.memory_space<vmem>> -> memref<512xf32, #tpu.memory_space<vmem>>
    %dma_wait3A_288 = arith.constant 512 : i32
    %dma_wait3A_289 = tpu.memref_slice %arg4[%dma_wait3A_288] : memref<1024xf32, #tpu.memory_space<hbm>> -> memref<512xf32, #tpu.memory_space<hbm>>
    %dma_wait3A_290 = arith.constant 512 : i32
    %dma_wait3A_291 = tpu.memref_slice %arg7[%dma_wait3A_290] : memref<1024xf32, #tpu.memory_space<vmem>> -> memref<512xf32, #tpu.memory_space<vmem>>
    %dma_wait3A_292 = arith.constant 512 : i32
    %dma_wait3A_293 = tpu.memref_slice %arg4[%dma_wait3A_292] : memref<1024xf32, #tpu.memory_space<hbm>> -> memref<512xf32, #tpu.memory_space<hbm>>
    tpu.wait_dma2 semaphore(%arg18 : memref<!tpu.dma_semaphore, #tpu.memory_space<semaphore_mem>>) src(%dma_wait3A_293 : memref<512xf32, #tpu.memory_space<hbm>>) dst(%dma_wait3A_291 : memref<512xf32, #tpu.memory_space<vmem>>)
    %get3A_294 = arith.constant 512 : index
    %get3A_295 = tpu.vector_load %arg7[%get3A_294] {strides = array<i32>} : memref<1024xf32, #tpu.memory_space<vmem>>, vector<16xf32>,
    %get3A_296 = vector.shape_cast %get3A_295 : vector<16xf32> to vector<16xf32>
    %lt3A_297 = vector.broadcast %squeeze3A : f32 to vector<16xf32>
    %lt3A_298 = arith.cmpf olt, %get3A_296, %lt3A_297 : vector<16xf32>
    %select_n3A_299 = arith.select %lt3A_298, %add3A_51, %mul3A_55 : vector<16xi1>, vector<16xi32>
    %add3A_300 = arith.addi %add3A_285, %select_n3A_299 : vector<16xi32>
    %get3A_301 = arith.constant 528 : index
    %get3A_302 = tpu.vector_load %arg7[%get3A_301] {strides = array<i32>} : memref<1024xf32, #tpu.memory_space<vmem>>, vector<16xf32>,
    %get3A_303 = vector.shape_cast %get3A_302 : vector<16xf32> to vector<16xf32>
    %lt3A_304 = vector.broadcast %squeeze3A : f32 to vector<16xf32>
    %lt3A_305 = arith.cmpf olt, %get3A_303, %lt3A_304 : vector<16xf32>
    %select_n3A_306 = arith.select %lt3A_305, %add3A_51, %mul3A_55 : vector<16xi1>, vector<16xi32>
    %add3A_307 = arith.addi %add3A_300, %select_n3A_306 : vector<16xi32>
    %get3A_308 = arith.constant 544 : index
    %get3A_309 = tpu.vector_load %arg7[%get3A_308] {strides = array<i32>} : memref<1024xf32, #tpu.memory_space<vmem>>, vector<16xf32>,
    %get3A_310 = vector.shape_cast %get3A_309 : vector<16xf32> to vector<16xf32>
    %lt3A_311 = vector.broadcast %squeeze3A : f32 to vector<16xf32>
    %lt3A_312 = arith.cmpf olt, %get3A_310, %lt3A_311 : vector<16xf32>
    %select_n3A_313 = arith.select %lt3A_312, %add3A_51, %mul3A_55 : vector<16xi1>, vector<16xi32>
    %add3A_314 = arith.addi %add3A_307, %select_n3A_313 : vector<16xi32>
    %get3A_315 = arith.constant 560 : index
    %get3A_316 = tpu.vector_load %arg7[%get3A_315] {strides = array<i32>} : memref<1024xf32, #tpu.memory_space<vmem>>, vector<16xf32>,
    %get3A_317 = vector.shape_cast %get3A_316 : vector<16xf32> to vector<16xf32>
    %lt3A_318 = vector.broadcast %squeeze3A : f32 to vector<16xf32>
    %lt3A_319 = arith.cmpf olt, %get3A_317, %lt3A_318 : vector<16xf32>
    %select_n3A_320 = arith.select %lt3A_319, %add3A_51, %mul3A_55 : vector<16xi1>, vector<16xi32>
    %add3A_321 = arith.addi %add3A_314, %select_n3A_320 : vector<16xi32>
    %get3A_322 = arith.constant 576 : index
    %get3A_323 = tpu.vector_load %arg7[%get3A_322] {strides = array<i32>} : memref<1024xf32, #tpu.memory_space<vmem>>, vector<16xf32>,
    %get3A_324 = vector.shape_cast %get3A_323 : vector<16xf32> to vector<16xf32>
    %lt3A_325 = vector.broadcast %squeeze3A : f32 to vector<16xf32>
    %lt3A_326 = arith.cmpf olt, %get3A_324, %lt3A_325 : vector<16xf32>
    %select_n3A_327 = arith.select %lt3A_326, %add3A_51, %mul3A_55 : vector<16xi1>, vector<16xi32>
    %add3A_328 = arith.addi %add3A_321, %select_n3A_327 : vector<16xi32>
    %get3A_329 = arith.constant 592 : index
    %get3A_330 = tpu.vector_load %arg7[%get3A_329] {strides = array<i32>} : memref<1024xf32, #tpu.memory_space<vmem>>, vector<16xf32>,
    %get3A_331 = vector.shape_cast %get3A_330 : vector<16xf32> to vector<16xf32>
    %lt3A_332 = vector.broadcast %squeeze3A : f32 to vector<16xf32>
    %lt3A_333 = arith.cmpf olt, %get3A_331, %lt3A_332 : vector<16xf32>
    %select_n3A_334 = arith.select %lt3A_333, %add3A_51, %mul3A_55 : vector<16xi1>, vector<16xi32>
    %add3A_335 = arith.addi %add3A_328, %select_n3A_334 : vector<16xi32>
    %get3A_336 = arith.constant 608 : index
    %get3A_337 = tpu.vector_load %arg7[%get3A_336] {strides = array<i32>} : memref<1024xf32, #tpu.memory_space<vmem>>, vector<16xf32>,
    %get3A_338 = vector.shape_cast %get3A_337 : vector<16xf32> to vector<16xf32>
    %lt3A_339 = vector.broadcast %squeeze3A : f32 to vector<16xf32>
    %lt3A_340 = arith.cmpf olt, %get3A_338, %lt3A_339 : vector<16xf32>
    %select_n3A_341 = arith.select %lt3A_340, %add3A_51, %mul3A_55 : vector<16xi1>, vector<16xi32>
    %add3A_342 = arith.addi %add3A_335, %select_n3A_341 : vector<16xi32>
    %get3A_343 = arith.constant 624 : index
    %get3A_344 = tpu.vector_load %arg7[%get3A_343] {strides = array<i32>} : memref<1024xf32, #tpu.memory_space<vmem>>, vector<16xf32>,
    %get3A_345 = vector.shape_cast %get3A_344 : vector<16xf32> to vector<16xf32>
    %lt3A_346 = vector.broadcast %squeeze3A : f32 to vector<16xf32>
    %lt3A_347 = arith.cmpf olt, %get3A_345, %lt3A_346 : vector<16xf32>
    %select_n3A_348 = arith.select %lt3A_347, %add3A_51, %mul3A_55 : vector<16xi1>, vector<16xi32>
    %add3A_349 = arith.addi %add3A_342, %select_n3A_348 : vector<16xi32>
    %get3A_350 = arith.constant 640 : index
    %get3A_351 = tpu.vector_load %arg7[%get3A_350] {strides = array<i32>} : memref<1024xf32, #tpu.memory_space<vmem>>, vector<16xf32>,
    %get3A_352 = vector.shape_cast %get3A_351 : vector<16xf32> to vector<16xf32>
    %lt3A_353 = vector.broadcast %squeeze3A : f32 to vector<16xf32>
    %lt3A_354 = arith.cmpf olt, %get3A_352, %lt3A_353 : vector<16xf32>
    %select_n3A_355 = arith.select %lt3A_354, %add3A_51, %mul3A_55 : vector<16xi1>, vector<16xi32>
    %add3A_356 = arith.addi %add3A_349, %select_n3A_355 : vector<16xi32>
    %get3A_357 = arith.constant 656 : index
    %get3A_358 = tpu.vector_load %arg7[%get3A_357] {strides = array<i32>} : memref<1024xf32, #tpu.memory_space<vmem>>, vector<16xf32>,
    %get3A_359 = vector.shape_cast %get3A_358 : vector<16xf32> to vector<16xf32>
    %lt3A_360 = vector.broadcast %squeeze3A : f32 to vector<16xf32>
    %lt3A_361 = arith.cmpf olt, %get3A_359, %lt3A_360 : vector<16xf32>
    %select_n3A_362 = arith.select %lt3A_361, %add3A_51, %mul3A_55 : vector<16xi1>, vector<16xi32>
    %add3A_363 = arith.addi %add3A_356, %select_n3A_362 : vector<16xi32>
    %get3A_364 = arith.constant 672 : index
    %get3A_365 = tpu.vector_load %arg7[%get3A_364] {strides = array<i32>} : memref<1024xf32, #tpu.memory_space<vmem>>, vector<16xf32>,
    %get3A_366 = vector.shape_cast %get3A_365 : vector<16xf32> to vector<16xf32>
    %lt3A_367 = vector.broadcast %squeeze3A : f32 to vector<16xf32>
    %lt3A_368 = arith.cmpf olt, %get3A_366, %lt3A_367 : vector<16xf32>
    %select_n3A_369 = arith.select %lt3A_368, %add3A_51, %mul3A_55 : vector<16xi1>, vector<16xi32>
    %add3A_370 = arith.addi %add3A_363, %select_n3A_369 : vector<16xi32>
    %get3A_371 = arith.constant 688 : index
    %get3A_372 = tpu.vector_load %arg7[%get3A_371] {strides = array<i32>} : memref<1024xf32, #tpu.memory_space<vmem>>, vector<16xf32>,
    %get3A_373 = vector.shape_cast %get3A_372 : vector<16xf32> to vector<16xf32>
    %lt3A_374 = vector.broadcast %squeeze3A : f32 to vector<16xf32>
    %lt3A_375 = arith.cmpf olt, %get3A_373, %lt3A_374 : vector<16xf32>
    %select_n3A_376 = arith.select %lt3A_375, %add3A_51, %mul3A_55 : vector<16xi1>, vector<16xi32>
    %add3A_377 = arith.addi %add3A_370, %select_n3A_376 : vector<16xi32>
    %get3A_378 = arith.constant 704 : index
    %get3A_379 = tpu.vector_load %arg7[%get3A_378] {strides = array<i32>} : memref<1024xf32, #tpu.memory_space<vmem>>, vector<16xf32>,
    %get3A_380 = vector.shape_cast %get3A_379 : vector<16xf32> to vector<16xf32>
    %lt3A_381 = vector.broadcast %squeeze3A : f32 to vector<16xf32>
    %lt3A_382 = arith.cmpf olt, %get3A_380, %lt3A_381 : vector<16xf32>
    %select_n3A_383 = arith.select %lt3A_382, %add3A_51, %mul3A_55 : vector<16xi1>, vector<16xi32>
    %add3A_384 = arith.addi %add3A_377, %select_n3A_383 : vector<16xi32>
    %get3A_385 = arith.constant 720 : index
    %get3A_386 = tpu.vector_load %arg7[%get3A_385] {strides = array<i32>} : memref<1024xf32, #tpu.memory_space<vmem>>, vector<16xf32>,
    %get3A_387 = vector.shape_cast %get3A_386 : vector<16xf32> to vector<16xf32>
    %lt3A_388 = vector.broadcast %squeeze3A : f32 to vector<16xf32>
    %lt3A_389 = arith.cmpf olt, %get3A_387, %lt3A_388 : vector<16xf32>
    %select_n3A_390 = arith.select %lt3A_389, %add3A_51, %mul3A_55 : vector<16xi1>, vector<16xi32>
    %add3A_391 = arith.addi %add3A_384, %select_n3A_390 : vector<16xi32>
    %get3A_392 = arith.constant 736 : index
    %get3A_393 = tpu.vector_load %arg7[%get3A_392] {strides = array<i32>} : memref<1024xf32, #tpu.memory_space<vmem>>, vector<16xf32>,
    %get3A_394 = vector.shape_cast %get3A_393 : vector<16xf32> to vector<16xf32>
    %lt3A_395 = vector.broadcast %squeeze3A : f32 to vector<16xf32>
    %lt3A_396 = arith.cmpf olt, %get3A_394, %lt3A_395 : vector<16xf32>
    %select_n3A_397 = arith.select %lt3A_396, %add3A_51, %mul3A_55 : vector<16xi1>, vector<16xi32>
    %add3A_398 = arith.addi %add3A_391, %select_n3A_397 : vector<16xi32>
    %get3A_399 = arith.constant 752 : index
    %get3A_400 = tpu.vector_load %arg7[%get3A_399] {strides = array<i32>} : memref<1024xf32, #tpu.memory_space<vmem>>, vector<16xf32>,
    %get3A_401 = vector.shape_cast %get3A_400 : vector<16xf32> to vector<16xf32>
    %lt3A_402 = vector.broadcast %squeeze3A : f32 to vector<16xf32>
    %lt3A_403 = arith.cmpf olt, %get3A_401, %lt3A_402 : vector<16xf32>
    %select_n3A_404 = arith.select %lt3A_403, %add3A_51, %mul3A_55 : vector<16xi1>, vector<16xi32>
    %add3A_405 = arith.addi %add3A_398, %select_n3A_404 : vector<16xi32>
    %get3A_406 = arith.constant 768 : index
    %get3A_407 = tpu.vector_load %arg7[%get3A_406] {strides = array<i32>} : memref<1024xf32, #tpu.memory_space<vmem>>, vector<16xf32>,
    %get3A_408 = vector.shape_cast %get3A_407 : vector<16xf32> to vector<16xf32>
    %lt3A_409 = vector.broadcast %squeeze3A : f32 to vector<16xf32>
    %lt3A_410 = arith.cmpf olt, %get3A_408, %lt3A_409 : vector<16xf32>
    %select_n3A_411 = arith.select %lt3A_410, %add3A_51, %mul3A_55 : vector<16xi1>, vector<16xi32>
    %add3A_412 = arith.addi %add3A_405, %select_n3A_411 : vector<16xi32>
    %get3A_413 = arith.constant 784 : index
    %get3A_414 = tpu.vector_load %arg7[%get3A_413] {strides = array<i32>} : memref<1024xf32, #tpu.memory_space<vmem>>, vector<16xf32>,
    %get3A_415 = vector.shape_cast %get3A_414 : vector<16xf32> to vector<16xf32>
    %lt3A_416 = vector.broadcast %squeeze3A : f32 to vector<16xf32>
    %lt3A_417 = arith.cmpf olt, %get3A_415, %lt3A_416 : vector<16xf32>
    %select_n3A_418 = arith.select %lt3A_417, %add3A_51, %mul3A_55 : vector<16xi1>, vector<16xi32>
    %add3A_419 = arith.addi %add3A_412, %select_n3A_418 : vector<16xi32>
    %get3A_420 = arith.constant 800 : index
    %get3A_421 = tpu.vector_load %arg7[%get3A_420] {strides = array<i32>} : memref<1024xf32, #tpu.memory_space<vmem>>, vector<16xf32>,
    %get3A_422 = vector.shape_cast %get3A_421 : vector<16xf32> to vector<16xf32>
    %lt3A_423 = vector.broadcast %squeeze3A : f32 to vector<16xf32>
    %lt3A_424 = arith.cmpf olt, %get3A_422, %lt3A_423 : vector<16xf32>
    %select_n3A_425 = arith.select %lt3A_424, %add3A_51, %mul3A_55 : vector<16xi1>, vector<16xi32>
    %add3A_426 = arith.addi %add3A_419, %select_n3A_425 : vector<16xi32>
    %get3A_427 = arith.constant 816 : index
    %get3A_428 = tpu.vector_load %arg7[%get3A_427] {strides = array<i32>} : memref<1024xf32, #tpu.memory_space<vmem>>, vector<16xf32>,
    %get3A_429 = vector.shape_cast %get3A_428 : vector<16xf32> to vector<16xf32>
    %lt3A_430 = vector.broadcast %squeeze3A : f32 to vector<16xf32>
    %lt3A_431 = arith.cmpf olt, %get3A_429, %lt3A_430 : vector<16xf32>
    %select_n3A_432 = arith.select %lt3A_431, %add3A_51, %mul3A_55 : vector<16xi1>, vector<16xi32>
    %add3A_433 = arith.addi %add3A_426, %select_n3A_432 : vector<16xi32>
    %get3A_434 = arith.constant 832 : index
    %get3A_435 = tpu.vector_load %arg7[%get3A_434] {strides = array<i32>} : memref<1024xf32, #tpu.memory_space<vmem>>, vector<16xf32>,
    %get3A_436 = vector.shape_cast %get3A_435 : vector<16xf32> to vector<16xf32>
    %lt3A_437 = vector.broadcast %squeeze3A : f32 to vector<16xf32>
    %lt3A_438 = arith.cmpf olt, %get3A_436, %lt3A_437 : vector<16xf32>
    %select_n3A_439 = arith.select %lt3A_438, %add3A_51, %mul3A_55 : vector<16xi1>, vector<16xi32>
    %add3A_440 = arith.addi %add3A_433, %select_n3A_439 : vector<16xi32>
    %get3A_441 = arith.constant 848 : index
    %get3A_442 = tpu.vector_load %arg7[%get3A_441] {strides = array<i32>} : memref<1024xf32, #tpu.memory_space<vmem>>, vector<16xf32>,
    %get3A_443 = vector.shape_cast %get3A_442 : vector<16xf32> to vector<16xf32>
    %lt3A_444 = vector.broadcast %squeeze3A : f32 to vector<16xf32>
    %lt3A_445 = arith.cmpf olt, %get3A_443, %lt3A_444 : vector<16xf32>
    %select_n3A_446 = arith.select %lt3A_445, %add3A_51, %mul3A_55 : vector<16xi1>, vector<16xi32>
    %add3A_447 = arith.addi %add3A_440, %select_n3A_446 : vector<16xi32>
    %get3A_448 = arith.constant 864 : index
    %get3A_449 = tpu.vector_load %arg7[%get3A_448] {strides = array<i32>} : memref<1024xf32, #tpu.memory_space<vmem>>, vector<16xf32>,
    %get3A_450 = vector.shape_cast %get3A_449 : vector<16xf32> to vector<16xf32>
    %lt3A_451 = vector.broadcast %squeeze3A : f32 to vector<16xf32>
    %lt3A_452 = arith.cmpf olt, %get3A_450, %lt3A_451 : vector<16xf32>
    %select_n3A_453 = arith.select %lt3A_452, %add3A_51, %mul3A_55 : vector<16xi1>, vector<16xi32>
    %add3A_454 = arith.addi %add3A_447, %select_n3A_453 : vector<16xi32>
    %get3A_455 = arith.constant 880 : index
    %get3A_456 = tpu.vector_load %arg7[%get3A_455] {strides = array<i32>} : memref<1024xf32, #tpu.memory_space<vmem>>, vector<16xf32>,
    %get3A_457 = vector.shape_cast %get3A_456 : vector<16xf32> to vector<16xf32>
    %lt3A_458 = vector.broadcast %squeeze3A : f32 to vector<16xf32>
    %lt3A_459 = arith.cmpf olt, %get3A_457, %lt3A_458 : vector<16xf32>
    %select_n3A_460 = arith.select %lt3A_459, %add3A_51, %mul3A_55 : vector<16xi1>, vector<16xi32>
    %add3A_461 = arith.addi %add3A_454, %select_n3A_460 : vector<16xi32>
    %get3A_462 = arith.constant 896 : index
    %get3A_463 = tpu.vector_load %arg7[%get3A_462] {strides = array<i32>} : memref<1024xf32, #tpu.memory_space<vmem>>, vector<16xf32>,
    %get3A_464 = vector.shape_cast %get3A_463 : vector<16xf32> to vector<16xf32>
    %lt3A_465 = vector.broadcast %squeeze3A : f32 to vector<16xf32>
    %lt3A_466 = arith.cmpf olt, %get3A_464, %lt3A_465 : vector<16xf32>
    %select_n3A_467 = arith.select %lt3A_466, %add3A_51, %mul3A_55 : vector<16xi1>, vector<16xi32>
    %add3A_468 = arith.addi %add3A_461, %select_n3A_467 : vector<16xi32>
    %get3A_469 = arith.constant 912 : index
    %get3A_470 = tpu.vector_load %arg7[%get3A_469] {strides = array<i32>} : memref<1024xf32, #tpu.memory_space<vmem>>, vector<16xf32>,
    %get3A_471 = vector.shape_cast %get3A_470 : vector<16xf32> to vector<16xf32>
    %lt3A_472 = vector.broadcast %squeeze3A : f32 to vector<16xf32>
    %lt3A_473 = arith.cmpf olt, %get3A_471, %lt3A_472 : vector<16xf32>
    %select_n3A_474 = arith.select %lt3A_473, %add3A_51, %mul3A_55 : vector<16xi1>, vector<16xi32>
    %add3A_475 = arith.addi %add3A_468, %select_n3A_474 : vector<16xi32>
    %get3A_476 = arith.constant 928 : index
    %get3A_477 = tpu.vector_load %arg7[%get3A_476] {strides = array<i32>} : memref<1024xf32, #tpu.memory_space<vmem>>, vector<16xf32>,
    %get3A_478 = vector.shape_cast %get3A_477 : vector<16xf32> to vector<16xf32>
    %lt3A_479 = vector.broadcast %squeeze3A : f32 to vector<16xf32>
    %lt3A_480 = arith.cmpf olt, %get3A_478, %lt3A_479 : vector<16xf32>
    %select_n3A_481 = arith.select %lt3A_480, %add3A_51, %mul3A_55 : vector<16xi1>, vector<16xi32>
    %add3A_482 = arith.addi %add3A_475, %select_n3A_481 : vector<16xi32>
    %get3A_483 = arith.constant 944 : index
    %get3A_484 = tpu.vector_load %arg7[%get3A_483] {strides = array<i32>} : memref<1024xf32, #tpu.memory_space<vmem>>, vector<16xf32>,
    %get3A_485 = vector.shape_cast %get3A_484 : vector<16xf32> to vector<16xf32>
    %lt3A_486 = vector.broadcast %squeeze3A : f32 to vector<16xf32>
    %lt3A_487 = arith.cmpf olt, %get3A_485, %lt3A_486 : vector<16xf32>
    %select_n3A_488 = arith.select %lt3A_487, %add3A_51, %mul3A_55 : vector<16xi1>, vector<16xi32>
    %add3A_489 = arith.addi %add3A_482, %select_n3A_488 : vector<16xi32>
    %get3A_490 = arith.constant 960 : index
    %get3A_491 = tpu.vector_load %arg7[%get3A_490] {strides = array<i32>} : memref<1024xf32, #tpu.memory_space<vmem>>, vector<16xf32>,
    %get3A_492 = vector.shape_cast %get3A_491 : vector<16xf32> to vector<16xf32>
    %lt3A_493 = vector.broadcast %squeeze3A : f32 to vector<16xf32>
    %lt3A_494 = arith.cmpf olt, %get3A_492, %lt3A_493 : vector<16xf32>
    %select_n3A_495 = arith.select %lt3A_494, %add3A_51, %mul3A_55 : vector<16xi1>, vector<16xi32>
    %add3A_496 = arith.addi %add3A_489, %select_n3A_495 : vector<16xi32>
    %get3A_497 = arith.constant 976 : index
    %get3A_498 = tpu.vector_load %arg7[%get3A_497] {strides = array<i32>} : memref<1024xf32, #tpu.memory_space<vmem>>, vector<16xf32>,
    %get3A_499 = vector.shape_cast %get3A_498 : vector<16xf32> to vector<16xf32>
    %lt3A_500 = vector.broadcast %squeeze3A : f32 to vector<16xf32>
    %lt3A_501 = arith.cmpf olt, %get3A_499, %lt3A_500 : vector<16xf32>
    %select_n3A_502 = arith.select %lt3A_501, %add3A_51, %mul3A_55 : vector<16xi1>, vector<16xi32>
    %add3A_503 = arith.addi %add3A_496, %select_n3A_502 : vector<16xi32>
    %get3A_504 = arith.constant 992 : index
    %get3A_505 = tpu.vector_load %arg7[%get3A_504] {strides = array<i32>} : memref<1024xf32, #tpu.memory_space<vmem>>, vector<16xf32>,
    %get3A_506 = vector.shape_cast %get3A_505 : vector<16xf32> to vector<16xf32>
    %lt3A_507 = vector.broadcast %squeeze3A : f32 to vector<16xf32>
    %lt3A_508 = arith.cmpf olt, %get3A_506, %lt3A_507 : vector<16xf32>
    %select_n3A_509 = arith.select %lt3A_508, %add3A_51, %mul3A_55 : vector<16xi1>, vector<16xi32>
    %add3A_510 = arith.addi %add3A_503, %select_n3A_509 : vector<16xi32>
    %get3A_511 = arith.constant 1008 : index
    %get3A_512 = tpu.vector_load %arg7[%get3A_511] {strides = array<i32>} : memref<1024xf32, #tpu.memory_space<vmem>>, vector<16xf32>,
    %get3A_513 = vector.shape_cast %get3A_512 : vector<16xf32> to vector<16xf32>
    %lt3A_514 = vector.broadcast %squeeze3A : f32 to vector<16xf32>
    %lt3A_515 = arith.cmpf olt, %get3A_513, %lt3A_514 : vector<16xf32>
    %select_n3A_516 = arith.select %lt3A_515, %add3A_51, %mul3A_55 : vector<16xi1>, vector<16xi32>
    %add3A_517 = arith.addi %add3A_510, %select_n3A_516 : vector<16xi32>
    %slice3A_518 = vector.extract_strided_slice %add3A_517 {offsets = [0], sizes = [1], strides = [1]} : vector<16xi32> to vector<1xi32>
    %squeeze3A_519 = vector.extract %slice3A_518[0] : i32 from vector<1xi32>
    %slice3A_520 = vector.extract_strided_slice %add3A_517 {offsets = [1], sizes = [1], strides = [1]} : vector<16xi32> to vector<1xi32>
    %squeeze3A_521 = vector.extract %slice3A_520[0] : i32 from vector<1xi32>
    %add3A_522 = arith.addi %squeeze3A_519, %squeeze3A_521 : i32
    %slice3A_523 = vector.extract_strided_slice %add3A_517 {offsets = [2], sizes = [1], strides = [1]} : vector<16xi32> to vector<1xi32>
    %squeeze3A_524 = vector.extract %slice3A_523[0] : i32 from vector<1xi32>
    %add3A_525 = arith.addi %add3A_522, %squeeze3A_524 : i32
    %slice3A_526 = vector.extract_strided_slice %add3A_517 {offsets = [3], sizes = [1], strides = [1]} : vector<16xi32> to vector<1xi32>
    %squeeze3A_527 = vector.extract %slice3A_526[0] : i32 from vector<1xi32>
    %add3A_528 = arith.addi %add3A_525, %squeeze3A_527 : i32
    %slice3A_529 = vector.extract_strided_slice %add3A_517 {offsets = [4], sizes = [1], strides = [1]} : vector<16xi32> to vector<1xi32>
    %squeeze3A_530 = vector.extract %slice3A_529[0] : i32 from vector<1xi32>
    %add3A_531 = arith.addi %add3A_528, %squeeze3A_530 : i32
    %slice3A_532 = vector.extract_strided_slice %add3A_517 {offsets = [5], sizes = [1], strides = [1]} : vector<16xi32> to vector<1xi32>
    %squeeze3A_533 = vector.extract %slice3A_532[0] : i32 from vector<1xi32>
    %add3A_534 = arith.addi %add3A_531, %squeeze3A_533 : i32
    %slice3A_535 = vector.extract_strided_slice %add3A_517 {offsets = [6], sizes = [1], strides = [1]} : vector<16xi32> to vector<1xi32>
    %squeeze3A_536 = vector.extract %slice3A_535[0] : i32 from vector<1xi32>
    %add3A_537 = arith.addi %add3A_534, %squeeze3A_536 : i32
    %slice3A_538 = vector.extract_strided_slice %add3A_517 {offsets = [7], sizes = [1], strides = [1]} : vector<16xi32> to vector<1xi32>
    %squeeze3A_539 = vector.extract %slice3A_538[0] : i32 from vector<1xi32>
    %add3A_540 = arith.addi %add3A_537, %squeeze3A_539 : i32
    %slice3A_541 = vector.extract_strided_slice %add3A_517 {offsets = [8], sizes = [1], strides = [1]} : vector<16xi32> to vector<1xi32>
    %squeeze3A_542 = vector.extract %slice3A_541[0] : i32 from vector<1xi32>
    %add3A_543 = arith.addi %add3A_540, %squeeze3A_542 : i32
    %slice3A_544 = vector.extract_strided_slice %add3A_517 {offsets = [9], sizes = [1], strides = [1]} : vector<16xi32> to vector<1xi32>
    %squeeze3A_545 = vector.extract %slice3A_544[0] : i32 from vector<1xi32>
    %add3A_546 = arith.addi %add3A_543, %squeeze3A_545 : i32
    %slice3A_547 = vector.extract_strided_slice %add3A_517 {offsets = [10], sizes = [1], strides = [1]} : vector<16xi32> to vector<1xi32>
    %squeeze3A_548 = vector.extract %slice3A_547[0] : i32 from vector<1xi32>
    %add3A_549 = arith.addi %add3A_546, %squeeze3A_548 : i32
    %slice3A_550 = vector.extract_strided_slice %add3A_517 {offsets = [11], sizes = [1], strides = [1]} : vector<16xi32> to vector<1xi32>
    %squeeze3A_551 = vector.extract %slice3A_550[0] : i32 from vector<1xi32>
    %add3A_552 = arith.addi %add3A_549, %squeeze3A_551 : i32
    %slice3A_553 = vector.extract_strided_slice %add3A_517 {offsets = [12], sizes = [1], strides = [1]} : vector<16xi32> to vector<1xi32>
    %squeeze3A_554 = vector.extract %slice3A_553[0] : i32 from vector<1xi32>
    %add3A_555 = arith.addi %add3A_552, %squeeze3A_554 : i32
    %slice3A_556 = vector.extract_strided_slice %add3A_517 {offsets = [13], sizes = [1], strides = [1]} : vector<16xi32> to vector<1xi32>
    %squeeze3A_557 = vector.extract %slice3A_556[0] : i32 from vector<1xi32>
    %add3A_558 = arith.addi %add3A_555, %squeeze3A_557 : i32
    %slice3A_559 = vector.extract_strided_slice %add3A_517 {offsets = [14], sizes = [1], strides = [1]} : vector<16xi32> to vector<1xi32>
    %squeeze3A_560 = vector.extract %slice3A_559[0] : i32 from vector<1xi32>
    %add3A_561 = arith.addi %add3A_558, %squeeze3A_560 : i32
    %slice3A_562 = vector.extract_strided_slice %add3A_517 {offsets = [15], sizes = [1], strides = [1]} : vector<16xi32> to vector<1xi32>
    %squeeze3A_563 = vector.extract %slice3A_562[0] : i32 from vector<1xi32>
    %add3A_564 = arith.addi %add3A_561, %squeeze3A_563 : i32
    %ge3A = arith.constant 1024 : i32
    %ge3A_565 = arith.cmpi sge, %add3A_564, %ge3A : i32
    %max3A = arith.constant 1 : i32
    %max3A_566 = arith.maxsi %add3A_564, %max3A : i32
    %jit3A = arith.constant 1 : i32
    %select_n3A_567 = arith.select %ge3A_565, %jit3A, %max3A_566 : i32
    %dma_wait3A_568 = tpu.memref_slice %arg5[%mul3A_0] : memref<16384xf32, #tpu.memory_space<hbm>> -> memref<1024xf32, #tpu.memory_space<hbm>>
    %dma_wait3A_569 = tpu.memref_slice %arg5[%mul3A_0] : memref<16384xf32, #tpu.memory_space<hbm>> -> memref<1024xf32, #tpu.memory_space<hbm>>
    tpu.wait_dma2 semaphore(%arg15 : memref<!tpu.dma_semaphore, #tpu.memory_space<semaphore_mem>>) src(%dma_wait3A_569 : memref<1024xf32, #tpu.memory_space<hbm>>) dst(%arg9 : memref<1024xf32, #tpu.memory_space<vmem>>)
    %dma_wait3A_570 = arith.constant 0 : i32
    %dma_wait3A_571 = tpu.memref_slice %arg3[%dma_wait3A_570, %mul3A_0] : memref<1024x16384xf32, #tpu.memory_space<hbm>> -> memref<1x1024xf32, #tpu.memory_space<hbm>>
    %dma_wait3A_572 = tpu.memref_squeeze %dma_wait3A_571 : memref<1x1024xf32, #tpu.memory_space<hbm>> -> memref<1024xf32, #tpu.memory_space<hbm>>
    %dma_wait3A_573 = tpu.memref_slice %arg3[%dma_wait3A_570, %mul3A_0] : memref<1024x16384xf32, #tpu.memory_space<hbm>> -> memref<1x1024xf32, #tpu.memory_space<hbm>>
    %dma_wait3A_574 = tpu.memref_squeeze %dma_wait3A_573 : memref<1x1024xf32, #tpu.memory_space<hbm>> -> memref<1024xf32, #tpu.memory_space<hbm>>
    tpu.wait_dma2 semaphore(%arg15 : memref<!tpu.dma_semaphore, #tpu.memory_space<semaphore_mem>>) src(%dma_wait3A_574 : memref<1024xf32, #tpu.memory_space<hbm>>) dst(%arg10 : memref<1024xf32, #tpu.memory_space<vmem>>)
    %dma_wait3A_575 = arith.constant 1 : i32
    %dma_wait3A_576 = tpu.memref_slice %arg3[%dma_wait3A_575, %mul3A_0] : memref<1024x16384xf32, #tpu.memory_space<hbm>> -> memref<1x1024xf32, #tpu.memory_space<hbm>>
    %dma_wait3A_577 = tpu.memref_squeeze %dma_wait3A_576 : memref<1x1024xf32, #tpu.memory_space<hbm>> -> memref<1024xf32, #tpu.memory_space<hbm>>
    %dma_wait3A_578 = tpu.memref_slice %arg3[%dma_wait3A_575, %mul3A_0] : memref<1024x16384xf32, #tpu.memory_space<hbm>> -> memref<1x1024xf32, #tpu.memory_space<hbm>>
    %dma_wait3A_579 = tpu.memref_squeeze %dma_wait3A_578 : memref<1x1024xf32, #tpu.memory_space<hbm>> -> memref<1024xf32, #tpu.memory_space<hbm>>
    tpu.wait_dma2 semaphore(%arg15 : memref<!tpu.dma_semaphore, #tpu.memory_space<semaphore_mem>>) src(%dma_wait3A_579 : memref<1024xf32, #tpu.memory_space<hbm>>) dst(%arg11 : memref<1024xf32, #tpu.memory_space<vmem>>)
    %dma_wait3A_580 = arith.constant 0 : i32
    %dma_wait3A_581 = tpu.memref_slice %arg2[%dma_wait3A_580, %mul3A_0] : memref<1024x16384xf32, #tpu.memory_space<hbm>> -> memref<1x1024xf32, #tpu.memory_space<hbm>>
    %dma_wait3A_582 = tpu.memref_squeeze %dma_wait3A_581 : memref<1x1024xf32, #tpu.memory_space<hbm>> -> memref<1024xf32, #tpu.memory_space<hbm>>
    %dma_wait3A_583 = tpu.memref_slice %arg2[%dma_wait3A_580, %mul3A_0] : memref<1024x16384xf32, #tpu.memory_space<hbm>> -> memref<1x1024xf32, #tpu.memory_space<hbm>>
    %dma_wait3A_584 = tpu.memref_squeeze %dma_wait3A_583 : memref<1x1024xf32, #tpu.memory_space<hbm>> -> memref<1024xf32, #tpu.memory_space<hbm>>
    tpu.wait_dma2 semaphore(%arg15 : memref<!tpu.dma_semaphore, #tpu.memory_space<semaphore_mem>>) src(%dma_wait3A_584 : memref<1024xf32, #tpu.memory_space<hbm>>) dst(%arg12 : memref<1024xf32, #tpu.memory_space<vmem>>)
    %dma_wait3A_585 = arith.constant 1 : i32
    %dma_wait3A_586 = tpu.memref_slice %arg2[%dma_wait3A_585, %mul3A_0] : memref<1024x16384xf32, #tpu.memory_space<hbm>> -> memref<1x1024xf32, #tpu.memory_space<hbm>>
    %dma_wait3A_587 = tpu.memref_squeeze %dma_wait3A_586 : memref<1x1024xf32, #tpu.memory_space<hbm>> -> memref<1024xf32, #tpu.memory_space<hbm>>
    %dma_wait3A_588 = tpu.memref_slice %arg2[%dma_wait3A_585, %mul3A_0] : memref<1024x16384xf32, #tpu.memory_space<hbm>> -> memref<1x1024xf32, #tpu.memory_space<hbm>>
    %dma_wait3A_589 = tpu.memref_squeeze %dma_wait3A_588 : memref<1x1024xf32, #tpu.memory_space<hbm>> -> memref<1024xf32, #tpu.memory_space<hbm>>
    tpu.wait_dma2 semaphore(%arg15 : memref<!tpu.dma_semaphore, #tpu.memory_space<semaphore_mem>>) src(%dma_wait3A_589 : memref<1024xf32, #tpu.memory_space<hbm>>) dst(%arg13 : memref<1024xf32, #tpu.memory_space<vmem>>)
    %ne3A = arith.constant 1 : i32
    %ne3A_590 = arith.cmpi ne, %select_n3A_567, %ne3A : i32
    %convert_element_type3A = arith.extui %ne3A_590 : i1 to i32
    %cond3A = arith.constant 0 : i32
    %cond3A_591 = arith.cmpi ne, %convert_element_type3A, %cond3A : i32
    scf.if %cond3A_591 {
      %sub3A_2217 = arith.constant 1 : i32
      %sub3A_2218 = arith.subi %select_n3A_567, %sub3A_2217 : i32
      %dma_start3A_2219 = tpu.memref_slice %arg3[%sub3A_2218, %mul3A_0] : memref<1024x16384xf32, #tpu.memory_space<hbm>> -> memref<1x1024xf32, #tpu.memory_space<hbm>>
      %dma_start3A_2220 = tpu.memref_squeeze %dma_start3A_2219 : memref<1x1024xf32, #tpu.memory_space<hbm>> -> memref<1024xf32, #tpu.memory_space<hbm>>
      %dma_start3A_2221 = tpu.memref_slice %arg3[%sub3A_2218, %mul3A_0] : memref<1024x16384xf32, #tpu.memory_space<hbm>> -> memref<1x1024xf32, #tpu.memory_space<hbm>>
      %dma_start3A_2222 = tpu.memref_squeeze %dma_start3A_2221 : memref<1x1024xf32, #tpu.memory_space<hbm>> -> memref<1024xf32, #tpu.memory_space<hbm>>
      tpu.enqueue_dma source(%dma_start3A_2222 : memref<1024xf32, #tpu.memory_space<hbm>>) target(%arg10 : memref<1024xf32, #tpu.memory_space<vmem>>) target_semaphore(%arg16 : memref<!tpu.dma_semaphore, #tpu.memory_space<semaphore_mem>>)
      %dma_start3A_2223 = tpu.memref_slice %arg3[%select_n3A_567, %mul3A_0] : memref<1024x16384xf32, #tpu.memory_space<hbm>> -> memref<1x1024xf32, #tpu.memory_space<hbm>>
      %dma_start3A_2224 = tpu.memref_squeeze %dma_start3A_2223 : memref<1x1024xf32, #tpu.memory_space<hbm>> -> memref<1024xf32, #tpu.memory_space<hbm>>
      %dma_start3A_2225 = tpu.memref_slice %arg3[%select_n3A_567, %mul3A_0] : memref<1024x16384xf32, #tpu.memory_space<hbm>> -> memref<1x1024xf32, #tpu.memory_space<hbm>>
      %dma_start3A_2226 = tpu.memref_squeeze %dma_start3A_2225 : memref<1x1024xf32, #tpu.memory_space<hbm>> -> memref<1024xf32, #tpu.memory_space<hbm>>
      tpu.enqueue_dma source(%dma_start3A_2226 : memref<1024xf32, #tpu.memory_space<hbm>>) target(%arg11 : memref<1024xf32, #tpu.memory_space<vmem>>) target_semaphore(%arg16 : memref<!tpu.dma_semaphore, #tpu.memory_space<semaphore_mem>>)
      %sub3A_2227 = arith.constant 1 : i32
      %sub3A_2228 = arith.subi %select_n3A_567, %sub3A_2227 : i32
      %dma_start3A_2229 = tpu.memref_slice %arg2[%sub3A_2228, %mul3A_0] : memref<1024x16384xf32, #tpu.memory_space<hbm>> -> memref<1x1024xf32, #tpu.memory_space<hbm>>
      %dma_start3A_2230 = tpu.memref_squeeze %dma_start3A_2229 : memref<1x1024xf32, #tpu.memory_space<hbm>> -> memref<1024xf32, #tpu.memory_space<hbm>>
      %dma_start3A_2231 = tpu.memref_slice %arg2[%sub3A_2228, %mul3A_0] : memref<1024x16384xf32, #tpu.memory_space<hbm>> -> memref<1x1024xf32, #tpu.memory_space<hbm>>
      %dma_start3A_2232 = tpu.memref_squeeze %dma_start3A_2231 : memref<1x1024xf32, #tpu.memory_space<hbm>> -> memref<1024xf32, #tpu.memory_space<hbm>>
      tpu.enqueue_dma source(%dma_start3A_2232 : memref<1024xf32, #tpu.memory_space<hbm>>) target(%arg12 : memref<1024xf32, #tpu.memory_space<vmem>>) target_semaphore(%arg16 : memref<!tpu.dma_semaphore, #tpu.memory_space<semaphore_mem>>)
      %dma_start3A_2233 = tpu.memref_slice %arg2[%select_n3A_567, %mul3A_0] : memref<1024x16384xf32, #tpu.memory_space<hbm>> -> memref<1x1024xf32, #tpu.memory_space<hbm>>
      %dma_start3A_2234 = tpu.memref_squeeze %dma_start3A_2233 : memref<1x1024xf32, #tpu.memory_space<hbm>> -> memref<1024xf32, #tpu.memory_space<hbm>>
      %dma_start3A_2235 = tpu.memref_slice %arg2[%select_n3A_567, %mul3A_0] : memref<1024x16384xf32, #tpu.memory_space<hbm>> -> memref<1x1024xf32, #tpu.memory_space<hbm>>
      %dma_start3A_2236 = tpu.memref_squeeze %dma_start3A_2235 : memref<1x1024xf32, #tpu.memory_space<hbm>> -> memref<1024xf32, #tpu.memory_space<hbm>>
      tpu.enqueue_dma source(%dma_start3A_2236 : memref<1024xf32, #tpu.memory_space<hbm>>) target(%arg13 : memref<1024xf32, #tpu.memory_space<vmem>>) target_semaphore(%arg16 : memref<!tpu.dma_semaphore, #tpu.memory_space<semaphore_mem>>)
      %dma_wait3A_2237 = tpu.memref_slice %arg3[%sub3A_2218, %mul3A_0] : memref<1024x16384xf32, #tpu.memory_space<hbm>> -> memref<1x1024xf32, #tpu.memory_space<hbm>>
      %dma_wait3A_2238 = tpu.memref_squeeze %dma_wait3A_2237 : memref<1x1024xf32, #tpu.memory_space<hbm>> -> memref<1024xf32, #tpu.memory_space<hbm>>
      %dma_wait3A_2239 = tpu.memref_slice %arg3[%sub3A_2218, %mul3A_0] : memref<1024x16384xf32, #tpu.memory_space<hbm>> -> memref<1x1024xf32, #tpu.memory_space<hbm>>
      %dma_wait3A_2240 = tpu.memref_squeeze %dma_wait3A_2239 : memref<1x1024xf32, #tpu.memory_space<hbm>> -> memref<1024xf32, #tpu.memory_space<hbm>>
      tpu.wait_dma2 semaphore(%arg16 : memref<!tpu.dma_semaphore, #tpu.memory_space<semaphore_mem>>) src(%dma_wait3A_2240 : memref<1024xf32, #tpu.memory_space<hbm>>) dst(%arg10 : memref<1024xf32, #tpu.memory_space<vmem>>)
      %dma_wait3A_2241 = tpu.memref_slice %arg3[%select_n3A_567, %mul3A_0] : memref<1024x16384xf32, #tpu.memory_space<hbm>> -> memref<1x1024xf32, #tpu.memory_space<hbm>>
      %dma_wait3A_2242 = tpu.memref_squeeze %dma_wait3A_2241 : memref<1x1024xf32, #tpu.memory_space<hbm>> -> memref<1024xf32, #tpu.memory_space<hbm>>
      %dma_wait3A_2243 = tpu.memref_slice %arg3[%select_n3A_567, %mul3A_0] : memref<1024x16384xf32, #tpu.memory_space<hbm>> -> memref<1x1024xf32, #tpu.memory_space<hbm>>
      %dma_wait3A_2244 = tpu.memref_squeeze %dma_wait3A_2243 : memref<1x1024xf32, #tpu.memory_space<hbm>> -> memref<1024xf32, #tpu.memory_space<hbm>>
      tpu.wait_dma2 semaphore(%arg16 : memref<!tpu.dma_semaphore, #tpu.memory_space<semaphore_mem>>) src(%dma_wait3A_2244 : memref<1024xf32, #tpu.memory_space<hbm>>) dst(%arg11 : memref<1024xf32, #tpu.memory_space<vmem>>)
      %dma_wait3A_2245 = tpu.memref_slice %arg2[%sub3A_2228, %mul3A_0] : memref<1024x16384xf32, #tpu.memory_space<hbm>> -> memref<1x1024xf32, #tpu.memory_space<hbm>>
      %dma_wait3A_2246 = tpu.memref_squeeze %dma_wait3A_2245 : memref<1x1024xf32, #tpu.memory_space<hbm>> -> memref<1024xf32, #tpu.memory_space<hbm>>
      %dma_wait3A_2247 = tpu.memref_slice %arg2[%sub3A_2228, %mul3A_0] : memref<1024x16384xf32, #tpu.memory_space<hbm>> -> memref<1x1024xf32, #tpu.memory_space<hbm>>
      %dma_wait3A_2248 = tpu.memref_squeeze %dma_wait3A_2247 : memref<1x1024xf32, #tpu.memory_space<hbm>> -> memref<1024xf32, #tpu.memory_space<hbm>>
      tpu.wait_dma2 semaphore(%arg16 : memref<!tpu.dma_semaphore, #tpu.memory_space<semaphore_mem>>) src(%dma_wait3A_2248 : memref<1024xf32, #tpu.memory_space<hbm>>) dst(%arg12 : memref<1024xf32, #tpu.memory_space<vmem>>)
      %dma_wait3A_2249 = tpu.memref_slice %arg2[%select_n3A_567, %mul3A_0] : memref<1024x16384xf32, #tpu.memory_space<hbm>> -> memref<1x1024xf32, #tpu.memory_space<hbm>>
      %dma_wait3A_2250 = tpu.memref_squeeze %dma_wait3A_2249 : memref<1x1024xf32, #tpu.memory_space<hbm>> -> memref<1024xf32, #tpu.memory_space<hbm>>
      %dma_wait3A_2251 = tpu.memref_slice %arg2[%select_n3A_567, %mul3A_0] : memref<1024x16384xf32, #tpu.memory_space<hbm>> -> memref<1x1024xf32, #tpu.memory_space<hbm>>
      %dma_wait3A_2252 = tpu.memref_squeeze %dma_wait3A_2251 : memref<1x1024xf32, #tpu.memory_space<hbm>> -> memref<1024xf32, #tpu.memory_space<hbm>>
      tpu.wait_dma2 semaphore(%arg16 : memref<!tpu.dma_semaphore, #tpu.memory_space<semaphore_mem>>) src(%dma_wait3A_2252 : memref<1024xf32, #tpu.memory_space<hbm>>) dst(%arg13 : memref<1024xf32, #tpu.memory_space<vmem>>)
    } else {
    }
    %get3A_592 = arith.constant 0 : index
    %get3A_593 = tpu.vector_load %arg10[%get3A_592] {strides = array<i32>} : memref<1024xf32, #tpu.memory_space<vmem>>, vector<16xf32>,
    %get3A_594 = vector.shape_cast %get3A_593 : vector<16xf32> to vector<16xf32>
    %get3A_595 = arith.constant 0 : index
    %get3A_596 = tpu.vector_load %arg12[%get3A_595] {strides = array<i32>} : memref<1024xf32, #tpu.memory_space<vmem>>, vector<16xf32>,
    %get3A_597 = vector.shape_cast %get3A_596 : vector<16xf32> to vector<16xf32>
    %get3A_598 = arith.constant 0 : index
    %get3A_599 = tpu.vector_load %arg11[%get3A_598] {strides = array<i32>} : memref<1024xf32, #tpu.memory_space<vmem>>, vector<16xf32>,
    %get3A_600 = vector.shape_cast %get3A_599 : vector<16xf32> to vector<16xf32>
    %sub3A = arith.subf %get3A_600, %get3A_594 : vector<16xf32>
    %get3A_601 = arith.constant 0 : index
    %get3A_602 = tpu.vector_load %arg13[%get3A_601] {strides = array<i32>} : memref<1024xf32, #tpu.memory_space<vmem>>, vector<16xf32>,
    %get3A_603 = vector.shape_cast %get3A_602 : vector<16xf32> to vector<16xf32>
    %sub3A_604 = arith.subf %get3A_603, %get3A_597 : vector<16xf32>
    %div3A = arith.divf %sub3A, %sub3A_604 : vector<16xf32>
    %get3A_605 = arith.constant 0 : index
    %get3A_606 = tpu.vector_load %arg9[%get3A_605] {strides = array<i32>} : memref<1024xf32, #tpu.memory_space<vmem>>, vector<16xf32>,
    %get3A_607 = vector.shape_cast %get3A_606 : vector<16xf32> to vector<16xf32>
    %sub3A_608 = arith.subf %get3A_607, %get3A_597 : vector<16xf32>
    %mul3A_609 = arith.mulf %div3A, %sub3A_608 : vector<16xf32>
    %add3A_610 = arith.addf %get3A_594, %mul3A_609 : vector<16xf32>
    %swap3A = arith.constant 0 : index
    %swap3A_611 = tpu.vector_load %arg14[%swap3A] {strides = array<i32>} : memref<1024xf32, #tpu.memory_space<vmem>>, vector<16xf32>,
    %swap3A_612 = vector.shape_cast %swap3A_611 : vector<16xf32> to vector<16xf32>
    %swap3A_613 = vector.shape_cast %add3A_610 : vector<16xf32> to vector<16xf32>
    tpu.vector_store %arg14[%swap3A], %swap3A_613 {strides = array<i32>} : memref<1024xf32, #tpu.memory_space<vmem>>, vector<16xf32>,
    %get3A_614 = arith.constant 16 : index
    %get3A_615 = tpu.vector_load %arg10[%get3A_614] {strides = array<i32>} : memref<1024xf32, #tpu.memory_space<vmem>>, vector<16xf32>,
    %get3A_616 = vector.shape_cast %get3A_615 : vector<16xf32> to vector<16xf32>
    %get3A_617 = arith.constant 16 : index
    %get3A_618 = tpu.vector_load %arg12[%get3A_617] {strides = array<i32>} : memref<1024xf32, #tpu.memory_space<vmem>>, vector<16xf32>,
    %get3A_619 = vector.shape_cast %get3A_618 : vector<16xf32> to vector<16xf32>
    %get3A_620 = arith.constant 16 : index
    %get3A_621 = tpu.vector_load %arg11[%get3A_620] {strides = array<i32>} : memref<1024xf32, #tpu.memory_space<vmem>>, vector<16xf32>,
    %get3A_622 = vector.shape_cast %get3A_621 : vector<16xf32> to vector<16xf32>
    %sub3A_623 = arith.subf %get3A_622, %get3A_616 : vector<16xf32>
    %get3A_624 = arith.constant 16 : index
    %get3A_625 = tpu.vector_load %arg13[%get3A_624] {strides = array<i32>} : memref<1024xf32, #tpu.memory_space<vmem>>, vector<16xf32>,
    %get3A_626 = vector.shape_cast %get3A_625 : vector<16xf32> to vector<16xf32>
    %sub3A_627 = arith.subf %get3A_626, %get3A_619 : vector<16xf32>
    %div3A_628 = arith.divf %sub3A_623, %sub3A_627 : vector<16xf32>
    %get3A_629 = arith.constant 16 : index
    %get3A_630 = tpu.vector_load %arg9[%get3A_629] {strides = array<i32>} : memref<1024xf32, #tpu.memory_space<vmem>>, vector<16xf32>,
    %get3A_631 = vector.shape_cast %get3A_630 : vector<16xf32> to vector<16xf32>
    %sub3A_632 = arith.subf %get3A_631, %get3A_619 : vector<16xf32>
    %mul3A_633 = arith.mulf %div3A_628, %sub3A_632 : vector<16xf32>
    %add3A_634 = arith.addf %get3A_616, %mul3A_633 : vector<16xf32>
    %swap3A_635 = arith.constant 16 : index
    %swap3A_636 = tpu.vector_load %arg14[%swap3A_635] {strides = array<i32>} : memref<1024xf32, #tpu.memory_space<vmem>>, vector<16xf32>,
    %swap3A_637 = vector.shape_cast %swap3A_636 : vector<16xf32> to vector<16xf32>
    %swap3A_638 = vector.shape_cast %add3A_634 : vector<16xf32> to vector<16xf32>
    tpu.vector_store %arg14[%swap3A_635], %swap3A_638 {strides = array<i32>} : memref<1024xf32, #tpu.memory_space<vmem>>, vector<16xf32>,
    %get3A_639 = arith.constant 32 : index
    %get3A_640 = tpu.vector_load %arg10[%get3A_639] {strides = array<i32>} : memref<1024xf32, #tpu.memory_space<vmem>>, vector<16xf32>,
    %get3A_641 = vector.shape_cast %get3A_640 : vector<16xf32> to vector<16xf32>
    %get3A_642 = arith.constant 32 : index
    %get3A_643 = tpu.vector_load %arg12[%get3A_642] {strides = array<i32>} : memref<1024xf32, #tpu.memory_space<vmem>>, vector<16xf32>,
    %get3A_644 = vector.shape_cast %get3A_643 : vector<16xf32> to vector<16xf32>
    %get3A_645 = arith.constant 32 : index
    %get3A_646 = tpu.vector_load %arg11[%get3A_645] {strides = array<i32>} : memref<1024xf32, #tpu.memory_space<vmem>>, vector<16xf32>,
    %get3A_647 = vector.shape_cast %get3A_646 : vector<16xf32> to vector<16xf32>
    %sub3A_648 = arith.subf %get3A_647, %get3A_641 : vector<16xf32>
    %get3A_649 = arith.constant 32 : index
    %get3A_650 = tpu.vector_load %arg13[%get3A_649] {strides = array<i32>} : memref<1024xf32, #tpu.memory_space<vmem>>, vector<16xf32>,
    %get3A_651 = vector.shape_cast %get3A_650 : vector<16xf32> to vector<16xf32>
    %sub3A_652 = arith.subf %get3A_651, %get3A_644 : vector<16xf32>
    %div3A_653 = arith.divf %sub3A_648, %sub3A_652 : vector<16xf32>
    %get3A_654 = arith.constant 32 : index
    %get3A_655 = tpu.vector_load %arg9[%get3A_654] {strides = array<i32>} : memref<1024xf32, #tpu.memory_space<vmem>>, vector<16xf32>,
    %get3A_656 = vector.shape_cast %get3A_655 : vector<16xf32> to vector<16xf32>
    %sub3A_657 = arith.subf %get3A_656, %get3A_644 : vector<16xf32>
    %mul3A_658 = arith.mulf %div3A_653, %sub3A_657 : vector<16xf32>
    %add3A_659 = arith.addf %get3A_641, %mul3A_658 : vector<16xf32>
    %swap3A_660 = arith.constant 32 : index
    %swap3A_661 = tpu.vector_load %arg14[%swap3A_660] {strides = array<i32>} : memref<1024xf32, #tpu.memory_space<vmem>>, vector<16xf32>,
    %swap3A_662 = vector.shape_cast %swap3A_661 : vector<16xf32> to vector<16xf32>
    %swap3A_663 = vector.shape_cast %add3A_659 : vector<16xf32> to vector<16xf32>
    tpu.vector_store %arg14[%swap3A_660], %swap3A_663 {strides = array<i32>} : memref<1024xf32, #tpu.memory_space<vmem>>, vector<16xf32>,
    %get3A_664 = arith.constant 48 : index
    %get3A_665 = tpu.vector_load %arg10[%get3A_664] {strides = array<i32>} : memref<1024xf32, #tpu.memory_space<vmem>>, vector<16xf32>,
    %get3A_666 = vector.shape_cast %get3A_665 : vector<16xf32> to vector<16xf32>
    %get3A_667 = arith.constant 48 : index
    %get3A_668 = tpu.vector_load %arg12[%get3A_667] {strides = array<i32>} : memref<1024xf32, #tpu.memory_space<vmem>>, vector<16xf32>,
    %get3A_669 = vector.shape_cast %get3A_668 : vector<16xf32> to vector<16xf32>
    %get3A_670 = arith.constant 48 : index
    %get3A_671 = tpu.vector_load %arg11[%get3A_670] {strides = array<i32>} : memref<1024xf32, #tpu.memory_space<vmem>>, vector<16xf32>,
    %get3A_672 = vector.shape_cast %get3A_671 : vector<16xf32> to vector<16xf32>
    %sub3A_673 = arith.subf %get3A_672, %get3A_666 : vector<16xf32>
    %get3A_674 = arith.constant 48 : index
    %get3A_675 = tpu.vector_load %arg13[%get3A_674] {strides = array<i32>} : memref<1024xf32, #tpu.memory_space<vmem>>, vector<16xf32>,
    %get3A_676 = vector.shape_cast %get3A_675 : vector<16xf32> to vector<16xf32>
    %sub3A_677 = arith.subf %get3A_676, %get3A_669 : vector<16xf32>
    %div3A_678 = arith.divf %sub3A_673, %sub3A_677 : vector<16xf32>
    %get3A_679 = arith.constant 48 : index
    %get3A_680 = tpu.vector_load %arg9[%get3A_679] {strides = array<i32>} : memref<1024xf32, #tpu.memory_space<vmem>>, vector<16xf32>,
    %get3A_681 = vector.shape_cast %get3A_680 : vector<16xf32> to vector<16xf32>
    %sub3A_682 = arith.subf %get3A_681, %get3A_669 : vector<16xf32>
    %mul3A_683 = arith.mulf %div3A_678, %sub3A_682 : vector<16xf32>
    %add3A_684 = arith.addf %get3A_666, %mul3A_683 : vector<16xf32>
    %swap3A_685 = arith.constant 48 : index
    %swap3A_686 = tpu.vector_load %arg14[%swap3A_685] {strides = array<i32>} : memref<1024xf32, #tpu.memory_space<vmem>>, vector<16xf32>,
    %swap3A_687 = vector.shape_cast %swap3A_686 : vector<16xf32> to vector<16xf32>
    %swap3A_688 = vector.shape_cast %add3A_684 : vector<16xf32> to vector<16xf32>
    tpu.vector_store %arg14[%swap3A_685], %swap3A_688 {strides = array<i32>} : memref<1024xf32, #tpu.memory_space<vmem>>, vector<16xf32>,
    %get3A_689 = arith.constant 64 : index
    %get3A_690 = tpu.vector_load %arg10[%get3A_689] {strides = array<i32>} : memref<1024xf32, #tpu.memory_space<vmem>>, vector<16xf32>,
    %get3A_691 = vector.shape_cast %get3A_690 : vector<16xf32> to vector<16xf32>
    %get3A_692 = arith.constant 64 : index
    %get3A_693 = tpu.vector_load %arg12[%get3A_692] {strides = array<i32>} : memref<1024xf32, #tpu.memory_space<vmem>>, vector<16xf32>,
    %get3A_694 = vector.shape_cast %get3A_693 : vector<16xf32> to vector<16xf32>
    %get3A_695 = arith.constant 64 : index
    %get3A_696 = tpu.vector_load %arg11[%get3A_695] {strides = array<i32>} : memref<1024xf32, #tpu.memory_space<vmem>>, vector<16xf32>,
    %get3A_697 = vector.shape_cast %get3A_696 : vector<16xf32> to vector<16xf32>
    %sub3A_698 = arith.subf %get3A_697, %get3A_691 : vector<16xf32>
    %get3A_699 = arith.constant 64 : index
    %get3A_700 = tpu.vector_load %arg13[%get3A_699] {strides = array<i32>} : memref<1024xf32, #tpu.memory_space<vmem>>, vector<16xf32>,
    %get3A_701 = vector.shape_cast %get3A_700 : vector<16xf32> to vector<16xf32>
    %sub3A_702 = arith.subf %get3A_701, %get3A_694 : vector<16xf32>
    %div3A_703 = arith.divf %sub3A_698, %sub3A_702 : vector<16xf32>
    %get3A_704 = arith.constant 64 : index
    %get3A_705 = tpu.vector_load %arg9[%get3A_704] {strides = array<i32>} : memref<1024xf32, #tpu.memory_space<vmem>>, vector<16xf32>,
    %get3A_706 = vector.shape_cast %get3A_705 : vector<16xf32> to vector<16xf32>
    %sub3A_707 = arith.subf %get3A_706, %get3A_694 : vector<16xf32>
    %mul3A_708 = arith.mulf %div3A_703, %sub3A_707 : vector<16xf32>
    %add3A_709 = arith.addf %get3A_691, %mul3A_708 : vector<16xf32>
    %swap3A_710 = arith.constant 64 : index
    %swap3A_711 = tpu.vector_load %arg14[%swap3A_710] {strides = array<i32>} : memref<1024xf32, #tpu.memory_space<vmem>>, vector<16xf32>,
    %swap3A_712 = vector.shape_cast %swap3A_711 : vector<16xf32> to vector<16xf32>
    %swap3A_713 = vector.shape_cast %add3A_709 : vector<16xf32> to vector<16xf32>
    tpu.vector_store %arg14[%swap3A_710], %swap3A_713 {strides = array<i32>} : memref<1024xf32, #tpu.memory_space<vmem>>, vector<16xf32>,
    %get3A_714 = arith.constant 80 : index
    %get3A_715 = tpu.vector_load %arg10[%get3A_714] {strides = array<i32>} : memref<1024xf32, #tpu.memory_space<vmem>>, vector<16xf32>,
    %get3A_716 = vector.shape_cast %get3A_715 : vector<16xf32> to vector<16xf32>
    %get3A_717 = arith.constant 80 : index
    %get3A_718 = tpu.vector_load %arg12[%get3A_717] {strides = array<i32>} : memref<1024xf32, #tpu.memory_space<vmem>>, vector<16xf32>,
    %get3A_719 = vector.shape_cast %get3A_718 : vector<16xf32> to vector<16xf32>
    %get3A_720 = arith.constant 80 : index
    %get3A_721 = tpu.vector_load %arg11[%get3A_720] {strides = array<i32>} : memref<1024xf32, #tpu.memory_space<vmem>>, vector<16xf32>,
    %get3A_722 = vector.shape_cast %get3A_721 : vector<16xf32> to vector<16xf32>
    %sub3A_723 = arith.subf %get3A_722, %get3A_716 : vector<16xf32>
    %get3A_724 = arith.constant 80 : index
    %get3A_725 = tpu.vector_load %arg13[%get3A_724] {strides = array<i32>} : memref<1024xf32, #tpu.memory_space<vmem>>, vector<16xf32>,
    %get3A_726 = vector.shape_cast %get3A_725 : vector<16xf32> to vector<16xf32>
    %sub3A_727 = arith.subf %get3A_726, %get3A_719 : vector<16xf32>
    %div3A_728 = arith.divf %sub3A_723, %sub3A_727 : vector<16xf32>
    %get3A_729 = arith.constant 80 : index
    %get3A_730 = tpu.vector_load %arg9[%get3A_729] {strides = array<i32>} : memref<1024xf32, #tpu.memory_space<vmem>>, vector<16xf32>,
    %get3A_731 = vector.shape_cast %get3A_730 : vector<16xf32> to vector<16xf32>
    %sub3A_732 = arith.subf %get3A_731, %get3A_719 : vector<16xf32>
    %mul3A_733 = arith.mulf %div3A_728, %sub3A_732 : vector<16xf32>
    %add3A_734 = arith.addf %get3A_716, %mul3A_733 : vector<16xf32>
    %swap3A_735 = arith.constant 80 : index
    %swap3A_736 = tpu.vector_load %arg14[%swap3A_735] {strides = array<i32>} : memref<1024xf32, #tpu.memory_space<vmem>>, vector<16xf32>,
    %swap3A_737 = vector.shape_cast %swap3A_736 : vector<16xf32> to vector<16xf32>
    %swap3A_738 = vector.shape_cast %add3A_734 : vector<16xf32> to vector<16xf32>
    tpu.vector_store %arg14[%swap3A_735], %swap3A_738 {strides = array<i32>} : memref<1024xf32, #tpu.memory_space<vmem>>, vector<16xf32>,
    %get3A_739 = arith.constant 96 : index
    %get3A_740 = tpu.vector_load %arg10[%get3A_739] {strides = array<i32>} : memref<1024xf32, #tpu.memory_space<vmem>>, vector<16xf32>,
    %get3A_741 = vector.shape_cast %get3A_740 : vector<16xf32> to vector<16xf32>
    %get3A_742 = arith.constant 96 : index
    %get3A_743 = tpu.vector_load %arg12[%get3A_742] {strides = array<i32>} : memref<1024xf32, #tpu.memory_space<vmem>>, vector<16xf32>,
    %get3A_744 = vector.shape_cast %get3A_743 : vector<16xf32> to vector<16xf32>
    %get3A_745 = arith.constant 96 : index
    %get3A_746 = tpu.vector_load %arg11[%get3A_745] {strides = array<i32>} : memref<1024xf32, #tpu.memory_space<vmem>>, vector<16xf32>,
    %get3A_747 = vector.shape_cast %get3A_746 : vector<16xf32> to vector<16xf32>
    %sub3A_748 = arith.subf %get3A_747, %get3A_741 : vector<16xf32>
    %get3A_749 = arith.constant 96 : index
    %get3A_750 = tpu.vector_load %arg13[%get3A_749] {strides = array<i32>} : memref<1024xf32, #tpu.memory_space<vmem>>, vector<16xf32>,
    %get3A_751 = vector.shape_cast %get3A_750 : vector<16xf32> to vector<16xf32>
    %sub3A_752 = arith.subf %get3A_751, %get3A_744 : vector<16xf32>
    %div3A_753 = arith.divf %sub3A_748, %sub3A_752 : vector<16xf32>
    %get3A_754 = arith.constant 96 : index
    %get3A_755 = tpu.vector_load %arg9[%get3A_754] {strides = array<i32>} : memref<1024xf32, #tpu.memory_space<vmem>>, vector<16xf32>,
    %get3A_756 = vector.shape_cast %get3A_755 : vector<16xf32> to vector<16xf32>
    %sub3A_757 = arith.subf %get3A_756, %get3A_744 : vector<16xf32>
    %mul3A_758 = arith.mulf %div3A_753, %sub3A_757 : vector<16xf32>
    %add3A_759 = arith.addf %get3A_741, %mul3A_758 : vector<16xf32>
    %swap3A_760 = arith.constant 96 : index
    %swap3A_761 = tpu.vector_load %arg14[%swap3A_760] {strides = array<i32>} : memref<1024xf32, #tpu.memory_space<vmem>>, vector<16xf32>,
    %swap3A_762 = vector.shape_cast %swap3A_761 : vector<16xf32> to vector<16xf32>
    %swap3A_763 = vector.shape_cast %add3A_759 : vector<16xf32> to vector<16xf32>
    tpu.vector_store %arg14[%swap3A_760], %swap3A_763 {strides = array<i32>} : memref<1024xf32, #tpu.memory_space<vmem>>, vector<16xf32>,
    %get3A_764 = arith.constant 112 : index
    %get3A_765 = tpu.vector_load %arg10[%get3A_764] {strides = array<i32>} : memref<1024xf32, #tpu.memory_space<vmem>>, vector<16xf32>,
    %get3A_766 = vector.shape_cast %get3A_765 : vector<16xf32> to vector<16xf32>
    %get3A_767 = arith.constant 112 : index
    %get3A_768 = tpu.vector_load %arg12[%get3A_767] {strides = array<i32>} : memref<1024xf32, #tpu.memory_space<vmem>>, vector<16xf32>,
    %get3A_769 = vector.shape_cast %get3A_768 : vector<16xf32> to vector<16xf32>
    %get3A_770 = arith.constant 112 : index
    %get3A_771 = tpu.vector_load %arg11[%get3A_770] {strides = array<i32>} : memref<1024xf32, #tpu.memory_space<vmem>>, vector<16xf32>,
    %get3A_772 = vector.shape_cast %get3A_771 : vector<16xf32> to vector<16xf32>
    %sub3A_773 = arith.subf %get3A_772, %get3A_766 : vector<16xf32>
    %get3A_774 = arith.constant 112 : index
    %get3A_775 = tpu.vector_load %arg13[%get3A_774] {strides = array<i32>} : memref<1024xf32, #tpu.memory_space<vmem>>, vector<16xf32>,
    %get3A_776 = vector.shape_cast %get3A_775 : vector<16xf32> to vector<16xf32>
    %sub3A_777 = arith.subf %get3A_776, %get3A_769 : vector<16xf32>
    %div3A_778 = arith.divf %sub3A_773, %sub3A_777 : vector<16xf32>
    %get3A_779 = arith.constant 112 : index
    %get3A_780 = tpu.vector_load %arg9[%get3A_779] {strides = array<i32>} : memref<1024xf32, #tpu.memory_space<vmem>>, vector<16xf32>,
    %get3A_781 = vector.shape_cast %get3A_780 : vector<16xf32> to vector<16xf32>
    %sub3A_782 = arith.subf %get3A_781, %get3A_769 : vector<16xf32>
    %mul3A_783 = arith.mulf %div3A_778, %sub3A_782 : vector<16xf32>
    %add3A_784 = arith.addf %get3A_766, %mul3A_783 : vector<16xf32>
    %swap3A_785 = arith.constant 112 : index
    %swap3A_786 = tpu.vector_load %arg14[%swap3A_785] {strides = array<i32>} : memref<1024xf32, #tpu.memory_space<vmem>>, vector<16xf32>,
    %swap3A_787 = vector.shape_cast %swap3A_786 : vector<16xf32> to vector<16xf32>
    %swap3A_788 = vector.shape_cast %add3A_784 : vector<16xf32> to vector<16xf32>
    tpu.vector_store %arg14[%swap3A_785], %swap3A_788 {strides = array<i32>} : memref<1024xf32, #tpu.memory_space<vmem>>, vector<16xf32>,
    %get3A_789 = arith.constant 128 : index
    %get3A_790 = tpu.vector_load %arg10[%get3A_789] {strides = array<i32>} : memref<1024xf32, #tpu.memory_space<vmem>>, vector<16xf32>,
    %get3A_791 = vector.shape_cast %get3A_790 : vector<16xf32> to vector<16xf32>
    %get3A_792 = arith.constant 128 : index
    %get3A_793 = tpu.vector_load %arg12[%get3A_792] {strides = array<i32>} : memref<1024xf32, #tpu.memory_space<vmem>>, vector<16xf32>,
    %get3A_794 = vector.shape_cast %get3A_793 : vector<16xf32> to vector<16xf32>
    %get3A_795 = arith.constant 128 : index
    %get3A_796 = tpu.vector_load %arg11[%get3A_795] {strides = array<i32>} : memref<1024xf32, #tpu.memory_space<vmem>>, vector<16xf32>,
    %get3A_797 = vector.shape_cast %get3A_796 : vector<16xf32> to vector<16xf32>
    %sub3A_798 = arith.subf %get3A_797, %get3A_791 : vector<16xf32>
    %get3A_799 = arith.constant 128 : index
    %get3A_800 = tpu.vector_load %arg13[%get3A_799] {strides = array<i32>} : memref<1024xf32, #tpu.memory_space<vmem>>, vector<16xf32>,
    %get3A_801 = vector.shape_cast %get3A_800 : vector<16xf32> to vector<16xf32>
    %sub3A_802 = arith.subf %get3A_801, %get3A_794 : vector<16xf32>
    %div3A_803 = arith.divf %sub3A_798, %sub3A_802 : vector<16xf32>
    %get3A_804 = arith.constant 128 : index
    %get3A_805 = tpu.vector_load %arg9[%get3A_804] {strides = array<i32>} : memref<1024xf32, #tpu.memory_space<vmem>>, vector<16xf32>,
    %get3A_806 = vector.shape_cast %get3A_805 : vector<16xf32> to vector<16xf32>
    %sub3A_807 = arith.subf %get3A_806, %get3A_794 : vector<16xf32>
    %mul3A_808 = arith.mulf %div3A_803, %sub3A_807 : vector<16xf32>
    %add3A_809 = arith.addf %get3A_791, %mul3A_808 : vector<16xf32>
    %swap3A_810 = arith.constant 128 : index
    %swap3A_811 = tpu.vector_load %arg14[%swap3A_810] {strides = array<i32>} : memref<1024xf32, #tpu.memory_space<vmem>>, vector<16xf32>,
    %swap3A_812 = vector.shape_cast %swap3A_811 : vector<16xf32> to vector<16xf32>
    %swap3A_813 = vector.shape_cast %add3A_809 : vector<16xf32> to vector<16xf32>
    tpu.vector_store %arg14[%swap3A_810], %swap3A_813 {strides = array<i32>} : memref<1024xf32, #tpu.memory_space<vmem>>, vector<16xf32>,
    %get3A_814 = arith.constant 144 : index
    %get3A_815 = tpu.vector_load %arg10[%get3A_814] {strides = array<i32>} : memref<1024xf32, #tpu.memory_space<vmem>>, vector<16xf32>,
    %get3A_816 = vector.shape_cast %get3A_815 : vector<16xf32> to vector<16xf32>
    %get3A_817 = arith.constant 144 : index
    %get3A_818 = tpu.vector_load %arg12[%get3A_817] {strides = array<i32>} : memref<1024xf32, #tpu.memory_space<vmem>>, vector<16xf32>,
    %get3A_819 = vector.shape_cast %get3A_818 : vector<16xf32> to vector<16xf32>
    %get3A_820 = arith.constant 144 : index
    %get3A_821 = tpu.vector_load %arg11[%get3A_820] {strides = array<i32>} : memref<1024xf32, #tpu.memory_space<vmem>>, vector<16xf32>,
    %get3A_822 = vector.shape_cast %get3A_821 : vector<16xf32> to vector<16xf32>
    %sub3A_823 = arith.subf %get3A_822, %get3A_816 : vector<16xf32>
    %get3A_824 = arith.constant 144 : index
    %get3A_825 = tpu.vector_load %arg13[%get3A_824] {strides = array<i32>} : memref<1024xf32, #tpu.memory_space<vmem>>, vector<16xf32>,
    %get3A_826 = vector.shape_cast %get3A_825 : vector<16xf32> to vector<16xf32>
    %sub3A_827 = arith.subf %get3A_826, %get3A_819 : vector<16xf32>
    %div3A_828 = arith.divf %sub3A_823, %sub3A_827 : vector<16xf32>
    %get3A_829 = arith.constant 144 : index
    %get3A_830 = tpu.vector_load %arg9[%get3A_829] {strides = array<i32>} : memref<1024xf32, #tpu.memory_space<vmem>>, vector<16xf32>,
    %get3A_831 = vector.shape_cast %get3A_830 : vector<16xf32> to vector<16xf32>
    %sub3A_832 = arith.subf %get3A_831, %get3A_819 : vector<16xf32>
    %mul3A_833 = arith.mulf %div3A_828, %sub3A_832 : vector<16xf32>
    %add3A_834 = arith.addf %get3A_816, %mul3A_833 : vector<16xf32>
    %swap3A_835 = arith.constant 144 : index
    %swap3A_836 = tpu.vector_load %arg14[%swap3A_835] {strides = array<i32>} : memref<1024xf32, #tpu.memory_space<vmem>>, vector<16xf32>,
    %swap3A_837 = vector.shape_cast %swap3A_836 : vector<16xf32> to vector<16xf32>
    %swap3A_838 = vector.shape_cast %add3A_834 : vector<16xf32> to vector<16xf32>
    tpu.vector_store %arg14[%swap3A_835], %swap3A_838 {strides = array<i32>} : memref<1024xf32, #tpu.memory_space<vmem>>, vector<16xf32>,
    %get3A_839 = arith.constant 160 : index
    %get3A_840 = tpu.vector_load %arg10[%get3A_839] {strides = array<i32>} : memref<1024xf32, #tpu.memory_space<vmem>>, vector<16xf32>,
    %get3A_841 = vector.shape_cast %get3A_840 : vector<16xf32> to vector<16xf32>
    %get3A_842 = arith.constant 160 : index
    %get3A_843 = tpu.vector_load %arg12[%get3A_842] {strides = array<i32>} : memref<1024xf32, #tpu.memory_space<vmem>>, vector<16xf32>,
    %get3A_844 = vector.shape_cast %get3A_843 : vector<16xf32> to vector<16xf32>
    %get3A_845 = arith.constant 160 : index
    %get3A_846 = tpu.vector_load %arg11[%get3A_845] {strides = array<i32>} : memref<1024xf32, #tpu.memory_space<vmem>>, vector<16xf32>,
    %get3A_847 = vector.shape_cast %get3A_846 : vector<16xf32> to vector<16xf32>
    %sub3A_848 = arith.subf %get3A_847, %get3A_841 : vector<16xf32>
    %get3A_849 = arith.constant 160 : index
    %get3A_850 = tpu.vector_load %arg13[%get3A_849] {strides = array<i32>} : memref<1024xf32, #tpu.memory_space<vmem>>, vector<16xf32>,
    %get3A_851 = vector.shape_cast %get3A_850 : vector<16xf32> to vector<16xf32>
    %sub3A_852 = arith.subf %get3A_851, %get3A_844 : vector<16xf32>
    %div3A_853 = arith.divf %sub3A_848, %sub3A_852 : vector<16xf32>
    %get3A_854 = arith.constant 160 : index
    %get3A_855 = tpu.vector_load %arg9[%get3A_854] {strides = array<i32>} : memref<1024xf32, #tpu.memory_space<vmem>>, vector<16xf32>,
    %get3A_856 = vector.shape_cast %get3A_855 : vector<16xf32> to vector<16xf32>
    %sub3A_857 = arith.subf %get3A_856, %get3A_844 : vector<16xf32>
    %mul3A_858 = arith.mulf %div3A_853, %sub3A_857 : vector<16xf32>
    %add3A_859 = arith.addf %get3A_841, %mul3A_858 : vector<16xf32>
    %swap3A_860 = arith.constant 160 : index
    %swap3A_861 = tpu.vector_load %arg14[%swap3A_860] {strides = array<i32>} : memref<1024xf32, #tpu.memory_space<vmem>>, vector<16xf32>,
    %swap3A_862 = vector.shape_cast %swap3A_861 : vector<16xf32> to vector<16xf32>
    %swap3A_863 = vector.shape_cast %add3A_859 : vector<16xf32> to vector<16xf32>
    tpu.vector_store %arg14[%swap3A_860], %swap3A_863 {strides = array<i32>} : memref<1024xf32, #tpu.memory_space<vmem>>, vector<16xf32>,
    %get3A_864 = arith.constant 176 : index
    %get3A_865 = tpu.vector_load %arg10[%get3A_864] {strides = array<i32>} : memref<1024xf32, #tpu.memory_space<vmem>>, vector<16xf32>,
    %get3A_866 = vector.shape_cast %get3A_865 : vector<16xf32> to vector<16xf32>
    %get3A_867 = arith.constant 176 : index
    %get3A_868 = tpu.vector_load %arg12[%get3A_867] {strides = array<i32>} : memref<1024xf32, #tpu.memory_space<vmem>>, vector<16xf32>,
    %get3A_869 = vector.shape_cast %get3A_868 : vector<16xf32> to vector<16xf32>
    %get3A_870 = arith.constant 176 : index
    %get3A_871 = tpu.vector_load %arg11[%get3A_870] {strides = array<i32>} : memref<1024xf32, #tpu.memory_space<vmem>>, vector<16xf32>,
    %get3A_872 = vector.shape_cast %get3A_871 : vector<16xf32> to vector<16xf32>
    %sub3A_873 = arith.subf %get3A_872, %get3A_866 : vector<16xf32>
    %get3A_874 = arith.constant 176 : index
    %get3A_875 = tpu.vector_load %arg13[%get3A_874] {strides = array<i32>} : memref<1024xf32, #tpu.memory_space<vmem>>, vector<16xf32>,
    %get3A_876 = vector.shape_cast %get3A_875 : vector<16xf32> to vector<16xf32>
    %sub3A_877 = arith.subf %get3A_876, %get3A_869 : vector<16xf32>
    %div3A_878 = arith.divf %sub3A_873, %sub3A_877 : vector<16xf32>
    %get3A_879 = arith.constant 176 : index
    %get3A_880 = tpu.vector_load %arg9[%get3A_879] {strides = array<i32>} : memref<1024xf32, #tpu.memory_space<vmem>>, vector<16xf32>,
    %get3A_881 = vector.shape_cast %get3A_880 : vector<16xf32> to vector<16xf32>
    %sub3A_882 = arith.subf %get3A_881, %get3A_869 : vector<16xf32>
    %mul3A_883 = arith.mulf %div3A_878, %sub3A_882 : vector<16xf32>
    %add3A_884 = arith.addf %get3A_866, %mul3A_883 : vector<16xf32>
    %swap3A_885 = arith.constant 176 : index
    %swap3A_886 = tpu.vector_load %arg14[%swap3A_885] {strides = array<i32>} : memref<1024xf32, #tpu.memory_space<vmem>>, vector<16xf32>,
    %swap3A_887 = vector.shape_cast %swap3A_886 : vector<16xf32> to vector<16xf32>
    %swap3A_888 = vector.shape_cast %add3A_884 : vector<16xf32> to vector<16xf32>
    tpu.vector_store %arg14[%swap3A_885], %swap3A_888 {strides = array<i32>} : memref<1024xf32, #tpu.memory_space<vmem>>, vector<16xf32>,
    %get3A_889 = arith.constant 192 : index
    %get3A_890 = tpu.vector_load %arg10[%get3A_889] {strides = array<i32>} : memref<1024xf32, #tpu.memory_space<vmem>>, vector<16xf32>,
    %get3A_891 = vector.shape_cast %get3A_890 : vector<16xf32> to vector<16xf32>
    %get3A_892 = arith.constant 192 : index
    %get3A_893 = tpu.vector_load %arg12[%get3A_892] {strides = array<i32>} : memref<1024xf32, #tpu.memory_space<vmem>>, vector<16xf32>,
    %get3A_894 = vector.shape_cast %get3A_893 : vector<16xf32> to vector<16xf32>
    %get3A_895 = arith.constant 192 : index
    %get3A_896 = tpu.vector_load %arg11[%get3A_895] {strides = array<i32>} : memref<1024xf32, #tpu.memory_space<vmem>>, vector<16xf32>,
    %get3A_897 = vector.shape_cast %get3A_896 : vector<16xf32> to vector<16xf32>
    %sub3A_898 = arith.subf %get3A_897, %get3A_891 : vector<16xf32>
    %get3A_899 = arith.constant 192 : index
    %get3A_900 = tpu.vector_load %arg13[%get3A_899] {strides = array<i32>} : memref<1024xf32, #tpu.memory_space<vmem>>, vector<16xf32>,
    %get3A_901 = vector.shape_cast %get3A_900 : vector<16xf32> to vector<16xf32>
    %sub3A_902 = arith.subf %get3A_901, %get3A_894 : vector<16xf32>
    %div3A_903 = arith.divf %sub3A_898, %sub3A_902 : vector<16xf32>
    %get3A_904 = arith.constant 192 : index
    %get3A_905 = tpu.vector_load %arg9[%get3A_904] {strides = array<i32>} : memref<1024xf32, #tpu.memory_space<vmem>>, vector<16xf32>,
    %get3A_906 = vector.shape_cast %get3A_905 : vector<16xf32> to vector<16xf32>
    %sub3A_907 = arith.subf %get3A_906, %get3A_894 : vector<16xf32>
    %mul3A_908 = arith.mulf %div3A_903, %sub3A_907 : vector<16xf32>
    %add3A_909 = arith.addf %get3A_891, %mul3A_908 : vector<16xf32>
    %swap3A_910 = arith.constant 192 : index
    %swap3A_911 = tpu.vector_load %arg14[%swap3A_910] {strides = array<i32>} : memref<1024xf32, #tpu.memory_space<vmem>>, vector<16xf32>,
    %swap3A_912 = vector.shape_cast %swap3A_911 : vector<16xf32> to vector<16xf32>
    %swap3A_913 = vector.shape_cast %add3A_909 : vector<16xf32> to vector<16xf32>
    tpu.vector_store %arg14[%swap3A_910], %swap3A_913 {strides = array<i32>} : memref<1024xf32, #tpu.memory_space<vmem>>, vector<16xf32>,
    %get3A_914 = arith.constant 208 : index
    %get3A_915 = tpu.vector_load %arg10[%get3A_914] {strides = array<i32>} : memref<1024xf32, #tpu.memory_space<vmem>>, vector<16xf32>,
    %get3A_916 = vector.shape_cast %get3A_915 : vector<16xf32> to vector<16xf32>
    %get3A_917 = arith.constant 208 : index
    %get3A_918 = tpu.vector_load %arg12[%get3A_917] {strides = array<i32>} : memref<1024xf32, #tpu.memory_space<vmem>>, vector<16xf32>,
    %get3A_919 = vector.shape_cast %get3A_918 : vector<16xf32> to vector<16xf32>
    %get3A_920 = arith.constant 208 : index
    %get3A_921 = tpu.vector_load %arg11[%get3A_920] {strides = array<i32>} : memref<1024xf32, #tpu.memory_space<vmem>>, vector<16xf32>,
    %get3A_922 = vector.shape_cast %get3A_921 : vector<16xf32> to vector<16xf32>
    %sub3A_923 = arith.subf %get3A_922, %get3A_916 : vector<16xf32>
    %get3A_924 = arith.constant 208 : index
    %get3A_925 = tpu.vector_load %arg13[%get3A_924] {strides = array<i32>} : memref<1024xf32, #tpu.memory_space<vmem>>, vector<16xf32>,
    %get3A_926 = vector.shape_cast %get3A_925 : vector<16xf32> to vector<16xf32>
    %sub3A_927 = arith.subf %get3A_926, %get3A_919 : vector<16xf32>
    %div3A_928 = arith.divf %sub3A_923, %sub3A_927 : vector<16xf32>
    %get3A_929 = arith.constant 208 : index
    %get3A_930 = tpu.vector_load %arg9[%get3A_929] {strides = array<i32>} : memref<1024xf32, #tpu.memory_space<vmem>>, vector<16xf32>,
    %get3A_931 = vector.shape_cast %get3A_930 : vector<16xf32> to vector<16xf32>
    %sub3A_932 = arith.subf %get3A_931, %get3A_919 : vector<16xf32>
    %mul3A_933 = arith.mulf %div3A_928, %sub3A_932 : vector<16xf32>
    %add3A_934 = arith.addf %get3A_916, %mul3A_933 : vector<16xf32>
    %swap3A_935 = arith.constant 208 : index
    %swap3A_936 = tpu.vector_load %arg14[%swap3A_935] {strides = array<i32>} : memref<1024xf32, #tpu.memory_space<vmem>>, vector<16xf32>,
    %swap3A_937 = vector.shape_cast %swap3A_936 : vector<16xf32> to vector<16xf32>
    %swap3A_938 = vector.shape_cast %add3A_934 : vector<16xf32> to vector<16xf32>
    tpu.vector_store %arg14[%swap3A_935], %swap3A_938 {strides = array<i32>} : memref<1024xf32, #tpu.memory_space<vmem>>, vector<16xf32>,
    %get3A_939 = arith.constant 224 : index
    %get3A_940 = tpu.vector_load %arg10[%get3A_939] {strides = array<i32>} : memref<1024xf32, #tpu.memory_space<vmem>>, vector<16xf32>,
    %get3A_941 = vector.shape_cast %get3A_940 : vector<16xf32> to vector<16xf32>
    %get3A_942 = arith.constant 224 : index
    %get3A_943 = tpu.vector_load %arg12[%get3A_942] {strides = array<i32>} : memref<1024xf32, #tpu.memory_space<vmem>>, vector<16xf32>,
    %get3A_944 = vector.shape_cast %get3A_943 : vector<16xf32> to vector<16xf32>
    %get3A_945 = arith.constant 224 : index
    %get3A_946 = tpu.vector_load %arg11[%get3A_945] {strides = array<i32>} : memref<1024xf32, #tpu.memory_space<vmem>>, vector<16xf32>,
    %get3A_947 = vector.shape_cast %get3A_946 : vector<16xf32> to vector<16xf32>
    %sub3A_948 = arith.subf %get3A_947, %get3A_941 : vector<16xf32>
    %get3A_949 = arith.constant 224 : index
    %get3A_950 = tpu.vector_load %arg13[%get3A_949] {strides = array<i32>} : memref<1024xf32, #tpu.memory_space<vmem>>, vector<16xf32>,
    %get3A_951 = vector.shape_cast %get3A_950 : vector<16xf32> to vector<16xf32>
    %sub3A_952 = arith.subf %get3A_951, %get3A_944 : vector<16xf32>
    %div3A_953 = arith.divf %sub3A_948, %sub3A_952 : vector<16xf32>
    %get3A_954 = arith.constant 224 : index
    %get3A_955 = tpu.vector_load %arg9[%get3A_954] {strides = array<i32>} : memref<1024xf32, #tpu.memory_space<vmem>>, vector<16xf32>,
    %get3A_956 = vector.shape_cast %get3A_955 : vector<16xf32> to vector<16xf32>
    %sub3A_957 = arith.subf %get3A_956, %get3A_944 : vector<16xf32>
    %mul3A_958 = arith.mulf %div3A_953, %sub3A_957 : vector<16xf32>
    %add3A_959 = arith.addf %get3A_941, %mul3A_958 : vector<16xf32>
    %swap3A_960 = arith.constant 224 : index
    %swap3A_961 = tpu.vector_load %arg14[%swap3A_960] {strides = array<i32>} : memref<1024xf32, #tpu.memory_space<vmem>>, vector<16xf32>,
    %swap3A_962 = vector.shape_cast %swap3A_961 : vector<16xf32> to vector<16xf32>
    %swap3A_963 = vector.shape_cast %add3A_959 : vector<16xf32> to vector<16xf32>
    tpu.vector_store %arg14[%swap3A_960], %swap3A_963 {strides = array<i32>} : memref<1024xf32, #tpu.memory_space<vmem>>, vector<16xf32>,
    %get3A_964 = arith.constant 240 : index
    %get3A_965 = tpu.vector_load %arg10[%get3A_964] {strides = array<i32>} : memref<1024xf32, #tpu.memory_space<vmem>>, vector<16xf32>,
    %get3A_966 = vector.shape_cast %get3A_965 : vector<16xf32> to vector<16xf32>
    %get3A_967 = arith.constant 240 : index
    %get3A_968 = tpu.vector_load %arg12[%get3A_967] {strides = array<i32>} : memref<1024xf32, #tpu.memory_space<vmem>>, vector<16xf32>,
    %get3A_969 = vector.shape_cast %get3A_968 : vector<16xf32> to vector<16xf32>
    %get3A_970 = arith.constant 240 : index
    %get3A_971 = tpu.vector_load %arg11[%get3A_970] {strides = array<i32>} : memref<1024xf32, #tpu.memory_space<vmem>>, vector<16xf32>,
    %get3A_972 = vector.shape_cast %get3A_971 : vector<16xf32> to vector<16xf32>
    %sub3A_973 = arith.subf %get3A_972, %get3A_966 : vector<16xf32>
    %get3A_974 = arith.constant 240 : index
    %get3A_975 = tpu.vector_load %arg13[%get3A_974] {strides = array<i32>} : memref<1024xf32, #tpu.memory_space<vmem>>, vector<16xf32>,
    %get3A_976 = vector.shape_cast %get3A_975 : vector<16xf32> to vector<16xf32>
    %sub3A_977 = arith.subf %get3A_976, %get3A_969 : vector<16xf32>
    %div3A_978 = arith.divf %sub3A_973, %sub3A_977 : vector<16xf32>
    %get3A_979 = arith.constant 240 : index
    %get3A_980 = tpu.vector_load %arg9[%get3A_979] {strides = array<i32>} : memref<1024xf32, #tpu.memory_space<vmem>>, vector<16xf32>,
    %get3A_981 = vector.shape_cast %get3A_980 : vector<16xf32> to vector<16xf32>
    %sub3A_982 = arith.subf %get3A_981, %get3A_969 : vector<16xf32>
    %mul3A_983 = arith.mulf %div3A_978, %sub3A_982 : vector<16xf32>
    %add3A_984 = arith.addf %get3A_966, %mul3A_983 : vector<16xf32>
    %swap3A_985 = arith.constant 240 : index
    %swap3A_986 = tpu.vector_load %arg14[%swap3A_985] {strides = array<i32>} : memref<1024xf32, #tpu.memory_space<vmem>>, vector<16xf32>,
    %swap3A_987 = vector.shape_cast %swap3A_986 : vector<16xf32> to vector<16xf32>
    %swap3A_988 = vector.shape_cast %add3A_984 : vector<16xf32> to vector<16xf32>
    tpu.vector_store %arg14[%swap3A_985], %swap3A_988 {strides = array<i32>} : memref<1024xf32, #tpu.memory_space<vmem>>, vector<16xf32>,
    %get3A_989 = arith.constant 256 : index
    %get3A_990 = tpu.vector_load %arg10[%get3A_989] {strides = array<i32>} : memref<1024xf32, #tpu.memory_space<vmem>>, vector<16xf32>,
    %get3A_991 = vector.shape_cast %get3A_990 : vector<16xf32> to vector<16xf32>
    %get3A_992 = arith.constant 256 : index
    %get3A_993 = tpu.vector_load %arg12[%get3A_992] {strides = array<i32>} : memref<1024xf32, #tpu.memory_space<vmem>>, vector<16xf32>,
    %get3A_994 = vector.shape_cast %get3A_993 : vector<16xf32> to vector<16xf32>
    %get3A_995 = arith.constant 256 : index
    %get3A_996 = tpu.vector_load %arg11[%get3A_995] {strides = array<i32>} : memref<1024xf32, #tpu.memory_space<vmem>>, vector<16xf32>,
    %get3A_997 = vector.shape_cast %get3A_996 : vector<16xf32> to vector<16xf32>
    %sub3A_998 = arith.subf %get3A_997, %get3A_991 : vector<16xf32>
    %get3A_999 = arith.constant 256 : index
    %get3A_1000 = tpu.vector_load %arg13[%get3A_999] {strides = array<i32>} : memref<1024xf32, #tpu.memory_space<vmem>>, vector<16xf32>,
    %get3A_1001 = vector.shape_cast %get3A_1000 : vector<16xf32> to vector<16xf32>
    %sub3A_1002 = arith.subf %get3A_1001, %get3A_994 : vector<16xf32>
    %div3A_1003 = arith.divf %sub3A_998, %sub3A_1002 : vector<16xf32>
    %get3A_1004 = arith.constant 256 : index
    %get3A_1005 = tpu.vector_load %arg9[%get3A_1004] {strides = array<i32>} : memref<1024xf32, #tpu.memory_space<vmem>>, vector<16xf32>,
    %get3A_1006 = vector.shape_cast %get3A_1005 : vector<16xf32> to vector<16xf32>
    %sub3A_1007 = arith.subf %get3A_1006, %get3A_994 : vector<16xf32>
    %mul3A_1008 = arith.mulf %div3A_1003, %sub3A_1007 : vector<16xf32>
    %add3A_1009 = arith.addf %get3A_991, %mul3A_1008 : vector<16xf32>
    %swap3A_1010 = arith.constant 256 : index
    %swap3A_1011 = tpu.vector_load %arg14[%swap3A_1010] {strides = array<i32>} : memref<1024xf32, #tpu.memory_space<vmem>>, vector<16xf32>,
    %swap3A_1012 = vector.shape_cast %swap3A_1011 : vector<16xf32> to vector<16xf32>
    %swap3A_1013 = vector.shape_cast %add3A_1009 : vector<16xf32> to vector<16xf32>
    tpu.vector_store %arg14[%swap3A_1010], %swap3A_1013 {strides = array<i32>} : memref<1024xf32, #tpu.memory_space<vmem>>, vector<16xf32>,
    %get3A_1014 = arith.constant 272 : index
    %get3A_1015 = tpu.vector_load %arg10[%get3A_1014] {strides = array<i32>} : memref<1024xf32, #tpu.memory_space<vmem>>, vector<16xf32>,
    %get3A_1016 = vector.shape_cast %get3A_1015 : vector<16xf32> to vector<16xf32>
    %get3A_1017 = arith.constant 272 : index
    %get3A_1018 = tpu.vector_load %arg12[%get3A_1017] {strides = array<i32>} : memref<1024xf32, #tpu.memory_space<vmem>>, vector<16xf32>,
    %get3A_1019 = vector.shape_cast %get3A_1018 : vector<16xf32> to vector<16xf32>
    %get3A_1020 = arith.constant 272 : index
    %get3A_1021 = tpu.vector_load %arg11[%get3A_1020] {strides = array<i32>} : memref<1024xf32, #tpu.memory_space<vmem>>, vector<16xf32>,
    %get3A_1022 = vector.shape_cast %get3A_1021 : vector<16xf32> to vector<16xf32>
    %sub3A_1023 = arith.subf %get3A_1022, %get3A_1016 : vector<16xf32>
    %get3A_1024 = arith.constant 272 : index
    %get3A_1025 = tpu.vector_load %arg13[%get3A_1024] {strides = array<i32>} : memref<1024xf32, #tpu.memory_space<vmem>>, vector<16xf32>,
    %get3A_1026 = vector.shape_cast %get3A_1025 : vector<16xf32> to vector<16xf32>
    %sub3A_1027 = arith.subf %get3A_1026, %get3A_1019 : vector<16xf32>
    %div3A_1028 = arith.divf %sub3A_1023, %sub3A_1027 : vector<16xf32>
    %get3A_1029 = arith.constant 272 : index
    %get3A_1030 = tpu.vector_load %arg9[%get3A_1029] {strides = array<i32>} : memref<1024xf32, #tpu.memory_space<vmem>>, vector<16xf32>,
    %get3A_1031 = vector.shape_cast %get3A_1030 : vector<16xf32> to vector<16xf32>
    %sub3A_1032 = arith.subf %get3A_1031, %get3A_1019 : vector<16xf32>
    %mul3A_1033 = arith.mulf %div3A_1028, %sub3A_1032 : vector<16xf32>
    %add3A_1034 = arith.addf %get3A_1016, %mul3A_1033 : vector<16xf32>
    %swap3A_1035 = arith.constant 272 : index
    %swap3A_1036 = tpu.vector_load %arg14[%swap3A_1035] {strides = array<i32>} : memref<1024xf32, #tpu.memory_space<vmem>>, vector<16xf32>,
    %swap3A_1037 = vector.shape_cast %swap3A_1036 : vector<16xf32> to vector<16xf32>
    %swap3A_1038 = vector.shape_cast %add3A_1034 : vector<16xf32> to vector<16xf32>
    tpu.vector_store %arg14[%swap3A_1035], %swap3A_1038 {strides = array<i32>} : memref<1024xf32, #tpu.memory_space<vmem>>, vector<16xf32>,
    %get3A_1039 = arith.constant 288 : index
    %get3A_1040 = tpu.vector_load %arg10[%get3A_1039] {strides = array<i32>} : memref<1024xf32, #tpu.memory_space<vmem>>, vector<16xf32>,
    %get3A_1041 = vector.shape_cast %get3A_1040 : vector<16xf32> to vector<16xf32>
    %get3A_1042 = arith.constant 288 : index
    %get3A_1043 = tpu.vector_load %arg12[%get3A_1042] {strides = array<i32>} : memref<1024xf32, #tpu.memory_space<vmem>>, vector<16xf32>,
    %get3A_1044 = vector.shape_cast %get3A_1043 : vector<16xf32> to vector<16xf32>
    %get3A_1045 = arith.constant 288 : index
    %get3A_1046 = tpu.vector_load %arg11[%get3A_1045] {strides = array<i32>} : memref<1024xf32, #tpu.memory_space<vmem>>, vector<16xf32>,
    %get3A_1047 = vector.shape_cast %get3A_1046 : vector<16xf32> to vector<16xf32>
    %sub3A_1048 = arith.subf %get3A_1047, %get3A_1041 : vector<16xf32>
    %get3A_1049 = arith.constant 288 : index
    %get3A_1050 = tpu.vector_load %arg13[%get3A_1049] {strides = array<i32>} : memref<1024xf32, #tpu.memory_space<vmem>>, vector<16xf32>,
    %get3A_1051 = vector.shape_cast %get3A_1050 : vector<16xf32> to vector<16xf32>
    %sub3A_1052 = arith.subf %get3A_1051, %get3A_1044 : vector<16xf32>
    %div3A_1053 = arith.divf %sub3A_1048, %sub3A_1052 : vector<16xf32>
    %get3A_1054 = arith.constant 288 : index
    %get3A_1055 = tpu.vector_load %arg9[%get3A_1054] {strides = array<i32>} : memref<1024xf32, #tpu.memory_space<vmem>>, vector<16xf32>,
    %get3A_1056 = vector.shape_cast %get3A_1055 : vector<16xf32> to vector<16xf32>
    %sub3A_1057 = arith.subf %get3A_1056, %get3A_1044 : vector<16xf32>
    %mul3A_1058 = arith.mulf %div3A_1053, %sub3A_1057 : vector<16xf32>
    %add3A_1059 = arith.addf %get3A_1041, %mul3A_1058 : vector<16xf32>
    %swap3A_1060 = arith.constant 288 : index
    %swap3A_1061 = tpu.vector_load %arg14[%swap3A_1060] {strides = array<i32>} : memref<1024xf32, #tpu.memory_space<vmem>>, vector<16xf32>,
    %swap3A_1062 = vector.shape_cast %swap3A_1061 : vector<16xf32> to vector<16xf32>
    %swap3A_1063 = vector.shape_cast %add3A_1059 : vector<16xf32> to vector<16xf32>
    tpu.vector_store %arg14[%swap3A_1060], %swap3A_1063 {strides = array<i32>} : memref<1024xf32, #tpu.memory_space<vmem>>, vector<16xf32>,
    %get3A_1064 = arith.constant 304 : index
    %get3A_1065 = tpu.vector_load %arg10[%get3A_1064] {strides = array<i32>} : memref<1024xf32, #tpu.memory_space<vmem>>, vector<16xf32>,
    %get3A_1066 = vector.shape_cast %get3A_1065 : vector<16xf32> to vector<16xf32>
    %get3A_1067 = arith.constant 304 : index
    %get3A_1068 = tpu.vector_load %arg12[%get3A_1067] {strides = array<i32>} : memref<1024xf32, #tpu.memory_space<vmem>>, vector<16xf32>,
    %get3A_1069 = vector.shape_cast %get3A_1068 : vector<16xf32> to vector<16xf32>
    %get3A_1070 = arith.constant 304 : index
    %get3A_1071 = tpu.vector_load %arg11[%get3A_1070] {strides = array<i32>} : memref<1024xf32, #tpu.memory_space<vmem>>, vector<16xf32>,
    %get3A_1072 = vector.shape_cast %get3A_1071 : vector<16xf32> to vector<16xf32>
    %sub3A_1073 = arith.subf %get3A_1072, %get3A_1066 : vector<16xf32>
    %get3A_1074 = arith.constant 304 : index
    %get3A_1075 = tpu.vector_load %arg13[%get3A_1074] {strides = array<i32>} : memref<1024xf32, #tpu.memory_space<vmem>>, vector<16xf32>,
    %get3A_1076 = vector.shape_cast %get3A_1075 : vector<16xf32> to vector<16xf32>
    %sub3A_1077 = arith.subf %get3A_1076, %get3A_1069 : vector<16xf32>
    %div3A_1078 = arith.divf %sub3A_1073, %sub3A_1077 : vector<16xf32>
    %get3A_1079 = arith.constant 304 : index
    %get3A_1080 = tpu.vector_load %arg9[%get3A_1079] {strides = array<i32>} : memref<1024xf32, #tpu.memory_space<vmem>>, vector<16xf32>,
    %get3A_1081 = vector.shape_cast %get3A_1080 : vector<16xf32> to vector<16xf32>
    %sub3A_1082 = arith.subf %get3A_1081, %get3A_1069 : vector<16xf32>
    %mul3A_1083 = arith.mulf %div3A_1078, %sub3A_1082 : vector<16xf32>
    %add3A_1084 = arith.addf %get3A_1066, %mul3A_1083 : vector<16xf32>
    %swap3A_1085 = arith.constant 304 : index
    %swap3A_1086 = tpu.vector_load %arg14[%swap3A_1085] {strides = array<i32>} : memref<1024xf32, #tpu.memory_space<vmem>>, vector<16xf32>,
    %swap3A_1087 = vector.shape_cast %swap3A_1086 : vector<16xf32> to vector<16xf32>
    %swap3A_1088 = vector.shape_cast %add3A_1084 : vector<16xf32> to vector<16xf32>
    tpu.vector_store %arg14[%swap3A_1085], %swap3A_1088 {strides = array<i32>} : memref<1024xf32, #tpu.memory_space<vmem>>, vector<16xf32>,
    %get3A_1089 = arith.constant 320 : index
    %get3A_1090 = tpu.vector_load %arg10[%get3A_1089] {strides = array<i32>} : memref<1024xf32, #tpu.memory_space<vmem>>, vector<16xf32>,
    %get3A_1091 = vector.shape_cast %get3A_1090 : vector<16xf32> to vector<16xf32>
    %get3A_1092 = arith.constant 320 : index
    %get3A_1093 = tpu.vector_load %arg12[%get3A_1092] {strides = array<i32>} : memref<1024xf32, #tpu.memory_space<vmem>>, vector<16xf32>,
    %get3A_1094 = vector.shape_cast %get3A_1093 : vector<16xf32> to vector<16xf32>
    %get3A_1095 = arith.constant 320 : index
    %get3A_1096 = tpu.vector_load %arg11[%get3A_1095] {strides = array<i32>} : memref<1024xf32, #tpu.memory_space<vmem>>, vector<16xf32>,
    %get3A_1097 = vector.shape_cast %get3A_1096 : vector<16xf32> to vector<16xf32>
    %sub3A_1098 = arith.subf %get3A_1097, %get3A_1091 : vector<16xf32>
    %get3A_1099 = arith.constant 320 : index
    %get3A_1100 = tpu.vector_load %arg13[%get3A_1099] {strides = array<i32>} : memref<1024xf32, #tpu.memory_space<vmem>>, vector<16xf32>,
    %get3A_1101 = vector.shape_cast %get3A_1100 : vector<16xf32> to vector<16xf32>
    %sub3A_1102 = arith.subf %get3A_1101, %get3A_1094 : vector<16xf32>
    %div3A_1103 = arith.divf %sub3A_1098, %sub3A_1102 : vector<16xf32>
    %get3A_1104 = arith.constant 320 : index
    %get3A_1105 = tpu.vector_load %arg9[%get3A_1104] {strides = array<i32>} : memref<1024xf32, #tpu.memory_space<vmem>>, vector<16xf32>,
    %get3A_1106 = vector.shape_cast %get3A_1105 : vector<16xf32> to vector<16xf32>
    %sub3A_1107 = arith.subf %get3A_1106, %get3A_1094 : vector<16xf32>
    %mul3A_1108 = arith.mulf %div3A_1103, %sub3A_1107 : vector<16xf32>
    %add3A_1109 = arith.addf %get3A_1091, %mul3A_1108 : vector<16xf32>
    %swap3A_1110 = arith.constant 320 : index
    %swap3A_1111 = tpu.vector_load %arg14[%swap3A_1110] {strides = array<i32>} : memref<1024xf32, #tpu.memory_space<vmem>>, vector<16xf32>,
    %swap3A_1112 = vector.shape_cast %swap3A_1111 : vector<16xf32> to vector<16xf32>
    %swap3A_1113 = vector.shape_cast %add3A_1109 : vector<16xf32> to vector<16xf32>
    tpu.vector_store %arg14[%swap3A_1110], %swap3A_1113 {strides = array<i32>} : memref<1024xf32, #tpu.memory_space<vmem>>, vector<16xf32>,
    %get3A_1114 = arith.constant 336 : index
    %get3A_1115 = tpu.vector_load %arg10[%get3A_1114] {strides = array<i32>} : memref<1024xf32, #tpu.memory_space<vmem>>, vector<16xf32>,
    %get3A_1116 = vector.shape_cast %get3A_1115 : vector<16xf32> to vector<16xf32>
    %get3A_1117 = arith.constant 336 : index
    %get3A_1118 = tpu.vector_load %arg12[%get3A_1117] {strides = array<i32>} : memref<1024xf32, #tpu.memory_space<vmem>>, vector<16xf32>,
    %get3A_1119 = vector.shape_cast %get3A_1118 : vector<16xf32> to vector<16xf32>
    %get3A_1120 = arith.constant 336 : index
    %get3A_1121 = tpu.vector_load %arg11[%get3A_1120] {strides = array<i32>} : memref<1024xf32, #tpu.memory_space<vmem>>, vector<16xf32>,
    %get3A_1122 = vector.shape_cast %get3A_1121 : vector<16xf32> to vector<16xf32>
    %sub3A_1123 = arith.subf %get3A_1122, %get3A_1116 : vector<16xf32>
    %get3A_1124 = arith.constant 336 : index
    %get3A_1125 = tpu.vector_load %arg13[%get3A_1124] {strides = array<i32>} : memref<1024xf32, #tpu.memory_space<vmem>>, vector<16xf32>,
    %get3A_1126 = vector.shape_cast %get3A_1125 : vector<16xf32> to vector<16xf32>
    %sub3A_1127 = arith.subf %get3A_1126, %get3A_1119 : vector<16xf32>
    %div3A_1128 = arith.divf %sub3A_1123, %sub3A_1127 : vector<16xf32>
    %get3A_1129 = arith.constant 336 : index
    %get3A_1130 = tpu.vector_load %arg9[%get3A_1129] {strides = array<i32>} : memref<1024xf32, #tpu.memory_space<vmem>>, vector<16xf32>,
    %get3A_1131 = vector.shape_cast %get3A_1130 : vector<16xf32> to vector<16xf32>
    %sub3A_1132 = arith.subf %get3A_1131, %get3A_1119 : vector<16xf32>
    %mul3A_1133 = arith.mulf %div3A_1128, %sub3A_1132 : vector<16xf32>
    %add3A_1134 = arith.addf %get3A_1116, %mul3A_1133 : vector<16xf32>
    %swap3A_1135 = arith.constant 336 : index
    %swap3A_1136 = tpu.vector_load %arg14[%swap3A_1135] {strides = array<i32>} : memref<1024xf32, #tpu.memory_space<vmem>>, vector<16xf32>,
    %swap3A_1137 = vector.shape_cast %swap3A_1136 : vector<16xf32> to vector<16xf32>
    %swap3A_1138 = vector.shape_cast %add3A_1134 : vector<16xf32> to vector<16xf32>
    tpu.vector_store %arg14[%swap3A_1135], %swap3A_1138 {strides = array<i32>} : memref<1024xf32, #tpu.memory_space<vmem>>, vector<16xf32>,
    %get3A_1139 = arith.constant 352 : index
    %get3A_1140 = tpu.vector_load %arg10[%get3A_1139] {strides = array<i32>} : memref<1024xf32, #tpu.memory_space<vmem>>, vector<16xf32>,
    %get3A_1141 = vector.shape_cast %get3A_1140 : vector<16xf32> to vector<16xf32>
    %get3A_1142 = arith.constant 352 : index
    %get3A_1143 = tpu.vector_load %arg12[%get3A_1142] {strides = array<i32>} : memref<1024xf32, #tpu.memory_space<vmem>>, vector<16xf32>,
    %get3A_1144 = vector.shape_cast %get3A_1143 : vector<16xf32> to vector<16xf32>
    %get3A_1145 = arith.constant 352 : index
    %get3A_1146 = tpu.vector_load %arg11[%get3A_1145] {strides = array<i32>} : memref<1024xf32, #tpu.memory_space<vmem>>, vector<16xf32>,
    %get3A_1147 = vector.shape_cast %get3A_1146 : vector<16xf32> to vector<16xf32>
    %sub3A_1148 = arith.subf %get3A_1147, %get3A_1141 : vector<16xf32>
    %get3A_1149 = arith.constant 352 : index
    %get3A_1150 = tpu.vector_load %arg13[%get3A_1149] {strides = array<i32>} : memref<1024xf32, #tpu.memory_space<vmem>>, vector<16xf32>,
    %get3A_1151 = vector.shape_cast %get3A_1150 : vector<16xf32> to vector<16xf32>
    %sub3A_1152 = arith.subf %get3A_1151, %get3A_1144 : vector<16xf32>
    %div3A_1153 = arith.divf %sub3A_1148, %sub3A_1152 : vector<16xf32>
    %get3A_1154 = arith.constant 352 : index
    %get3A_1155 = tpu.vector_load %arg9[%get3A_1154] {strides = array<i32>} : memref<1024xf32, #tpu.memory_space<vmem>>, vector<16xf32>,
    %get3A_1156 = vector.shape_cast %get3A_1155 : vector<16xf32> to vector<16xf32>
    %sub3A_1157 = arith.subf %get3A_1156, %get3A_1144 : vector<16xf32>
    %mul3A_1158 = arith.mulf %div3A_1153, %sub3A_1157 : vector<16xf32>
    %add3A_1159 = arith.addf %get3A_1141, %mul3A_1158 : vector<16xf32>
    %swap3A_1160 = arith.constant 352 : index
    %swap3A_1161 = tpu.vector_load %arg14[%swap3A_1160] {strides = array<i32>} : memref<1024xf32, #tpu.memory_space<vmem>>, vector<16xf32>,
    %swap3A_1162 = vector.shape_cast %swap3A_1161 : vector<16xf32> to vector<16xf32>
    %swap3A_1163 = vector.shape_cast %add3A_1159 : vector<16xf32> to vector<16xf32>
    tpu.vector_store %arg14[%swap3A_1160], %swap3A_1163 {strides = array<i32>} : memref<1024xf32, #tpu.memory_space<vmem>>, vector<16xf32>,
    %get3A_1164 = arith.constant 368 : index
    %get3A_1165 = tpu.vector_load %arg10[%get3A_1164] {strides = array<i32>} : memref<1024xf32, #tpu.memory_space<vmem>>, vector<16xf32>,
    %get3A_1166 = vector.shape_cast %get3A_1165 : vector<16xf32> to vector<16xf32>
    %get3A_1167 = arith.constant 368 : index
    %get3A_1168 = tpu.vector_load %arg12[%get3A_1167] {strides = array<i32>} : memref<1024xf32, #tpu.memory_space<vmem>>, vector<16xf32>,
    %get3A_1169 = vector.shape_cast %get3A_1168 : vector<16xf32> to vector<16xf32>
    %get3A_1170 = arith.constant 368 : index
    %get3A_1171 = tpu.vector_load %arg11[%get3A_1170] {strides = array<i32>} : memref<1024xf32, #tpu.memory_space<vmem>>, vector<16xf32>,
    %get3A_1172 = vector.shape_cast %get3A_1171 : vector<16xf32> to vector<16xf32>
    %sub3A_1173 = arith.subf %get3A_1172, %get3A_1166 : vector<16xf32>
    %get3A_1174 = arith.constant 368 : index
    %get3A_1175 = tpu.vector_load %arg13[%get3A_1174] {strides = array<i32>} : memref<1024xf32, #tpu.memory_space<vmem>>, vector<16xf32>,
    %get3A_1176 = vector.shape_cast %get3A_1175 : vector<16xf32> to vector<16xf32>
    %sub3A_1177 = arith.subf %get3A_1176, %get3A_1169 : vector<16xf32>
    %div3A_1178 = arith.divf %sub3A_1173, %sub3A_1177 : vector<16xf32>
    %get3A_1179 = arith.constant 368 : index
    %get3A_1180 = tpu.vector_load %arg9[%get3A_1179] {strides = array<i32>} : memref<1024xf32, #tpu.memory_space<vmem>>, vector<16xf32>,
    %get3A_1181 = vector.shape_cast %get3A_1180 : vector<16xf32> to vector<16xf32>
    %sub3A_1182 = arith.subf %get3A_1181, %get3A_1169 : vector<16xf32>
    %mul3A_1183 = arith.mulf %div3A_1178, %sub3A_1182 : vector<16xf32>
    %add3A_1184 = arith.addf %get3A_1166, %mul3A_1183 : vector<16xf32>
    %swap3A_1185 = arith.constant 368 : index
    %swap3A_1186 = tpu.vector_load %arg14[%swap3A_1185] {strides = array<i32>} : memref<1024xf32, #tpu.memory_space<vmem>>, vector<16xf32>,
    %swap3A_1187 = vector.shape_cast %swap3A_1186 : vector<16xf32> to vector<16xf32>
    %swap3A_1188 = vector.shape_cast %add3A_1184 : vector<16xf32> to vector<16xf32>
    tpu.vector_store %arg14[%swap3A_1185], %swap3A_1188 {strides = array<i32>} : memref<1024xf32, #tpu.memory_space<vmem>>, vector<16xf32>,
    %get3A_1189 = arith.constant 384 : index
    %get3A_1190 = tpu.vector_load %arg10[%get3A_1189] {strides = array<i32>} : memref<1024xf32, #tpu.memory_space<vmem>>, vector<16xf32>,
    %get3A_1191 = vector.shape_cast %get3A_1190 : vector<16xf32> to vector<16xf32>
    %get3A_1192 = arith.constant 384 : index
    %get3A_1193 = tpu.vector_load %arg12[%get3A_1192] {strides = array<i32>} : memref<1024xf32, #tpu.memory_space<vmem>>, vector<16xf32>,
    %get3A_1194 = vector.shape_cast %get3A_1193 : vector<16xf32> to vector<16xf32>
    %get3A_1195 = arith.constant 384 : index
    %get3A_1196 = tpu.vector_load %arg11[%get3A_1195] {strides = array<i32>} : memref<1024xf32, #tpu.memory_space<vmem>>, vector<16xf32>,
    %get3A_1197 = vector.shape_cast %get3A_1196 : vector<16xf32> to vector<16xf32>
    %sub3A_1198 = arith.subf %get3A_1197, %get3A_1191 : vector<16xf32>
    %get3A_1199 = arith.constant 384 : index
    %get3A_1200 = tpu.vector_load %arg13[%get3A_1199] {strides = array<i32>} : memref<1024xf32, #tpu.memory_space<vmem>>, vector<16xf32>,
    %get3A_1201 = vector.shape_cast %get3A_1200 : vector<16xf32> to vector<16xf32>
    %sub3A_1202 = arith.subf %get3A_1201, %get3A_1194 : vector<16xf32>
    %div3A_1203 = arith.divf %sub3A_1198, %sub3A_1202 : vector<16xf32>
    %get3A_1204 = arith.constant 384 : index
    %get3A_1205 = tpu.vector_load %arg9[%get3A_1204] {strides = array<i32>} : memref<1024xf32, #tpu.memory_space<vmem>>, vector<16xf32>,
    %get3A_1206 = vector.shape_cast %get3A_1205 : vector<16xf32> to vector<16xf32>
    %sub3A_1207 = arith.subf %get3A_1206, %get3A_1194 : vector<16xf32>
    %mul3A_1208 = arith.mulf %div3A_1203, %sub3A_1207 : vector<16xf32>
    %add3A_1209 = arith.addf %get3A_1191, %mul3A_1208 : vector<16xf32>
    %swap3A_1210 = arith.constant 384 : index
    %swap3A_1211 = tpu.vector_load %arg14[%swap3A_1210] {strides = array<i32>} : memref<1024xf32, #tpu.memory_space<vmem>>, vector<16xf32>,
    %swap3A_1212 = vector.shape_cast %swap3A_1211 : vector<16xf32> to vector<16xf32>
    %swap3A_1213 = vector.shape_cast %add3A_1209 : vector<16xf32> to vector<16xf32>
    tpu.vector_store %arg14[%swap3A_1210], %swap3A_1213 {strides = array<i32>} : memref<1024xf32, #tpu.memory_space<vmem>>, vector<16xf32>,
    %get3A_1214 = arith.constant 400 : index
    %get3A_1215 = tpu.vector_load %arg10[%get3A_1214] {strides = array<i32>} : memref<1024xf32, #tpu.memory_space<vmem>>, vector<16xf32>,
    %get3A_1216 = vector.shape_cast %get3A_1215 : vector<16xf32> to vector<16xf32>
    %get3A_1217 = arith.constant 400 : index
    %get3A_1218 = tpu.vector_load %arg12[%get3A_1217] {strides = array<i32>} : memref<1024xf32, #tpu.memory_space<vmem>>, vector<16xf32>,
    %get3A_1219 = vector.shape_cast %get3A_1218 : vector<16xf32> to vector<16xf32>
    %get3A_1220 = arith.constant 400 : index
    %get3A_1221 = tpu.vector_load %arg11[%get3A_1220] {strides = array<i32>} : memref<1024xf32, #tpu.memory_space<vmem>>, vector<16xf32>,
    %get3A_1222 = vector.shape_cast %get3A_1221 : vector<16xf32> to vector<16xf32>
    %sub3A_1223 = arith.subf %get3A_1222, %get3A_1216 : vector<16xf32>
    %get3A_1224 = arith.constant 400 : index
    %get3A_1225 = tpu.vector_load %arg13[%get3A_1224] {strides = array<i32>} : memref<1024xf32, #tpu.memory_space<vmem>>, vector<16xf32>,
    %get3A_1226 = vector.shape_cast %get3A_1225 : vector<16xf32> to vector<16xf32>
    %sub3A_1227 = arith.subf %get3A_1226, %get3A_1219 : vector<16xf32>
    %div3A_1228 = arith.divf %sub3A_1223, %sub3A_1227 : vector<16xf32>
    %get3A_1229 = arith.constant 400 : index
    %get3A_1230 = tpu.vector_load %arg9[%get3A_1229] {strides = array<i32>} : memref<1024xf32, #tpu.memory_space<vmem>>, vector<16xf32>,
    %get3A_1231 = vector.shape_cast %get3A_1230 : vector<16xf32> to vector<16xf32>
    %sub3A_1232 = arith.subf %get3A_1231, %get3A_1219 : vector<16xf32>
    %mul3A_1233 = arith.mulf %div3A_1228, %sub3A_1232 : vector<16xf32>
    %add3A_1234 = arith.addf %get3A_1216, %mul3A_1233 : vector<16xf32>
    %swap3A_1235 = arith.constant 400 : index
    %swap3A_1236 = tpu.vector_load %arg14[%swap3A_1235] {strides = array<i32>} : memref<1024xf32, #tpu.memory_space<vmem>>, vector<16xf32>,
    %swap3A_1237 = vector.shape_cast %swap3A_1236 : vector<16xf32> to vector<16xf32>
    %swap3A_1238 = vector.shape_cast %add3A_1234 : vector<16xf32> to vector<16xf32>
    tpu.vector_store %arg14[%swap3A_1235], %swap3A_1238 {strides = array<i32>} : memref<1024xf32, #tpu.memory_space<vmem>>, vector<16xf32>,
    %get3A_1239 = arith.constant 416 : index
    %get3A_1240 = tpu.vector_load %arg10[%get3A_1239] {strides = array<i32>} : memref<1024xf32, #tpu.memory_space<vmem>>, vector<16xf32>,
    %get3A_1241 = vector.shape_cast %get3A_1240 : vector<16xf32> to vector<16xf32>
    %get3A_1242 = arith.constant 416 : index
    %get3A_1243 = tpu.vector_load %arg12[%get3A_1242] {strides = array<i32>} : memref<1024xf32, #tpu.memory_space<vmem>>, vector<16xf32>,
    %get3A_1244 = vector.shape_cast %get3A_1243 : vector<16xf32> to vector<16xf32>
    %get3A_1245 = arith.constant 416 : index
    %get3A_1246 = tpu.vector_load %arg11[%get3A_1245] {strides = array<i32>} : memref<1024xf32, #tpu.memory_space<vmem>>, vector<16xf32>,
    %get3A_1247 = vector.shape_cast %get3A_1246 : vector<16xf32> to vector<16xf32>
    %sub3A_1248 = arith.subf %get3A_1247, %get3A_1241 : vector<16xf32>
    %get3A_1249 = arith.constant 416 : index
    %get3A_1250 = tpu.vector_load %arg13[%get3A_1249] {strides = array<i32>} : memref<1024xf32, #tpu.memory_space<vmem>>, vector<16xf32>,
    %get3A_1251 = vector.shape_cast %get3A_1250 : vector<16xf32> to vector<16xf32>
    %sub3A_1252 = arith.subf %get3A_1251, %get3A_1244 : vector<16xf32>
    %div3A_1253 = arith.divf %sub3A_1248, %sub3A_1252 : vector<16xf32>
    %get3A_1254 = arith.constant 416 : index
    %get3A_1255 = tpu.vector_load %arg9[%get3A_1254] {strides = array<i32>} : memref<1024xf32, #tpu.memory_space<vmem>>, vector<16xf32>,
    %get3A_1256 = vector.shape_cast %get3A_1255 : vector<16xf32> to vector<16xf32>
    %sub3A_1257 = arith.subf %get3A_1256, %get3A_1244 : vector<16xf32>
    %mul3A_1258 = arith.mulf %div3A_1253, %sub3A_1257 : vector<16xf32>
    %add3A_1259 = arith.addf %get3A_1241, %mul3A_1258 : vector<16xf32>
    %swap3A_1260 = arith.constant 416 : index
    %swap3A_1261 = tpu.vector_load %arg14[%swap3A_1260] {strides = array<i32>} : memref<1024xf32, #tpu.memory_space<vmem>>, vector<16xf32>,
    %swap3A_1262 = vector.shape_cast %swap3A_1261 : vector<16xf32> to vector<16xf32>
    %swap3A_1263 = vector.shape_cast %add3A_1259 : vector<16xf32> to vector<16xf32>
    tpu.vector_store %arg14[%swap3A_1260], %swap3A_1263 {strides = array<i32>} : memref<1024xf32, #tpu.memory_space<vmem>>, vector<16xf32>,
    %get3A_1264 = arith.constant 432 : index
    %get3A_1265 = tpu.vector_load %arg10[%get3A_1264] {strides = array<i32>} : memref<1024xf32, #tpu.memory_space<vmem>>, vector<16xf32>,
    %get3A_1266 = vector.shape_cast %get3A_1265 : vector<16xf32> to vector<16xf32>
    %get3A_1267 = arith.constant 432 : index
    %get3A_1268 = tpu.vector_load %arg12[%get3A_1267] {strides = array<i32>} : memref<1024xf32, #tpu.memory_space<vmem>>, vector<16xf32>,
    %get3A_1269 = vector.shape_cast %get3A_1268 : vector<16xf32> to vector<16xf32>
    %get3A_1270 = arith.constant 432 : index
    %get3A_1271 = tpu.vector_load %arg11[%get3A_1270] {strides = array<i32>} : memref<1024xf32, #tpu.memory_space<vmem>>, vector<16xf32>,
    %get3A_1272 = vector.shape_cast %get3A_1271 : vector<16xf32> to vector<16xf32>
    %sub3A_1273 = arith.subf %get3A_1272, %get3A_1266 : vector<16xf32>
    %get3A_1274 = arith.constant 432 : index
    %get3A_1275 = tpu.vector_load %arg13[%get3A_1274] {strides = array<i32>} : memref<1024xf32, #tpu.memory_space<vmem>>, vector<16xf32>,
    %get3A_1276 = vector.shape_cast %get3A_1275 : vector<16xf32> to vector<16xf32>
    %sub3A_1277 = arith.subf %get3A_1276, %get3A_1269 : vector<16xf32>
    %div3A_1278 = arith.divf %sub3A_1273, %sub3A_1277 : vector<16xf32>
    %get3A_1279 = arith.constant 432 : index
    %get3A_1280 = tpu.vector_load %arg9[%get3A_1279] {strides = array<i32>} : memref<1024xf32, #tpu.memory_space<vmem>>, vector<16xf32>,
    %get3A_1281 = vector.shape_cast %get3A_1280 : vector<16xf32> to vector<16xf32>
    %sub3A_1282 = arith.subf %get3A_1281, %get3A_1269 : vector<16xf32>
    %mul3A_1283 = arith.mulf %div3A_1278, %sub3A_1282 : vector<16xf32>
    %add3A_1284 = arith.addf %get3A_1266, %mul3A_1283 : vector<16xf32>
    %swap3A_1285 = arith.constant 432 : index
    %swap3A_1286 = tpu.vector_load %arg14[%swap3A_1285] {strides = array<i32>} : memref<1024xf32, #tpu.memory_space<vmem>>, vector<16xf32>,
    %swap3A_1287 = vector.shape_cast %swap3A_1286 : vector<16xf32> to vector<16xf32>
    %swap3A_1288 = vector.shape_cast %add3A_1284 : vector<16xf32> to vector<16xf32>
    tpu.vector_store %arg14[%swap3A_1285], %swap3A_1288 {strides = array<i32>} : memref<1024xf32, #tpu.memory_space<vmem>>, vector<16xf32>,
    %get3A_1289 = arith.constant 448 : index
    %get3A_1290 = tpu.vector_load %arg10[%get3A_1289] {strides = array<i32>} : memref<1024xf32, #tpu.memory_space<vmem>>, vector<16xf32>,
    %get3A_1291 = vector.shape_cast %get3A_1290 : vector<16xf32> to vector<16xf32>
    %get3A_1292 = arith.constant 448 : index
    %get3A_1293 = tpu.vector_load %arg12[%get3A_1292] {strides = array<i32>} : memref<1024xf32, #tpu.memory_space<vmem>>, vector<16xf32>,
    %get3A_1294 = vector.shape_cast %get3A_1293 : vector<16xf32> to vector<16xf32>
    %get3A_1295 = arith.constant 448 : index
    %get3A_1296 = tpu.vector_load %arg11[%get3A_1295] {strides = array<i32>} : memref<1024xf32, #tpu.memory_space<vmem>>, vector<16xf32>,
    %get3A_1297 = vector.shape_cast %get3A_1296 : vector<16xf32> to vector<16xf32>
    %sub3A_1298 = arith.subf %get3A_1297, %get3A_1291 : vector<16xf32>
    %get3A_1299 = arith.constant 448 : index
    %get3A_1300 = tpu.vector_load %arg13[%get3A_1299] {strides = array<i32>} : memref<1024xf32, #tpu.memory_space<vmem>>, vector<16xf32>,
    %get3A_1301 = vector.shape_cast %get3A_1300 : vector<16xf32> to vector<16xf32>
    %sub3A_1302 = arith.subf %get3A_1301, %get3A_1294 : vector<16xf32>
    %div3A_1303 = arith.divf %sub3A_1298, %sub3A_1302 : vector<16xf32>
    %get3A_1304 = arith.constant 448 : index
    %get3A_1305 = tpu.vector_load %arg9[%get3A_1304] {strides = array<i32>} : memref<1024xf32, #tpu.memory_space<vmem>>, vector<16xf32>,
    %get3A_1306 = vector.shape_cast %get3A_1305 : vector<16xf32> to vector<16xf32>
    %sub3A_1307 = arith.subf %get3A_1306, %get3A_1294 : vector<16xf32>
    %mul3A_1308 = arith.mulf %div3A_1303, %sub3A_1307 : vector<16xf32>
    %add3A_1309 = arith.addf %get3A_1291, %mul3A_1308 : vector<16xf32>
    %swap3A_1310 = arith.constant 448 : index
    %swap3A_1311 = tpu.vector_load %arg14[%swap3A_1310] {strides = array<i32>} : memref<1024xf32, #tpu.memory_space<vmem>>, vector<16xf32>,
    %swap3A_1312 = vector.shape_cast %swap3A_1311 : vector<16xf32> to vector<16xf32>
    %swap3A_1313 = vector.shape_cast %add3A_1309 : vector<16xf32> to vector<16xf32>
    tpu.vector_store %arg14[%swap3A_1310], %swap3A_1313 {strides = array<i32>} : memref<1024xf32, #tpu.memory_space<vmem>>, vector<16xf32>,
    %get3A_1314 = arith.constant 464 : index
    %get3A_1315 = tpu.vector_load %arg10[%get3A_1314] {strides = array<i32>} : memref<1024xf32, #tpu.memory_space<vmem>>, vector<16xf32>,
    %get3A_1316 = vector.shape_cast %get3A_1315 : vector<16xf32> to vector<16xf32>
    %get3A_1317 = arith.constant 464 : index
    %get3A_1318 = tpu.vector_load %arg12[%get3A_1317] {strides = array<i32>} : memref<1024xf32, #tpu.memory_space<vmem>>, vector<16xf32>,
    %get3A_1319 = vector.shape_cast %get3A_1318 : vector<16xf32> to vector<16xf32>
    %get3A_1320 = arith.constant 464 : index
    %get3A_1321 = tpu.vector_load %arg11[%get3A_1320] {strides = array<i32>} : memref<1024xf32, #tpu.memory_space<vmem>>, vector<16xf32>,
    %get3A_1322 = vector.shape_cast %get3A_1321 : vector<16xf32> to vector<16xf32>
    %sub3A_1323 = arith.subf %get3A_1322, %get3A_1316 : vector<16xf32>
    %get3A_1324 = arith.constant 464 : index
    %get3A_1325 = tpu.vector_load %arg13[%get3A_1324] {strides = array<i32>} : memref<1024xf32, #tpu.memory_space<vmem>>, vector<16xf32>,
    %get3A_1326 = vector.shape_cast %get3A_1325 : vector<16xf32> to vector<16xf32>
    %sub3A_1327 = arith.subf %get3A_1326, %get3A_1319 : vector<16xf32>
    %div3A_1328 = arith.divf %sub3A_1323, %sub3A_1327 : vector<16xf32>
    %get3A_1329 = arith.constant 464 : index
    %get3A_1330 = tpu.vector_load %arg9[%get3A_1329] {strides = array<i32>} : memref<1024xf32, #tpu.memory_space<vmem>>, vector<16xf32>,
    %get3A_1331 = vector.shape_cast %get3A_1330 : vector<16xf32> to vector<16xf32>
    %sub3A_1332 = arith.subf %get3A_1331, %get3A_1319 : vector<16xf32>
    %mul3A_1333 = arith.mulf %div3A_1328, %sub3A_1332 : vector<16xf32>
    %add3A_1334 = arith.addf %get3A_1316, %mul3A_1333 : vector<16xf32>
    %swap3A_1335 = arith.constant 464 : index
    %swap3A_1336 = tpu.vector_load %arg14[%swap3A_1335] {strides = array<i32>} : memref<1024xf32, #tpu.memory_space<vmem>>, vector<16xf32>,
    %swap3A_1337 = vector.shape_cast %swap3A_1336 : vector<16xf32> to vector<16xf32>
    %swap3A_1338 = vector.shape_cast %add3A_1334 : vector<16xf32> to vector<16xf32>
    tpu.vector_store %arg14[%swap3A_1335], %swap3A_1338 {strides = array<i32>} : memref<1024xf32, #tpu.memory_space<vmem>>, vector<16xf32>,
    %get3A_1339 = arith.constant 480 : index
    %get3A_1340 = tpu.vector_load %arg10[%get3A_1339] {strides = array<i32>} : memref<1024xf32, #tpu.memory_space<vmem>>, vector<16xf32>,
    %get3A_1341 = vector.shape_cast %get3A_1340 : vector<16xf32> to vector<16xf32>
    %get3A_1342 = arith.constant 480 : index
    %get3A_1343 = tpu.vector_load %arg12[%get3A_1342] {strides = array<i32>} : memref<1024xf32, #tpu.memory_space<vmem>>, vector<16xf32>,
    %get3A_1344 = vector.shape_cast %get3A_1343 : vector<16xf32> to vector<16xf32>
    %get3A_1345 = arith.constant 480 : index
    %get3A_1346 = tpu.vector_load %arg11[%get3A_1345] {strides = array<i32>} : memref<1024xf32, #tpu.memory_space<vmem>>, vector<16xf32>,
    %get3A_1347 = vector.shape_cast %get3A_1346 : vector<16xf32> to vector<16xf32>
    %sub3A_1348 = arith.subf %get3A_1347, %get3A_1341 : vector<16xf32>
    %get3A_1349 = arith.constant 480 : index
    %get3A_1350 = tpu.vector_load %arg13[%get3A_1349] {strides = array<i32>} : memref<1024xf32, #tpu.memory_space<vmem>>, vector<16xf32>,
    %get3A_1351 = vector.shape_cast %get3A_1350 : vector<16xf32> to vector<16xf32>
    %sub3A_1352 = arith.subf %get3A_1351, %get3A_1344 : vector<16xf32>
    %div3A_1353 = arith.divf %sub3A_1348, %sub3A_1352 : vector<16xf32>
    %get3A_1354 = arith.constant 480 : index
    %get3A_1355 = tpu.vector_load %arg9[%get3A_1354] {strides = array<i32>} : memref<1024xf32, #tpu.memory_space<vmem>>, vector<16xf32>,
    %get3A_1356 = vector.shape_cast %get3A_1355 : vector<16xf32> to vector<16xf32>
    %sub3A_1357 = arith.subf %get3A_1356, %get3A_1344 : vector<16xf32>
    %mul3A_1358 = arith.mulf %div3A_1353, %sub3A_1357 : vector<16xf32>
    %add3A_1359 = arith.addf %get3A_1341, %mul3A_1358 : vector<16xf32>
    %swap3A_1360 = arith.constant 480 : index
    %swap3A_1361 = tpu.vector_load %arg14[%swap3A_1360] {strides = array<i32>} : memref<1024xf32, #tpu.memory_space<vmem>>, vector<16xf32>,
    %swap3A_1362 = vector.shape_cast %swap3A_1361 : vector<16xf32> to vector<16xf32>
    %swap3A_1363 = vector.shape_cast %add3A_1359 : vector<16xf32> to vector<16xf32>
    tpu.vector_store %arg14[%swap3A_1360], %swap3A_1363 {strides = array<i32>} : memref<1024xf32, #tpu.memory_space<vmem>>, vector<16xf32>,
    %get3A_1364 = arith.constant 496 : index
    %get3A_1365 = tpu.vector_load %arg10[%get3A_1364] {strides = array<i32>} : memref<1024xf32, #tpu.memory_space<vmem>>, vector<16xf32>,
    %get3A_1366 = vector.shape_cast %get3A_1365 : vector<16xf32> to vector<16xf32>
    %get3A_1367 = arith.constant 496 : index
    %get3A_1368 = tpu.vector_load %arg12[%get3A_1367] {strides = array<i32>} : memref<1024xf32, #tpu.memory_space<vmem>>, vector<16xf32>,
    %get3A_1369 = vector.shape_cast %get3A_1368 : vector<16xf32> to vector<16xf32>
    %get3A_1370 = arith.constant 496 : index
    %get3A_1371 = tpu.vector_load %arg11[%get3A_1370] {strides = array<i32>} : memref<1024xf32, #tpu.memory_space<vmem>>, vector<16xf32>,
    %get3A_1372 = vector.shape_cast %get3A_1371 : vector<16xf32> to vector<16xf32>
    %sub3A_1373 = arith.subf %get3A_1372, %get3A_1366 : vector<16xf32>
    %get3A_1374 = arith.constant 496 : index
    %get3A_1375 = tpu.vector_load %arg13[%get3A_1374] {strides = array<i32>} : memref<1024xf32, #tpu.memory_space<vmem>>, vector<16xf32>,
    %get3A_1376 = vector.shape_cast %get3A_1375 : vector<16xf32> to vector<16xf32>
    %sub3A_1377 = arith.subf %get3A_1376, %get3A_1369 : vector<16xf32>
    %div3A_1378 = arith.divf %sub3A_1373, %sub3A_1377 : vector<16xf32>
    %get3A_1379 = arith.constant 496 : index
    %get3A_1380 = tpu.vector_load %arg9[%get3A_1379] {strides = array<i32>} : memref<1024xf32, #tpu.memory_space<vmem>>, vector<16xf32>,
    %get3A_1381 = vector.shape_cast %get3A_1380 : vector<16xf32> to vector<16xf32>
    %sub3A_1382 = arith.subf %get3A_1381, %get3A_1369 : vector<16xf32>
    %mul3A_1383 = arith.mulf %div3A_1378, %sub3A_1382 : vector<16xf32>
    %add3A_1384 = arith.addf %get3A_1366, %mul3A_1383 : vector<16xf32>
    %swap3A_1385 = arith.constant 496 : index
    %swap3A_1386 = tpu.vector_load %arg14[%swap3A_1385] {strides = array<i32>} : memref<1024xf32, #tpu.memory_space<vmem>>, vector<16xf32>,
    %swap3A_1387 = vector.shape_cast %swap3A_1386 : vector<16xf32> to vector<16xf32>
    %swap3A_1388 = vector.shape_cast %add3A_1384 : vector<16xf32> to vector<16xf32>
    tpu.vector_store %arg14[%swap3A_1385], %swap3A_1388 {strides = array<i32>} : memref<1024xf32, #tpu.memory_space<vmem>>, vector<16xf32>,
    %add3A_1389 = arith.constant 0 : i32
    %add3A_1390 = arith.addi %mul3A_0, %add3A_1389 : i32
    %dma_start3A_1391 = arith.constant 0 : i32
    %dma_start3A_1392 = tpu.memref_slice %arg14[%dma_start3A_1391] : memref<1024xf32, #tpu.memory_space<vmem>> -> memref<512xf32, #tpu.memory_space<vmem>>
    %dma_start3A_1393 = tpu.memref_slice %arg6[%add3A_1390] : memref<16384xf32, #tpu.memory_space<hbm>> -> memref<512xf32, #tpu.memory_space<hbm>>
    %dma_start3A_1394 = tpu.memref_slice %arg6[%add3A_1390] : memref<16384xf32, #tpu.memory_space<hbm>> -> memref<512xf32, #tpu.memory_space<hbm>>
    %dma_start3A_1395 = arith.constant 0 : i32
    %dma_start3A_1396 = tpu.memref_slice %arg14[%dma_start3A_1395] : memref<1024xf32, #tpu.memory_space<vmem>> -> memref<512xf32, #tpu.memory_space<vmem>>
    tpu.enqueue_dma source(%dma_start3A_1396 : memref<512xf32, #tpu.memory_space<vmem>>) target(%dma_start3A_1394 : memref<512xf32, #tpu.memory_space<hbm>>) target_semaphore(%arg15 : memref<!tpu.dma_semaphore, #tpu.memory_space<semaphore_mem>>)
    %get3A_1397 = arith.constant 512 : index
    %get3A_1398 = tpu.vector_load %arg10[%get3A_1397] {strides = array<i32>} : memref<1024xf32, #tpu.memory_space<vmem>>, vector<16xf32>,
    %get3A_1399 = vector.shape_cast %get3A_1398 : vector<16xf32> to vector<16xf32>
    %get3A_1400 = arith.constant 512 : index
    %get3A_1401 = tpu.vector_load %arg12[%get3A_1400] {strides = array<i32>} : memref<1024xf32, #tpu.memory_space<vmem>>, vector<16xf32>,
    %get3A_1402 = vector.shape_cast %get3A_1401 : vector<16xf32> to vector<16xf32>
    %get3A_1403 = arith.constant 512 : index
    %get3A_1404 = tpu.vector_load %arg11[%get3A_1403] {strides = array<i32>} : memref<1024xf32, #tpu.memory_space<vmem>>, vector<16xf32>,
    %get3A_1405 = vector.shape_cast %get3A_1404 : vector<16xf32> to vector<16xf32>
    %sub3A_1406 = arith.subf %get3A_1405, %get3A_1399 : vector<16xf32>
    %get3A_1407 = arith.constant 512 : index
    %get3A_1408 = tpu.vector_load %arg13[%get3A_1407] {strides = array<i32>} : memref<1024xf32, #tpu.memory_space<vmem>>, vector<16xf32>,
    %get3A_1409 = vector.shape_cast %get3A_1408 : vector<16xf32> to vector<16xf32>
    %sub3A_1410 = arith.subf %get3A_1409, %get3A_1402 : vector<16xf32>
    %div3A_1411 = arith.divf %sub3A_1406, %sub3A_1410 : vector<16xf32>
    %get3A_1412 = arith.constant 512 : index
    %get3A_1413 = tpu.vector_load %arg9[%get3A_1412] {strides = array<i32>} : memref<1024xf32, #tpu.memory_space<vmem>>, vector<16xf32>,
    %get3A_1414 = vector.shape_cast %get3A_1413 : vector<16xf32> to vector<16xf32>
    %sub3A_1415 = arith.subf %get3A_1414, %get3A_1402 : vector<16xf32>
    %mul3A_1416 = arith.mulf %div3A_1411, %sub3A_1415 : vector<16xf32>
    %add3A_1417 = arith.addf %get3A_1399, %mul3A_1416 : vector<16xf32>
    %swap3A_1418 = arith.constant 512 : index
    %swap3A_1419 = tpu.vector_load %arg14[%swap3A_1418] {strides = array<i32>} : memref<1024xf32, #tpu.memory_space<vmem>>, vector<16xf32>,
    %swap3A_1420 = vector.shape_cast %swap3A_1419 : vector<16xf32> to vector<16xf32>
    %swap3A_1421 = vector.shape_cast %add3A_1417 : vector<16xf32> to vector<16xf32>
    tpu.vector_store %arg14[%swap3A_1418], %swap3A_1421 {strides = array<i32>} : memref<1024xf32, #tpu.memory_space<vmem>>, vector<16xf32>,
    %get3A_1422 = arith.constant 528 : index
    %get3A_1423 = tpu.vector_load %arg10[%get3A_1422] {strides = array<i32>} : memref<1024xf32, #tpu.memory_space<vmem>>, vector<16xf32>,
    %get3A_1424 = vector.shape_cast %get3A_1423 : vector<16xf32> to vector<16xf32>
    %get3A_1425 = arith.constant 528 : index
    %get3A_1426 = tpu.vector_load %arg12[%get3A_1425] {strides = array<i32>} : memref<1024xf32, #tpu.memory_space<vmem>>, vector<16xf32>,
    %get3A_1427 = vector.shape_cast %get3A_1426 : vector<16xf32> to vector<16xf32>
    %get3A_1428 = arith.constant 528 : index
    %get3A_1429 = tpu.vector_load %arg11[%get3A_1428] {strides = array<i32>} : memref<1024xf32, #tpu.memory_space<vmem>>, vector<16xf32>,
    %get3A_1430 = vector.shape_cast %get3A_1429 : vector<16xf32> to vector<16xf32>
    %sub3A_1431 = arith.subf %get3A_1430, %get3A_1424 : vector<16xf32>
    %get3A_1432 = arith.constant 528 : index
    %get3A_1433 = tpu.vector_load %arg13[%get3A_1432] {strides = array<i32>} : memref<1024xf32, #tpu.memory_space<vmem>>, vector<16xf32>,
    %get3A_1434 = vector.shape_cast %get3A_1433 : vector<16xf32> to vector<16xf32>
    %sub3A_1435 = arith.subf %get3A_1434, %get3A_1427 : vector<16xf32>
    %div3A_1436 = arith.divf %sub3A_1431, %sub3A_1435 : vector<16xf32>
    %get3A_1437 = arith.constant 528 : index
    %get3A_1438 = tpu.vector_load %arg9[%get3A_1437] {strides = array<i32>} : memref<1024xf32, #tpu.memory_space<vmem>>, vector<16xf32>,
    %get3A_1439 = vector.shape_cast %get3A_1438 : vector<16xf32> to vector<16xf32>
    %sub3A_1440 = arith.subf %get3A_1439, %get3A_1427 : vector<16xf32>
    %mul3A_1441 = arith.mulf %div3A_1436, %sub3A_1440 : vector<16xf32>
    %add3A_1442 = arith.addf %get3A_1424, %mul3A_1441 : vector<16xf32>
    %swap3A_1443 = arith.constant 528 : index
    %swap3A_1444 = tpu.vector_load %arg14[%swap3A_1443] {strides = array<i32>} : memref<1024xf32, #tpu.memory_space<vmem>>, vector<16xf32>,
    %swap3A_1445 = vector.shape_cast %swap3A_1444 : vector<16xf32> to vector<16xf32>
    %swap3A_1446 = vector.shape_cast %add3A_1442 : vector<16xf32> to vector<16xf32>
    tpu.vector_store %arg14[%swap3A_1443], %swap3A_1446 {strides = array<i32>} : memref<1024xf32, #tpu.memory_space<vmem>>, vector<16xf32>,
    %get3A_1447 = arith.constant 544 : index
    %get3A_1448 = tpu.vector_load %arg10[%get3A_1447] {strides = array<i32>} : memref<1024xf32, #tpu.memory_space<vmem>>, vector<16xf32>,
    %get3A_1449 = vector.shape_cast %get3A_1448 : vector<16xf32> to vector<16xf32>
    %get3A_1450 = arith.constant 544 : index
    %get3A_1451 = tpu.vector_load %arg12[%get3A_1450] {strides = array<i32>} : memref<1024xf32, #tpu.memory_space<vmem>>, vector<16xf32>,
    %get3A_1452 = vector.shape_cast %get3A_1451 : vector<16xf32> to vector<16xf32>
    %get3A_1453 = arith.constant 544 : index
    %get3A_1454 = tpu.vector_load %arg11[%get3A_1453] {strides = array<i32>} : memref<1024xf32, #tpu.memory_space<vmem>>, vector<16xf32>,
    %get3A_1455 = vector.shape_cast %get3A_1454 : vector<16xf32> to vector<16xf32>
    %sub3A_1456 = arith.subf %get3A_1455, %get3A_1449 : vector<16xf32>
    %get3A_1457 = arith.constant 544 : index
    %get3A_1458 = tpu.vector_load %arg13[%get3A_1457] {strides = array<i32>} : memref<1024xf32, #tpu.memory_space<vmem>>, vector<16xf32>,
    %get3A_1459 = vector.shape_cast %get3A_1458 : vector<16xf32> to vector<16xf32>
    %sub3A_1460 = arith.subf %get3A_1459, %get3A_1452 : vector<16xf32>
    %div3A_1461 = arith.divf %sub3A_1456, %sub3A_1460 : vector<16xf32>
    %get3A_1462 = arith.constant 544 : index
    %get3A_1463 = tpu.vector_load %arg9[%get3A_1462] {strides = array<i32>} : memref<1024xf32, #tpu.memory_space<vmem>>, vector<16xf32>,
    %get3A_1464 = vector.shape_cast %get3A_1463 : vector<16xf32> to vector<16xf32>
    %sub3A_1465 = arith.subf %get3A_1464, %get3A_1452 : vector<16xf32>
    %mul3A_1466 = arith.mulf %div3A_1461, %sub3A_1465 : vector<16xf32>
    %add3A_1467 = arith.addf %get3A_1449, %mul3A_1466 : vector<16xf32>
    %swap3A_1468 = arith.constant 544 : index
    %swap3A_1469 = tpu.vector_load %arg14[%swap3A_1468] {strides = array<i32>} : memref<1024xf32, #tpu.memory_space<vmem>>, vector<16xf32>,
    %swap3A_1470 = vector.shape_cast %swap3A_1469 : vector<16xf32> to vector<16xf32>
    %swap3A_1471 = vector.shape_cast %add3A_1467 : vector<16xf32> to vector<16xf32>
    tpu.vector_store %arg14[%swap3A_1468], %swap3A_1471 {strides = array<i32>} : memref<1024xf32, #tpu.memory_space<vmem>>, vector<16xf32>,
    %get3A_1472 = arith.constant 560 : index
    %get3A_1473 = tpu.vector_load %arg10[%get3A_1472] {strides = array<i32>} : memref<1024xf32, #tpu.memory_space<vmem>>, vector<16xf32>,
    %get3A_1474 = vector.shape_cast %get3A_1473 : vector<16xf32> to vector<16xf32>
    %get3A_1475 = arith.constant 560 : index
    %get3A_1476 = tpu.vector_load %arg12[%get3A_1475] {strides = array<i32>} : memref<1024xf32, #tpu.memory_space<vmem>>, vector<16xf32>,
    %get3A_1477 = vector.shape_cast %get3A_1476 : vector<16xf32> to vector<16xf32>
    %get3A_1478 = arith.constant 560 : index
    %get3A_1479 = tpu.vector_load %arg11[%get3A_1478] {strides = array<i32>} : memref<1024xf32, #tpu.memory_space<vmem>>, vector<16xf32>,
    %get3A_1480 = vector.shape_cast %get3A_1479 : vector<16xf32> to vector<16xf32>
    %sub3A_1481 = arith.subf %get3A_1480, %get3A_1474 : vector<16xf32>
    %get3A_1482 = arith.constant 560 : index
    %get3A_1483 = tpu.vector_load %arg13[%get3A_1482] {strides = array<i32>} : memref<1024xf32, #tpu.memory_space<vmem>>, vector<16xf32>,
    %get3A_1484 = vector.shape_cast %get3A_1483 : vector<16xf32> to vector<16xf32>
    %sub3A_1485 = arith.subf %get3A_1484, %get3A_1477 : vector<16xf32>
    %div3A_1486 = arith.divf %sub3A_1481, %sub3A_1485 : vector<16xf32>
    %get3A_1487 = arith.constant 560 : index
    %get3A_1488 = tpu.vector_load %arg9[%get3A_1487] {strides = array<i32>} : memref<1024xf32, #tpu.memory_space<vmem>>, vector<16xf32>,
    %get3A_1489 = vector.shape_cast %get3A_1488 : vector<16xf32> to vector<16xf32>
    %sub3A_1490 = arith.subf %get3A_1489, %get3A_1477 : vector<16xf32>
    %mul3A_1491 = arith.mulf %div3A_1486, %sub3A_1490 : vector<16xf32>
    %add3A_1492 = arith.addf %get3A_1474, %mul3A_1491 : vector<16xf32>
    %swap3A_1493 = arith.constant 560 : index
    %swap3A_1494 = tpu.vector_load %arg14[%swap3A_1493] {strides = array<i32>} : memref<1024xf32, #tpu.memory_space<vmem>>, vector<16xf32>,
    %swap3A_1495 = vector.shape_cast %swap3A_1494 : vector<16xf32> to vector<16xf32>
    %swap3A_1496 = vector.shape_cast %add3A_1492 : vector<16xf32> to vector<16xf32>
    tpu.vector_store %arg14[%swap3A_1493], %swap3A_1496 {strides = array<i32>} : memref<1024xf32, #tpu.memory_space<vmem>>, vector<16xf32>,
    %get3A_1497 = arith.constant 576 : index
    %get3A_1498 = tpu.vector_load %arg10[%get3A_1497] {strides = array<i32>} : memref<1024xf32, #tpu.memory_space<vmem>>, vector<16xf32>,
    %get3A_1499 = vector.shape_cast %get3A_1498 : vector<16xf32> to vector<16xf32>
    %get3A_1500 = arith.constant 576 : index
    %get3A_1501 = tpu.vector_load %arg12[%get3A_1500] {strides = array<i32>} : memref<1024xf32, #tpu.memory_space<vmem>>, vector<16xf32>,
    %get3A_1502 = vector.shape_cast %get3A_1501 : vector<16xf32> to vector<16xf32>
    %get3A_1503 = arith.constant 576 : index
    %get3A_1504 = tpu.vector_load %arg11[%get3A_1503] {strides = array<i32>} : memref<1024xf32, #tpu.memory_space<vmem>>, vector<16xf32>,
    %get3A_1505 = vector.shape_cast %get3A_1504 : vector<16xf32> to vector<16xf32>
    %sub3A_1506 = arith.subf %get3A_1505, %get3A_1499 : vector<16xf32>
    %get3A_1507 = arith.constant 576 : index
    %get3A_1508 = tpu.vector_load %arg13[%get3A_1507] {strides = array<i32>} : memref<1024xf32, #tpu.memory_space<vmem>>, vector<16xf32>,
    %get3A_1509 = vector.shape_cast %get3A_1508 : vector<16xf32> to vector<16xf32>
    %sub3A_1510 = arith.subf %get3A_1509, %get3A_1502 : vector<16xf32>
    %div3A_1511 = arith.divf %sub3A_1506, %sub3A_1510 : vector<16xf32>
    %get3A_1512 = arith.constant 576 : index
    %get3A_1513 = tpu.vector_load %arg9[%get3A_1512] {strides = array<i32>} : memref<1024xf32, #tpu.memory_space<vmem>>, vector<16xf32>,
    %get3A_1514 = vector.shape_cast %get3A_1513 : vector<16xf32> to vector<16xf32>
    %sub3A_1515 = arith.subf %get3A_1514, %get3A_1502 : vector<16xf32>
    %mul3A_1516 = arith.mulf %div3A_1511, %sub3A_1515 : vector<16xf32>
    %add3A_1517 = arith.addf %get3A_1499, %mul3A_1516 : vector<16xf32>
    %swap3A_1518 = arith.constant 576 : index
    %swap3A_1519 = tpu.vector_load %arg14[%swap3A_1518] {strides = array<i32>} : memref<1024xf32, #tpu.memory_space<vmem>>, vector<16xf32>,
    %swap3A_1520 = vector.shape_cast %swap3A_1519 : vector<16xf32> to vector<16xf32>
    %swap3A_1521 = vector.shape_cast %add3A_1517 : vector<16xf32> to vector<16xf32>
    tpu.vector_store %arg14[%swap3A_1518], %swap3A_1521 {strides = array<i32>} : memref<1024xf32, #tpu.memory_space<vmem>>, vector<16xf32>,
    %get3A_1522 = arith.constant 592 : index
    %get3A_1523 = tpu.vector_load %arg10[%get3A_1522] {strides = array<i32>} : memref<1024xf32, #tpu.memory_space<vmem>>, vector<16xf32>,
    %get3A_1524 = vector.shape_cast %get3A_1523 : vector<16xf32> to vector<16xf32>
    %get3A_1525 = arith.constant 592 : index
    %get3A_1526 = tpu.vector_load %arg12[%get3A_1525] {strides = array<i32>} : memref<1024xf32, #tpu.memory_space<vmem>>, vector<16xf32>,
    %get3A_1527 = vector.shape_cast %get3A_1526 : vector<16xf32> to vector<16xf32>
    %get3A_1528 = arith.constant 592 : index
    %get3A_1529 = tpu.vector_load %arg11[%get3A_1528] {strides = array<i32>} : memref<1024xf32, #tpu.memory_space<vmem>>, vector<16xf32>,
    %get3A_1530 = vector.shape_cast %get3A_1529 : vector<16xf32> to vector<16xf32>
    %sub3A_1531 = arith.subf %get3A_1530, %get3A_1524 : vector<16xf32>
    %get3A_1532 = arith.constant 592 : index
    %get3A_1533 = tpu.vector_load %arg13[%get3A_1532] {strides = array<i32>} : memref<1024xf32, #tpu.memory_space<vmem>>, vector<16xf32>,
    %get3A_1534 = vector.shape_cast %get3A_1533 : vector<16xf32> to vector<16xf32>
    %sub3A_1535 = arith.subf %get3A_1534, %get3A_1527 : vector<16xf32>
    %div3A_1536 = arith.divf %sub3A_1531, %sub3A_1535 : vector<16xf32>
    %get3A_1537 = arith.constant 592 : index
    %get3A_1538 = tpu.vector_load %arg9[%get3A_1537] {strides = array<i32>} : memref<1024xf32, #tpu.memory_space<vmem>>, vector<16xf32>,
    %get3A_1539 = vector.shape_cast %get3A_1538 : vector<16xf32> to vector<16xf32>
    %sub3A_1540 = arith.subf %get3A_1539, %get3A_1527 : vector<16xf32>
    %mul3A_1541 = arith.mulf %div3A_1536, %sub3A_1540 : vector<16xf32>
    %add3A_1542 = arith.addf %get3A_1524, %mul3A_1541 : vector<16xf32>
    %swap3A_1543 = arith.constant 592 : index
    %swap3A_1544 = tpu.vector_load %arg14[%swap3A_1543] {strides = array<i32>} : memref<1024xf32, #tpu.memory_space<vmem>>, vector<16xf32>,
    %swap3A_1545 = vector.shape_cast %swap3A_1544 : vector<16xf32> to vector<16xf32>
    %swap3A_1546 = vector.shape_cast %add3A_1542 : vector<16xf32> to vector<16xf32>
    tpu.vector_store %arg14[%swap3A_1543], %swap3A_1546 {strides = array<i32>} : memref<1024xf32, #tpu.memory_space<vmem>>, vector<16xf32>,
    %get3A_1547 = arith.constant 608 : index
    %get3A_1548 = tpu.vector_load %arg10[%get3A_1547] {strides = array<i32>} : memref<1024xf32, #tpu.memory_space<vmem>>, vector<16xf32>,
    %get3A_1549 = vector.shape_cast %get3A_1548 : vector<16xf32> to vector<16xf32>
    %get3A_1550 = arith.constant 608 : index
    %get3A_1551 = tpu.vector_load %arg12[%get3A_1550] {strides = array<i32>} : memref<1024xf32, #tpu.memory_space<vmem>>, vector<16xf32>,
    %get3A_1552 = vector.shape_cast %get3A_1551 : vector<16xf32> to vector<16xf32>
    %get3A_1553 = arith.constant 608 : index
    %get3A_1554 = tpu.vector_load %arg11[%get3A_1553] {strides = array<i32>} : memref<1024xf32, #tpu.memory_space<vmem>>, vector<16xf32>,
    %get3A_1555 = vector.shape_cast %get3A_1554 : vector<16xf32> to vector<16xf32>
    %sub3A_1556 = arith.subf %get3A_1555, %get3A_1549 : vector<16xf32>
    %get3A_1557 = arith.constant 608 : index
    %get3A_1558 = tpu.vector_load %arg13[%get3A_1557] {strides = array<i32>} : memref<1024xf32, #tpu.memory_space<vmem>>, vector<16xf32>,
    %get3A_1559 = vector.shape_cast %get3A_1558 : vector<16xf32> to vector<16xf32>
    %sub3A_1560 = arith.subf %get3A_1559, %get3A_1552 : vector<16xf32>
    %div3A_1561 = arith.divf %sub3A_1556, %sub3A_1560 : vector<16xf32>
    %get3A_1562 = arith.constant 608 : index
    %get3A_1563 = tpu.vector_load %arg9[%get3A_1562] {strides = array<i32>} : memref<1024xf32, #tpu.memory_space<vmem>>, vector<16xf32>,
    %get3A_1564 = vector.shape_cast %get3A_1563 : vector<16xf32> to vector<16xf32>
    %sub3A_1565 = arith.subf %get3A_1564, %get3A_1552 : vector<16xf32>
    %mul3A_1566 = arith.mulf %div3A_1561, %sub3A_1565 : vector<16xf32>
    %add3A_1567 = arith.addf %get3A_1549, %mul3A_1566 : vector<16xf32>
    %swap3A_1568 = arith.constant 608 : index
    %swap3A_1569 = tpu.vector_load %arg14[%swap3A_1568] {strides = array<i32>} : memref<1024xf32, #tpu.memory_space<vmem>>, vector<16xf32>,
    %swap3A_1570 = vector.shape_cast %swap3A_1569 : vector<16xf32> to vector<16xf32>
    %swap3A_1571 = vector.shape_cast %add3A_1567 : vector<16xf32> to vector<16xf32>
    tpu.vector_store %arg14[%swap3A_1568], %swap3A_1571 {strides = array<i32>} : memref<1024xf32, #tpu.memory_space<vmem>>, vector<16xf32>,
    %get3A_1572 = arith.constant 624 : index
    %get3A_1573 = tpu.vector_load %arg10[%get3A_1572] {strides = array<i32>} : memref<1024xf32, #tpu.memory_space<vmem>>, vector<16xf32>,
    %get3A_1574 = vector.shape_cast %get3A_1573 : vector<16xf32> to vector<16xf32>
    %get3A_1575 = arith.constant 624 : index
    %get3A_1576 = tpu.vector_load %arg12[%get3A_1575] {strides = array<i32>} : memref<1024xf32, #tpu.memory_space<vmem>>, vector<16xf32>,
    %get3A_1577 = vector.shape_cast %get3A_1576 : vector<16xf32> to vector<16xf32>
    %get3A_1578 = arith.constant 624 : index
    %get3A_1579 = tpu.vector_load %arg11[%get3A_1578] {strides = array<i32>} : memref<1024xf32, #tpu.memory_space<vmem>>, vector<16xf32>,
    %get3A_1580 = vector.shape_cast %get3A_1579 : vector<16xf32> to vector<16xf32>
    %sub3A_1581 = arith.subf %get3A_1580, %get3A_1574 : vector<16xf32>
    %get3A_1582 = arith.constant 624 : index
    %get3A_1583 = tpu.vector_load %arg13[%get3A_1582] {strides = array<i32>} : memref<1024xf32, #tpu.memory_space<vmem>>, vector<16xf32>,
    %get3A_1584 = vector.shape_cast %get3A_1583 : vector<16xf32> to vector<16xf32>
    %sub3A_1585 = arith.subf %get3A_1584, %get3A_1577 : vector<16xf32>
    %div3A_1586 = arith.divf %sub3A_1581, %sub3A_1585 : vector<16xf32>
    %get3A_1587 = arith.constant 624 : index
    %get3A_1588 = tpu.vector_load %arg9[%get3A_1587] {strides = array<i32>} : memref<1024xf32, #tpu.memory_space<vmem>>, vector<16xf32>,
    %get3A_1589 = vector.shape_cast %get3A_1588 : vector<16xf32> to vector<16xf32>
    %sub3A_1590 = arith.subf %get3A_1589, %get3A_1577 : vector<16xf32>
    %mul3A_1591 = arith.mulf %div3A_1586, %sub3A_1590 : vector<16xf32>
    %add3A_1592 = arith.addf %get3A_1574, %mul3A_1591 : vector<16xf32>
    %swap3A_1593 = arith.constant 624 : index
    %swap3A_1594 = tpu.vector_load %arg14[%swap3A_1593] {strides = array<i32>} : memref<1024xf32, #tpu.memory_space<vmem>>, vector<16xf32>,
    %swap3A_1595 = vector.shape_cast %swap3A_1594 : vector<16xf32> to vector<16xf32>
    %swap3A_1596 = vector.shape_cast %add3A_1592 : vector<16xf32> to vector<16xf32>
    tpu.vector_store %arg14[%swap3A_1593], %swap3A_1596 {strides = array<i32>} : memref<1024xf32, #tpu.memory_space<vmem>>, vector<16xf32>,
    %get3A_1597 = arith.constant 640 : index
    %get3A_1598 = tpu.vector_load %arg10[%get3A_1597] {strides = array<i32>} : memref<1024xf32, #tpu.memory_space<vmem>>, vector<16xf32>,
    %get3A_1599 = vector.shape_cast %get3A_1598 : vector<16xf32> to vector<16xf32>
    %get3A_1600 = arith.constant 640 : index
    %get3A_1601 = tpu.vector_load %arg12[%get3A_1600] {strides = array<i32>} : memref<1024xf32, #tpu.memory_space<vmem>>, vector<16xf32>,
    %get3A_1602 = vector.shape_cast %get3A_1601 : vector<16xf32> to vector<16xf32>
    %get3A_1603 = arith.constant 640 : index
    %get3A_1604 = tpu.vector_load %arg11[%get3A_1603] {strides = array<i32>} : memref<1024xf32, #tpu.memory_space<vmem>>, vector<16xf32>,
    %get3A_1605 = vector.shape_cast %get3A_1604 : vector<16xf32> to vector<16xf32>
    %sub3A_1606 = arith.subf %get3A_1605, %get3A_1599 : vector<16xf32>
    %get3A_1607 = arith.constant 640 : index
    %get3A_1608 = tpu.vector_load %arg13[%get3A_1607] {strides = array<i32>} : memref<1024xf32, #tpu.memory_space<vmem>>, vector<16xf32>,
    %get3A_1609 = vector.shape_cast %get3A_1608 : vector<16xf32> to vector<16xf32>
    %sub3A_1610 = arith.subf %get3A_1609, %get3A_1602 : vector<16xf32>
    %div3A_1611 = arith.divf %sub3A_1606, %sub3A_1610 : vector<16xf32>
    %get3A_1612 = arith.constant 640 : index
    %get3A_1613 = tpu.vector_load %arg9[%get3A_1612] {strides = array<i32>} : memref<1024xf32, #tpu.memory_space<vmem>>, vector<16xf32>,
    %get3A_1614 = vector.shape_cast %get3A_1613 : vector<16xf32> to vector<16xf32>
    %sub3A_1615 = arith.subf %get3A_1614, %get3A_1602 : vector<16xf32>
    %mul3A_1616 = arith.mulf %div3A_1611, %sub3A_1615 : vector<16xf32>
    %add3A_1617 = arith.addf %get3A_1599, %mul3A_1616 : vector<16xf32>
    %swap3A_1618 = arith.constant 640 : index
    %swap3A_1619 = tpu.vector_load %arg14[%swap3A_1618] {strides = array<i32>} : memref<1024xf32, #tpu.memory_space<vmem>>, vector<16xf32>,
    %swap3A_1620 = vector.shape_cast %swap3A_1619 : vector<16xf32> to vector<16xf32>
    %swap3A_1621 = vector.shape_cast %add3A_1617 : vector<16xf32> to vector<16xf32>
    tpu.vector_store %arg14[%swap3A_1618], %swap3A_1621 {strides = array<i32>} : memref<1024xf32, #tpu.memory_space<vmem>>, vector<16xf32>,
    %get3A_1622 = arith.constant 656 : index
    %get3A_1623 = tpu.vector_load %arg10[%get3A_1622] {strides = array<i32>} : memref<1024xf32, #tpu.memory_space<vmem>>, vector<16xf32>,
    %get3A_1624 = vector.shape_cast %get3A_1623 : vector<16xf32> to vector<16xf32>
    %get3A_1625 = arith.constant 656 : index
    %get3A_1626 = tpu.vector_load %arg12[%get3A_1625] {strides = array<i32>} : memref<1024xf32, #tpu.memory_space<vmem>>, vector<16xf32>,
    %get3A_1627 = vector.shape_cast %get3A_1626 : vector<16xf32> to vector<16xf32>
    %get3A_1628 = arith.constant 656 : index
    %get3A_1629 = tpu.vector_load %arg11[%get3A_1628] {strides = array<i32>} : memref<1024xf32, #tpu.memory_space<vmem>>, vector<16xf32>,
    %get3A_1630 = vector.shape_cast %get3A_1629 : vector<16xf32> to vector<16xf32>
    %sub3A_1631 = arith.subf %get3A_1630, %get3A_1624 : vector<16xf32>
    %get3A_1632 = arith.constant 656 : index
    %get3A_1633 = tpu.vector_load %arg13[%get3A_1632] {strides = array<i32>} : memref<1024xf32, #tpu.memory_space<vmem>>, vector<16xf32>,
    %get3A_1634 = vector.shape_cast %get3A_1633 : vector<16xf32> to vector<16xf32>
    %sub3A_1635 = arith.subf %get3A_1634, %get3A_1627 : vector<16xf32>
    %div3A_1636 = arith.divf %sub3A_1631, %sub3A_1635 : vector<16xf32>
    %get3A_1637 = arith.constant 656 : index
    %get3A_1638 = tpu.vector_load %arg9[%get3A_1637] {strides = array<i32>} : memref<1024xf32, #tpu.memory_space<vmem>>, vector<16xf32>,
    %get3A_1639 = vector.shape_cast %get3A_1638 : vector<16xf32> to vector<16xf32>
    %sub3A_1640 = arith.subf %get3A_1639, %get3A_1627 : vector<16xf32>
    %mul3A_1641 = arith.mulf %div3A_1636, %sub3A_1640 : vector<16xf32>
    %add3A_1642 = arith.addf %get3A_1624, %mul3A_1641 : vector<16xf32>
    %swap3A_1643 = arith.constant 656 : index
    %swap3A_1644 = tpu.vector_load %arg14[%swap3A_1643] {strides = array<i32>} : memref<1024xf32, #tpu.memory_space<vmem>>, vector<16xf32>,
    %swap3A_1645 = vector.shape_cast %swap3A_1644 : vector<16xf32> to vector<16xf32>
    %swap3A_1646 = vector.shape_cast %add3A_1642 : vector<16xf32> to vector<16xf32>
    tpu.vector_store %arg14[%swap3A_1643], %swap3A_1646 {strides = array<i32>} : memref<1024xf32, #tpu.memory_space<vmem>>, vector<16xf32>,
    %get3A_1647 = arith.constant 672 : index
    %get3A_1648 = tpu.vector_load %arg10[%get3A_1647] {strides = array<i32>} : memref<1024xf32, #tpu.memory_space<vmem>>, vector<16xf32>,
    %get3A_1649 = vector.shape_cast %get3A_1648 : vector<16xf32> to vector<16xf32>
    %get3A_1650 = arith.constant 672 : index
    %get3A_1651 = tpu.vector_load %arg12[%get3A_1650] {strides = array<i32>} : memref<1024xf32, #tpu.memory_space<vmem>>, vector<16xf32>,
    %get3A_1652 = vector.shape_cast %get3A_1651 : vector<16xf32> to vector<16xf32>
    %get3A_1653 = arith.constant 672 : index
    %get3A_1654 = tpu.vector_load %arg11[%get3A_1653] {strides = array<i32>} : memref<1024xf32, #tpu.memory_space<vmem>>, vector<16xf32>,
    %get3A_1655 = vector.shape_cast %get3A_1654 : vector<16xf32> to vector<16xf32>
    %sub3A_1656 = arith.subf %get3A_1655, %get3A_1649 : vector<16xf32>
    %get3A_1657 = arith.constant 672 : index
    %get3A_1658 = tpu.vector_load %arg13[%get3A_1657] {strides = array<i32>} : memref<1024xf32, #tpu.memory_space<vmem>>, vector<16xf32>,
    %get3A_1659 = vector.shape_cast %get3A_1658 : vector<16xf32> to vector<16xf32>
    %sub3A_1660 = arith.subf %get3A_1659, %get3A_1652 : vector<16xf32>
    %div3A_1661 = arith.divf %sub3A_1656, %sub3A_1660 : vector<16xf32>
    %get3A_1662 = arith.constant 672 : index
    %get3A_1663 = tpu.vector_load %arg9[%get3A_1662] {strides = array<i32>} : memref<1024xf32, #tpu.memory_space<vmem>>, vector<16xf32>,
    %get3A_1664 = vector.shape_cast %get3A_1663 : vector<16xf32> to vector<16xf32>
    %sub3A_1665 = arith.subf %get3A_1664, %get3A_1652 : vector<16xf32>
    %mul3A_1666 = arith.mulf %div3A_1661, %sub3A_1665 : vector<16xf32>
    %add3A_1667 = arith.addf %get3A_1649, %mul3A_1666 : vector<16xf32>
    %swap3A_1668 = arith.constant 672 : index
    %swap3A_1669 = tpu.vector_load %arg14[%swap3A_1668] {strides = array<i32>} : memref<1024xf32, #tpu.memory_space<vmem>>, vector<16xf32>,
    %swap3A_1670 = vector.shape_cast %swap3A_1669 : vector<16xf32> to vector<16xf32>
    %swap3A_1671 = vector.shape_cast %add3A_1667 : vector<16xf32> to vector<16xf32>
    tpu.vector_store %arg14[%swap3A_1668], %swap3A_1671 {strides = array<i32>} : memref<1024xf32, #tpu.memory_space<vmem>>, vector<16xf32>,
    %get3A_1672 = arith.constant 688 : index
    %get3A_1673 = tpu.vector_load %arg10[%get3A_1672] {strides = array<i32>} : memref<1024xf32, #tpu.memory_space<vmem>>, vector<16xf32>,
    %get3A_1674 = vector.shape_cast %get3A_1673 : vector<16xf32> to vector<16xf32>
    %get3A_1675 = arith.constant 688 : index
    %get3A_1676 = tpu.vector_load %arg12[%get3A_1675] {strides = array<i32>} : memref<1024xf32, #tpu.memory_space<vmem>>, vector<16xf32>,
    %get3A_1677 = vector.shape_cast %get3A_1676 : vector<16xf32> to vector<16xf32>
    %get3A_1678 = arith.constant 688 : index
    %get3A_1679 = tpu.vector_load %arg11[%get3A_1678] {strides = array<i32>} : memref<1024xf32, #tpu.memory_space<vmem>>, vector<16xf32>,
    %get3A_1680 = vector.shape_cast %get3A_1679 : vector<16xf32> to vector<16xf32>
    %sub3A_1681 = arith.subf %get3A_1680, %get3A_1674 : vector<16xf32>
    %get3A_1682 = arith.constant 688 : index
    %get3A_1683 = tpu.vector_load %arg13[%get3A_1682] {strides = array<i32>} : memref<1024xf32, #tpu.memory_space<vmem>>, vector<16xf32>,
    %get3A_1684 = vector.shape_cast %get3A_1683 : vector<16xf32> to vector<16xf32>
    %sub3A_1685 = arith.subf %get3A_1684, %get3A_1677 : vector<16xf32>
    %div3A_1686 = arith.divf %sub3A_1681, %sub3A_1685 : vector<16xf32>
    %get3A_1687 = arith.constant 688 : index
    %get3A_1688 = tpu.vector_load %arg9[%get3A_1687] {strides = array<i32>} : memref<1024xf32, #tpu.memory_space<vmem>>, vector<16xf32>,
    %get3A_1689 = vector.shape_cast %get3A_1688 : vector<16xf32> to vector<16xf32>
    %sub3A_1690 = arith.subf %get3A_1689, %get3A_1677 : vector<16xf32>
    %mul3A_1691 = arith.mulf %div3A_1686, %sub3A_1690 : vector<16xf32>
    %add3A_1692 = arith.addf %get3A_1674, %mul3A_1691 : vector<16xf32>
    %swap3A_1693 = arith.constant 688 : index
    %swap3A_1694 = tpu.vector_load %arg14[%swap3A_1693] {strides = array<i32>} : memref<1024xf32, #tpu.memory_space<vmem>>, vector<16xf32>,
    %swap3A_1695 = vector.shape_cast %swap3A_1694 : vector<16xf32> to vector<16xf32>
    %swap3A_1696 = vector.shape_cast %add3A_1692 : vector<16xf32> to vector<16xf32>
    tpu.vector_store %arg14[%swap3A_1693], %swap3A_1696 {strides = array<i32>} : memref<1024xf32, #tpu.memory_space<vmem>>, vector<16xf32>,
    %get3A_1697 = arith.constant 704 : index
    %get3A_1698 = tpu.vector_load %arg10[%get3A_1697] {strides = array<i32>} : memref<1024xf32, #tpu.memory_space<vmem>>, vector<16xf32>,
    %get3A_1699 = vector.shape_cast %get3A_1698 : vector<16xf32> to vector<16xf32>
    %get3A_1700 = arith.constant 704 : index
    %get3A_1701 = tpu.vector_load %arg12[%get3A_1700] {strides = array<i32>} : memref<1024xf32, #tpu.memory_space<vmem>>, vector<16xf32>,
    %get3A_1702 = vector.shape_cast %get3A_1701 : vector<16xf32> to vector<16xf32>
    %get3A_1703 = arith.constant 704 : index
    %get3A_1704 = tpu.vector_load %arg11[%get3A_1703] {strides = array<i32>} : memref<1024xf32, #tpu.memory_space<vmem>>, vector<16xf32>,
    %get3A_1705 = vector.shape_cast %get3A_1704 : vector<16xf32> to vector<16xf32>
    %sub3A_1706 = arith.subf %get3A_1705, %get3A_1699 : vector<16xf32>
    %get3A_1707 = arith.constant 704 : index
    %get3A_1708 = tpu.vector_load %arg13[%get3A_1707] {strides = array<i32>} : memref<1024xf32, #tpu.memory_space<vmem>>, vector<16xf32>,
    %get3A_1709 = vector.shape_cast %get3A_1708 : vector<16xf32> to vector<16xf32>
    %sub3A_1710 = arith.subf %get3A_1709, %get3A_1702 : vector<16xf32>
    %div3A_1711 = arith.divf %sub3A_1706, %sub3A_1710 : vector<16xf32>
    %get3A_1712 = arith.constant 704 : index
    %get3A_1713 = tpu.vector_load %arg9[%get3A_1712] {strides = array<i32>} : memref<1024xf32, #tpu.memory_space<vmem>>, vector<16xf32>,
    %get3A_1714 = vector.shape_cast %get3A_1713 : vector<16xf32> to vector<16xf32>
    %sub3A_1715 = arith.subf %get3A_1714, %get3A_1702 : vector<16xf32>
    %mul3A_1716 = arith.mulf %div3A_1711, %sub3A_1715 : vector<16xf32>
    %add3A_1717 = arith.addf %get3A_1699, %mul3A_1716 : vector<16xf32>
    %swap3A_1718 = arith.constant 704 : index
    %swap3A_1719 = tpu.vector_load %arg14[%swap3A_1718] {strides = array<i32>} : memref<1024xf32, #tpu.memory_space<vmem>>, vector<16xf32>,
    %swap3A_1720 = vector.shape_cast %swap3A_1719 : vector<16xf32> to vector<16xf32>
    %swap3A_1721 = vector.shape_cast %add3A_1717 : vector<16xf32> to vector<16xf32>
    tpu.vector_store %arg14[%swap3A_1718], %swap3A_1721 {strides = array<i32>} : memref<1024xf32, #tpu.memory_space<vmem>>, vector<16xf32>,
    %get3A_1722 = arith.constant 720 : index
    %get3A_1723 = tpu.vector_load %arg10[%get3A_1722] {strides = array<i32>} : memref<1024xf32, #tpu.memory_space<vmem>>, vector<16xf32>,
    %get3A_1724 = vector.shape_cast %get3A_1723 : vector<16xf32> to vector<16xf32>
    %get3A_1725 = arith.constant 720 : index
    %get3A_1726 = tpu.vector_load %arg12[%get3A_1725] {strides = array<i32>} : memref<1024xf32, #tpu.memory_space<vmem>>, vector<16xf32>,
    %get3A_1727 = vector.shape_cast %get3A_1726 : vector<16xf32> to vector<16xf32>
    %get3A_1728 = arith.constant 720 : index
    %get3A_1729 = tpu.vector_load %arg11[%get3A_1728] {strides = array<i32>} : memref<1024xf32, #tpu.memory_space<vmem>>, vector<16xf32>,
    %get3A_1730 = vector.shape_cast %get3A_1729 : vector<16xf32> to vector<16xf32>
    %sub3A_1731 = arith.subf %get3A_1730, %get3A_1724 : vector<16xf32>
    %get3A_1732 = arith.constant 720 : index
    %get3A_1733 = tpu.vector_load %arg13[%get3A_1732] {strides = array<i32>} : memref<1024xf32, #tpu.memory_space<vmem>>, vector<16xf32>,
    %get3A_1734 = vector.shape_cast %get3A_1733 : vector<16xf32> to vector<16xf32>
    %sub3A_1735 = arith.subf %get3A_1734, %get3A_1727 : vector<16xf32>
    %div3A_1736 = arith.divf %sub3A_1731, %sub3A_1735 : vector<16xf32>
    %get3A_1737 = arith.constant 720 : index
    %get3A_1738 = tpu.vector_load %arg9[%get3A_1737] {strides = array<i32>} : memref<1024xf32, #tpu.memory_space<vmem>>, vector<16xf32>,
    %get3A_1739 = vector.shape_cast %get3A_1738 : vector<16xf32> to vector<16xf32>
    %sub3A_1740 = arith.subf %get3A_1739, %get3A_1727 : vector<16xf32>
    %mul3A_1741 = arith.mulf %div3A_1736, %sub3A_1740 : vector<16xf32>
    %add3A_1742 = arith.addf %get3A_1724, %mul3A_1741 : vector<16xf32>
    %swap3A_1743 = arith.constant 720 : index
    %swap3A_1744 = tpu.vector_load %arg14[%swap3A_1743] {strides = array<i32>} : memref<1024xf32, #tpu.memory_space<vmem>>, vector<16xf32>,
    %swap3A_1745 = vector.shape_cast %swap3A_1744 : vector<16xf32> to vector<16xf32>
    %swap3A_1746 = vector.shape_cast %add3A_1742 : vector<16xf32> to vector<16xf32>
    tpu.vector_store %arg14[%swap3A_1743], %swap3A_1746 {strides = array<i32>} : memref<1024xf32, #tpu.memory_space<vmem>>, vector<16xf32>,
    %get3A_1747 = arith.constant 736 : index
    %get3A_1748 = tpu.vector_load %arg10[%get3A_1747] {strides = array<i32>} : memref<1024xf32, #tpu.memory_space<vmem>>, vector<16xf32>,
    %get3A_1749 = vector.shape_cast %get3A_1748 : vector<16xf32> to vector<16xf32>
    %get3A_1750 = arith.constant 736 : index
    %get3A_1751 = tpu.vector_load %arg12[%get3A_1750] {strides = array<i32>} : memref<1024xf32, #tpu.memory_space<vmem>>, vector<16xf32>,
    %get3A_1752 = vector.shape_cast %get3A_1751 : vector<16xf32> to vector<16xf32>
    %get3A_1753 = arith.constant 736 : index
    %get3A_1754 = tpu.vector_load %arg11[%get3A_1753] {strides = array<i32>} : memref<1024xf32, #tpu.memory_space<vmem>>, vector<16xf32>,
    %get3A_1755 = vector.shape_cast %get3A_1754 : vector<16xf32> to vector<16xf32>
    %sub3A_1756 = arith.subf %get3A_1755, %get3A_1749 : vector<16xf32>
    %get3A_1757 = arith.constant 736 : index
    %get3A_1758 = tpu.vector_load %arg13[%get3A_1757] {strides = array<i32>} : memref<1024xf32, #tpu.memory_space<vmem>>, vector<16xf32>,
    %get3A_1759 = vector.shape_cast %get3A_1758 : vector<16xf32> to vector<16xf32>
    %sub3A_1760 = arith.subf %get3A_1759, %get3A_1752 : vector<16xf32>
    %div3A_1761 = arith.divf %sub3A_1756, %sub3A_1760 : vector<16xf32>
    %get3A_1762 = arith.constant 736 : index
    %get3A_1763 = tpu.vector_load %arg9[%get3A_1762] {strides = array<i32>} : memref<1024xf32, #tpu.memory_space<vmem>>, vector<16xf32>,
    %get3A_1764 = vector.shape_cast %get3A_1763 : vector<16xf32> to vector<16xf32>
    %sub3A_1765 = arith.subf %get3A_1764, %get3A_1752 : vector<16xf32>
    %mul3A_1766 = arith.mulf %div3A_1761, %sub3A_1765 : vector<16xf32>
    %add3A_1767 = arith.addf %get3A_1749, %mul3A_1766 : vector<16xf32>
    %swap3A_1768 = arith.constant 736 : index
    %swap3A_1769 = tpu.vector_load %arg14[%swap3A_1768] {strides = array<i32>} : memref<1024xf32, #tpu.memory_space<vmem>>, vector<16xf32>,
    %swap3A_1770 = vector.shape_cast %swap3A_1769 : vector<16xf32> to vector<16xf32>
    %swap3A_1771 = vector.shape_cast %add3A_1767 : vector<16xf32> to vector<16xf32>
    tpu.vector_store %arg14[%swap3A_1768], %swap3A_1771 {strides = array<i32>} : memref<1024xf32, #tpu.memory_space<vmem>>, vector<16xf32>,
    %get3A_1772 = arith.constant 752 : index
    %get3A_1773 = tpu.vector_load %arg10[%get3A_1772] {strides = array<i32>} : memref<1024xf32, #tpu.memory_space<vmem>>, vector<16xf32>,
    %get3A_1774 = vector.shape_cast %get3A_1773 : vector<16xf32> to vector<16xf32>
    %get3A_1775 = arith.constant 752 : index
    %get3A_1776 = tpu.vector_load %arg12[%get3A_1775] {strides = array<i32>} : memref<1024xf32, #tpu.memory_space<vmem>>, vector<16xf32>,
    %get3A_1777 = vector.shape_cast %get3A_1776 : vector<16xf32> to vector<16xf32>
    %get3A_1778 = arith.constant 752 : index
    %get3A_1779 = tpu.vector_load %arg11[%get3A_1778] {strides = array<i32>} : memref<1024xf32, #tpu.memory_space<vmem>>, vector<16xf32>,
    %get3A_1780 = vector.shape_cast %get3A_1779 : vector<16xf32> to vector<16xf32>
    %sub3A_1781 = arith.subf %get3A_1780, %get3A_1774 : vector<16xf32>
    %get3A_1782 = arith.constant 752 : index
    %get3A_1783 = tpu.vector_load %arg13[%get3A_1782] {strides = array<i32>} : memref<1024xf32, #tpu.memory_space<vmem>>, vector<16xf32>,
    %get3A_1784 = vector.shape_cast %get3A_1783 : vector<16xf32> to vector<16xf32>
    %sub3A_1785 = arith.subf %get3A_1784, %get3A_1777 : vector<16xf32>
    %div3A_1786 = arith.divf %sub3A_1781, %sub3A_1785 : vector<16xf32>
    %get3A_1787 = arith.constant 752 : index
    %get3A_1788 = tpu.vector_load %arg9[%get3A_1787] {strides = array<i32>} : memref<1024xf32, #tpu.memory_space<vmem>>, vector<16xf32>,
    %get3A_1789 = vector.shape_cast %get3A_1788 : vector<16xf32> to vector<16xf32>
    %sub3A_1790 = arith.subf %get3A_1789, %get3A_1777 : vector<16xf32>
    %mul3A_1791 = arith.mulf %div3A_1786, %sub3A_1790 : vector<16xf32>
    %add3A_1792 = arith.addf %get3A_1774, %mul3A_1791 : vector<16xf32>
    %swap3A_1793 = arith.constant 752 : index
    %swap3A_1794 = tpu.vector_load %arg14[%swap3A_1793] {strides = array<i32>} : memref<1024xf32, #tpu.memory_space<vmem>>, vector<16xf32>,
    %swap3A_1795 = vector.shape_cast %swap3A_1794 : vector<16xf32> to vector<16xf32>
    %swap3A_1796 = vector.shape_cast %add3A_1792 : vector<16xf32> to vector<16xf32>
    tpu.vector_store %arg14[%swap3A_1793], %swap3A_1796 {strides = array<i32>} : memref<1024xf32, #tpu.memory_space<vmem>>, vector<16xf32>,
    %get3A_1797 = arith.constant 768 : index
    %get3A_1798 = tpu.vector_load %arg10[%get3A_1797] {strides = array<i32>} : memref<1024xf32, #tpu.memory_space<vmem>>, vector<16xf32>,
    %get3A_1799 = vector.shape_cast %get3A_1798 : vector<16xf32> to vector<16xf32>
    %get3A_1800 = arith.constant 768 : index
    %get3A_1801 = tpu.vector_load %arg12[%get3A_1800] {strides = array<i32>} : memref<1024xf32, #tpu.memory_space<vmem>>, vector<16xf32>,
    %get3A_1802 = vector.shape_cast %get3A_1801 : vector<16xf32> to vector<16xf32>
    %get3A_1803 = arith.constant 768 : index
    %get3A_1804 = tpu.vector_load %arg11[%get3A_1803] {strides = array<i32>} : memref<1024xf32, #tpu.memory_space<vmem>>, vector<16xf32>,
    %get3A_1805 = vector.shape_cast %get3A_1804 : vector<16xf32> to vector<16xf32>
    %sub3A_1806 = arith.subf %get3A_1805, %get3A_1799 : vector<16xf32>
    %get3A_1807 = arith.constant 768 : index
    %get3A_1808 = tpu.vector_load %arg13[%get3A_1807] {strides = array<i32>} : memref<1024xf32, #tpu.memory_space<vmem>>, vector<16xf32>,
    %get3A_1809 = vector.shape_cast %get3A_1808 : vector<16xf32> to vector<16xf32>
    %sub3A_1810 = arith.subf %get3A_1809, %get3A_1802 : vector<16xf32>
    %div3A_1811 = arith.divf %sub3A_1806, %sub3A_1810 : vector<16xf32>
    %get3A_1812 = arith.constant 768 : index
    %get3A_1813 = tpu.vector_load %arg9[%get3A_1812] {strides = array<i32>} : memref<1024xf32, #tpu.memory_space<vmem>>, vector<16xf32>,
    %get3A_1814 = vector.shape_cast %get3A_1813 : vector<16xf32> to vector<16xf32>
    %sub3A_1815 = arith.subf %get3A_1814, %get3A_1802 : vector<16xf32>
    %mul3A_1816 = arith.mulf %div3A_1811, %sub3A_1815 : vector<16xf32>
    %add3A_1817 = arith.addf %get3A_1799, %mul3A_1816 : vector<16xf32>
    %swap3A_1818 = arith.constant 768 : index
    %swap3A_1819 = tpu.vector_load %arg14[%swap3A_1818] {strides = array<i32>} : memref<1024xf32, #tpu.memory_space<vmem>>, vector<16xf32>,
    %swap3A_1820 = vector.shape_cast %swap3A_1819 : vector<16xf32> to vector<16xf32>
    %swap3A_1821 = vector.shape_cast %add3A_1817 : vector<16xf32> to vector<16xf32>
    tpu.vector_store %arg14[%swap3A_1818], %swap3A_1821 {strides = array<i32>} : memref<1024xf32, #tpu.memory_space<vmem>>, vector<16xf32>,
    %get3A_1822 = arith.constant 784 : index
    %get3A_1823 = tpu.vector_load %arg10[%get3A_1822] {strides = array<i32>} : memref<1024xf32, #tpu.memory_space<vmem>>, vector<16xf32>,
    %get3A_1824 = vector.shape_cast %get3A_1823 : vector<16xf32> to vector<16xf32>
    %get3A_1825 = arith.constant 784 : index
    %get3A_1826 = tpu.vector_load %arg12[%get3A_1825] {strides = array<i32>} : memref<1024xf32, #tpu.memory_space<vmem>>, vector<16xf32>,
    %get3A_1827 = vector.shape_cast %get3A_1826 : vector<16xf32> to vector<16xf32>
    %get3A_1828 = arith.constant 784 : index
    %get3A_1829 = tpu.vector_load %arg11[%get3A_1828] {strides = array<i32>} : memref<1024xf32, #tpu.memory_space<vmem>>, vector<16xf32>,
    %get3A_1830 = vector.shape_cast %get3A_1829 : vector<16xf32> to vector<16xf32>
    %sub3A_1831 = arith.subf %get3A_1830, %get3A_1824 : vector<16xf32>
    %get3A_1832 = arith.constant 784 : index
    %get3A_1833 = tpu.vector_load %arg13[%get3A_1832] {strides = array<i32>} : memref<1024xf32, #tpu.memory_space<vmem>>, vector<16xf32>,
    %get3A_1834 = vector.shape_cast %get3A_1833 : vector<16xf32> to vector<16xf32>
    %sub3A_1835 = arith.subf %get3A_1834, %get3A_1827 : vector<16xf32>
    %div3A_1836 = arith.divf %sub3A_1831, %sub3A_1835 : vector<16xf32>
    %get3A_1837 = arith.constant 784 : index
    %get3A_1838 = tpu.vector_load %arg9[%get3A_1837] {strides = array<i32>} : memref<1024xf32, #tpu.memory_space<vmem>>, vector<16xf32>,
    %get3A_1839 = vector.shape_cast %get3A_1838 : vector<16xf32> to vector<16xf32>
    %sub3A_1840 = arith.subf %get3A_1839, %get3A_1827 : vector<16xf32>
    %mul3A_1841 = arith.mulf %div3A_1836, %sub3A_1840 : vector<16xf32>
    %add3A_1842 = arith.addf %get3A_1824, %mul3A_1841 : vector<16xf32>
    %swap3A_1843 = arith.constant 784 : index
    %swap3A_1844 = tpu.vector_load %arg14[%swap3A_1843] {strides = array<i32>} : memref<1024xf32, #tpu.memory_space<vmem>>, vector<16xf32>,
    %swap3A_1845 = vector.shape_cast %swap3A_1844 : vector<16xf32> to vector<16xf32>
    %swap3A_1846 = vector.shape_cast %add3A_1842 : vector<16xf32> to vector<16xf32>
    tpu.vector_store %arg14[%swap3A_1843], %swap3A_1846 {strides = array<i32>} : memref<1024xf32, #tpu.memory_space<vmem>>, vector<16xf32>,
    %get3A_1847 = arith.constant 800 : index
    %get3A_1848 = tpu.vector_load %arg10[%get3A_1847] {strides = array<i32>} : memref<1024xf32, #tpu.memory_space<vmem>>, vector<16xf32>,
    %get3A_1849 = vector.shape_cast %get3A_1848 : vector<16xf32> to vector<16xf32>
    %get3A_1850 = arith.constant 800 : index
    %get3A_1851 = tpu.vector_load %arg12[%get3A_1850] {strides = array<i32>} : memref<1024xf32, #tpu.memory_space<vmem>>, vector<16xf32>,
    %get3A_1852 = vector.shape_cast %get3A_1851 : vector<16xf32> to vector<16xf32>
    %get3A_1853 = arith.constant 800 : index
    %get3A_1854 = tpu.vector_load %arg11[%get3A_1853] {strides = array<i32>} : memref<1024xf32, #tpu.memory_space<vmem>>, vector<16xf32>,
    %get3A_1855 = vector.shape_cast %get3A_1854 : vector<16xf32> to vector<16xf32>
    %sub3A_1856 = arith.subf %get3A_1855, %get3A_1849 : vector<16xf32>
    %get3A_1857 = arith.constant 800 : index
    %get3A_1858 = tpu.vector_load %arg13[%get3A_1857] {strides = array<i32>} : memref<1024xf32, #tpu.memory_space<vmem>>, vector<16xf32>,
    %get3A_1859 = vector.shape_cast %get3A_1858 : vector<16xf32> to vector<16xf32>
    %sub3A_1860 = arith.subf %get3A_1859, %get3A_1852 : vector<16xf32>
    %div3A_1861 = arith.divf %sub3A_1856, %sub3A_1860 : vector<16xf32>
    %get3A_1862 = arith.constant 800 : index
    %get3A_1863 = tpu.vector_load %arg9[%get3A_1862] {strides = array<i32>} : memref<1024xf32, #tpu.memory_space<vmem>>, vector<16xf32>,
    %get3A_1864 = vector.shape_cast %get3A_1863 : vector<16xf32> to vector<16xf32>
    %sub3A_1865 = arith.subf %get3A_1864, %get3A_1852 : vector<16xf32>
    %mul3A_1866 = arith.mulf %div3A_1861, %sub3A_1865 : vector<16xf32>
    %add3A_1867 = arith.addf %get3A_1849, %mul3A_1866 : vector<16xf32>
    %swap3A_1868 = arith.constant 800 : index
    %swap3A_1869 = tpu.vector_load %arg14[%swap3A_1868] {strides = array<i32>} : memref<1024xf32, #tpu.memory_space<vmem>>, vector<16xf32>,
    %swap3A_1870 = vector.shape_cast %swap3A_1869 : vector<16xf32> to vector<16xf32>
    %swap3A_1871 = vector.shape_cast %add3A_1867 : vector<16xf32> to vector<16xf32>
    tpu.vector_store %arg14[%swap3A_1868], %swap3A_1871 {strides = array<i32>} : memref<1024xf32, #tpu.memory_space<vmem>>, vector<16xf32>,
    %get3A_1872 = arith.constant 816 : index
    %get3A_1873 = tpu.vector_load %arg10[%get3A_1872] {strides = array<i32>} : memref<1024xf32, #tpu.memory_space<vmem>>, vector<16xf32>,
    %get3A_1874 = vector.shape_cast %get3A_1873 : vector<16xf32> to vector<16xf32>
    %get3A_1875 = arith.constant 816 : index
    %get3A_1876 = tpu.vector_load %arg12[%get3A_1875] {strides = array<i32>} : memref<1024xf32, #tpu.memory_space<vmem>>, vector<16xf32>,
    %get3A_1877 = vector.shape_cast %get3A_1876 : vector<16xf32> to vector<16xf32>
    %get3A_1878 = arith.constant 816 : index
    %get3A_1879 = tpu.vector_load %arg11[%get3A_1878] {strides = array<i32>} : memref<1024xf32, #tpu.memory_space<vmem>>, vector<16xf32>,
    %get3A_1880 = vector.shape_cast %get3A_1879 : vector<16xf32> to vector<16xf32>
    %sub3A_1881 = arith.subf %get3A_1880, %get3A_1874 : vector<16xf32>
    %get3A_1882 = arith.constant 816 : index
    %get3A_1883 = tpu.vector_load %arg13[%get3A_1882] {strides = array<i32>} : memref<1024xf32, #tpu.memory_space<vmem>>, vector<16xf32>,
    %get3A_1884 = vector.shape_cast %get3A_1883 : vector<16xf32> to vector<16xf32>
    %sub3A_1885 = arith.subf %get3A_1884, %get3A_1877 : vector<16xf32>
    %div3A_1886 = arith.divf %sub3A_1881, %sub3A_1885 : vector<16xf32>
    %get3A_1887 = arith.constant 816 : index
    %get3A_1888 = tpu.vector_load %arg9[%get3A_1887] {strides = array<i32>} : memref<1024xf32, #tpu.memory_space<vmem>>, vector<16xf32>,
    %get3A_1889 = vector.shape_cast %get3A_1888 : vector<16xf32> to vector<16xf32>
    %sub3A_1890 = arith.subf %get3A_1889, %get3A_1877 : vector<16xf32>
    %mul3A_1891 = arith.mulf %div3A_1886, %sub3A_1890 : vector<16xf32>
    %add3A_1892 = arith.addf %get3A_1874, %mul3A_1891 : vector<16xf32>
    %swap3A_1893 = arith.constant 816 : index
    %swap3A_1894 = tpu.vector_load %arg14[%swap3A_1893] {strides = array<i32>} : memref<1024xf32, #tpu.memory_space<vmem>>, vector<16xf32>,
    %swap3A_1895 = vector.shape_cast %swap3A_1894 : vector<16xf32> to vector<16xf32>
    %swap3A_1896 = vector.shape_cast %add3A_1892 : vector<16xf32> to vector<16xf32>
    tpu.vector_store %arg14[%swap3A_1893], %swap3A_1896 {strides = array<i32>} : memref<1024xf32, #tpu.memory_space<vmem>>, vector<16xf32>,
    %get3A_1897 = arith.constant 832 : index
    %get3A_1898 = tpu.vector_load %arg10[%get3A_1897] {strides = array<i32>} : memref<1024xf32, #tpu.memory_space<vmem>>, vector<16xf32>,
    %get3A_1899 = vector.shape_cast %get3A_1898 : vector<16xf32> to vector<16xf32>
    %get3A_1900 = arith.constant 832 : index
    %get3A_1901 = tpu.vector_load %arg12[%get3A_1900] {strides = array<i32>} : memref<1024xf32, #tpu.memory_space<vmem>>, vector<16xf32>,
    %get3A_1902 = vector.shape_cast %get3A_1901 : vector<16xf32> to vector<16xf32>
    %get3A_1903 = arith.constant 832 : index
    %get3A_1904 = tpu.vector_load %arg11[%get3A_1903] {strides = array<i32>} : memref<1024xf32, #tpu.memory_space<vmem>>, vector<16xf32>,
    %get3A_1905 = vector.shape_cast %get3A_1904 : vector<16xf32> to vector<16xf32>
    %sub3A_1906 = arith.subf %get3A_1905, %get3A_1899 : vector<16xf32>
    %get3A_1907 = arith.constant 832 : index
    %get3A_1908 = tpu.vector_load %arg13[%get3A_1907] {strides = array<i32>} : memref<1024xf32, #tpu.memory_space<vmem>>, vector<16xf32>,
    %get3A_1909 = vector.shape_cast %get3A_1908 : vector<16xf32> to vector<16xf32>
    %sub3A_1910 = arith.subf %get3A_1909, %get3A_1902 : vector<16xf32>
    %div3A_1911 = arith.divf %sub3A_1906, %sub3A_1910 : vector<16xf32>
    %get3A_1912 = arith.constant 832 : index
    %get3A_1913 = tpu.vector_load %arg9[%get3A_1912] {strides = array<i32>} : memref<1024xf32, #tpu.memory_space<vmem>>, vector<16xf32>,
    %get3A_1914 = vector.shape_cast %get3A_1913 : vector<16xf32> to vector<16xf32>
    %sub3A_1915 = arith.subf %get3A_1914, %get3A_1902 : vector<16xf32>
    %mul3A_1916 = arith.mulf %div3A_1911, %sub3A_1915 : vector<16xf32>
    %add3A_1917 = arith.addf %get3A_1899, %mul3A_1916 : vector<16xf32>
    %swap3A_1918 = arith.constant 832 : index
    %swap3A_1919 = tpu.vector_load %arg14[%swap3A_1918] {strides = array<i32>} : memref<1024xf32, #tpu.memory_space<vmem>>, vector<16xf32>,
    %swap3A_1920 = vector.shape_cast %swap3A_1919 : vector<16xf32> to vector<16xf32>
    %swap3A_1921 = vector.shape_cast %add3A_1917 : vector<16xf32> to vector<16xf32>
    tpu.vector_store %arg14[%swap3A_1918], %swap3A_1921 {strides = array<i32>} : memref<1024xf32, #tpu.memory_space<vmem>>, vector<16xf32>,
    %get3A_1922 = arith.constant 848 : index
    %get3A_1923 = tpu.vector_load %arg10[%get3A_1922] {strides = array<i32>} : memref<1024xf32, #tpu.memory_space<vmem>>, vector<16xf32>,
    %get3A_1924 = vector.shape_cast %get3A_1923 : vector<16xf32> to vector<16xf32>
    %get3A_1925 = arith.constant 848 : index
    %get3A_1926 = tpu.vector_load %arg12[%get3A_1925] {strides = array<i32>} : memref<1024xf32, #tpu.memory_space<vmem>>, vector<16xf32>,
    %get3A_1927 = vector.shape_cast %get3A_1926 : vector<16xf32> to vector<16xf32>
    %get3A_1928 = arith.constant 848 : index
    %get3A_1929 = tpu.vector_load %arg11[%get3A_1928] {strides = array<i32>} : memref<1024xf32, #tpu.memory_space<vmem>>, vector<16xf32>,
    %get3A_1930 = vector.shape_cast %get3A_1929 : vector<16xf32> to vector<16xf32>
    %sub3A_1931 = arith.subf %get3A_1930, %get3A_1924 : vector<16xf32>
    %get3A_1932 = arith.constant 848 : index
    %get3A_1933 = tpu.vector_load %arg13[%get3A_1932] {strides = array<i32>} : memref<1024xf32, #tpu.memory_space<vmem>>, vector<16xf32>,
    %get3A_1934 = vector.shape_cast %get3A_1933 : vector<16xf32> to vector<16xf32>
    %sub3A_1935 = arith.subf %get3A_1934, %get3A_1927 : vector<16xf32>
    %div3A_1936 = arith.divf %sub3A_1931, %sub3A_1935 : vector<16xf32>
    %get3A_1937 = arith.constant 848 : index
    %get3A_1938 = tpu.vector_load %arg9[%get3A_1937] {strides = array<i32>} : memref<1024xf32, #tpu.memory_space<vmem>>, vector<16xf32>,
    %get3A_1939 = vector.shape_cast %get3A_1938 : vector<16xf32> to vector<16xf32>
    %sub3A_1940 = arith.subf %get3A_1939, %get3A_1927 : vector<16xf32>
    %mul3A_1941 = arith.mulf %div3A_1936, %sub3A_1940 : vector<16xf32>
    %add3A_1942 = arith.addf %get3A_1924, %mul3A_1941 : vector<16xf32>
    %swap3A_1943 = arith.constant 848 : index
    %swap3A_1944 = tpu.vector_load %arg14[%swap3A_1943] {strides = array<i32>} : memref<1024xf32, #tpu.memory_space<vmem>>, vector<16xf32>,
    %swap3A_1945 = vector.shape_cast %swap3A_1944 : vector<16xf32> to vector<16xf32>
    %swap3A_1946 = vector.shape_cast %add3A_1942 : vector<16xf32> to vector<16xf32>
    tpu.vector_store %arg14[%swap3A_1943], %swap3A_1946 {strides = array<i32>} : memref<1024xf32, #tpu.memory_space<vmem>>, vector<16xf32>,
    %get3A_1947 = arith.constant 864 : index
    %get3A_1948 = tpu.vector_load %arg10[%get3A_1947] {strides = array<i32>} : memref<1024xf32, #tpu.memory_space<vmem>>, vector<16xf32>,
    %get3A_1949 = vector.shape_cast %get3A_1948 : vector<16xf32> to vector<16xf32>
    %get3A_1950 = arith.constant 864 : index
    %get3A_1951 = tpu.vector_load %arg12[%get3A_1950] {strides = array<i32>} : memref<1024xf32, #tpu.memory_space<vmem>>, vector<16xf32>,
    %get3A_1952 = vector.shape_cast %get3A_1951 : vector<16xf32> to vector<16xf32>
    %get3A_1953 = arith.constant 864 : index
    %get3A_1954 = tpu.vector_load %arg11[%get3A_1953] {strides = array<i32>} : memref<1024xf32, #tpu.memory_space<vmem>>, vector<16xf32>,
    %get3A_1955 = vector.shape_cast %get3A_1954 : vector<16xf32> to vector<16xf32>
    %sub3A_1956 = arith.subf %get3A_1955, %get3A_1949 : vector<16xf32>
    %get3A_1957 = arith.constant 864 : index
    %get3A_1958 = tpu.vector_load %arg13[%get3A_1957] {strides = array<i32>} : memref<1024xf32, #tpu.memory_space<vmem>>, vector<16xf32>,
    %get3A_1959 = vector.shape_cast %get3A_1958 : vector<16xf32> to vector<16xf32>
    %sub3A_1960 = arith.subf %get3A_1959, %get3A_1952 : vector<16xf32>
    %div3A_1961 = arith.divf %sub3A_1956, %sub3A_1960 : vector<16xf32>
    %get3A_1962 = arith.constant 864 : index
    %get3A_1963 = tpu.vector_load %arg9[%get3A_1962] {strides = array<i32>} : memref<1024xf32, #tpu.memory_space<vmem>>, vector<16xf32>,
    %get3A_1964 = vector.shape_cast %get3A_1963 : vector<16xf32> to vector<16xf32>
    %sub3A_1965 = arith.subf %get3A_1964, %get3A_1952 : vector<16xf32>
    %mul3A_1966 = arith.mulf %div3A_1961, %sub3A_1965 : vector<16xf32>
    %add3A_1967 = arith.addf %get3A_1949, %mul3A_1966 : vector<16xf32>
    %swap3A_1968 = arith.constant 864 : index
    %swap3A_1969 = tpu.vector_load %arg14[%swap3A_1968] {strides = array<i32>} : memref<1024xf32, #tpu.memory_space<vmem>>, vector<16xf32>,
    %swap3A_1970 = vector.shape_cast %swap3A_1969 : vector<16xf32> to vector<16xf32>
    %swap3A_1971 = vector.shape_cast %add3A_1967 : vector<16xf32> to vector<16xf32>
    tpu.vector_store %arg14[%swap3A_1968], %swap3A_1971 {strides = array<i32>} : memref<1024xf32, #tpu.memory_space<vmem>>, vector<16xf32>,
    %get3A_1972 = arith.constant 880 : index
    %get3A_1973 = tpu.vector_load %arg10[%get3A_1972] {strides = array<i32>} : memref<1024xf32, #tpu.memory_space<vmem>>, vector<16xf32>,
    %get3A_1974 = vector.shape_cast %get3A_1973 : vector<16xf32> to vector<16xf32>
    %get3A_1975 = arith.constant 880 : index
    %get3A_1976 = tpu.vector_load %arg12[%get3A_1975] {strides = array<i32>} : memref<1024xf32, #tpu.memory_space<vmem>>, vector<16xf32>,
    %get3A_1977 = vector.shape_cast %get3A_1976 : vector<16xf32> to vector<16xf32>
    %get3A_1978 = arith.constant 880 : index
    %get3A_1979 = tpu.vector_load %arg11[%get3A_1978] {strides = array<i32>} : memref<1024xf32, #tpu.memory_space<vmem>>, vector<16xf32>,
    %get3A_1980 = vector.shape_cast %get3A_1979 : vector<16xf32> to vector<16xf32>
    %sub3A_1981 = arith.subf %get3A_1980, %get3A_1974 : vector<16xf32>
    %get3A_1982 = arith.constant 880 : index
    %get3A_1983 = tpu.vector_load %arg13[%get3A_1982] {strides = array<i32>} : memref<1024xf32, #tpu.memory_space<vmem>>, vector<16xf32>,
    %get3A_1984 = vector.shape_cast %get3A_1983 : vector<16xf32> to vector<16xf32>
    %sub3A_1985 = arith.subf %get3A_1984, %get3A_1977 : vector<16xf32>
    %div3A_1986 = arith.divf %sub3A_1981, %sub3A_1985 : vector<16xf32>
    %get3A_1987 = arith.constant 880 : index
    %get3A_1988 = tpu.vector_load %arg9[%get3A_1987] {strides = array<i32>} : memref<1024xf32, #tpu.memory_space<vmem>>, vector<16xf32>,
    %get3A_1989 = vector.shape_cast %get3A_1988 : vector<16xf32> to vector<16xf32>
    %sub3A_1990 = arith.subf %get3A_1989, %get3A_1977 : vector<16xf32>
    %mul3A_1991 = arith.mulf %div3A_1986, %sub3A_1990 : vector<16xf32>
    %add3A_1992 = arith.addf %get3A_1974, %mul3A_1991 : vector<16xf32>
    %swap3A_1993 = arith.constant 880 : index
    %swap3A_1994 = tpu.vector_load %arg14[%swap3A_1993] {strides = array<i32>} : memref<1024xf32, #tpu.memory_space<vmem>>, vector<16xf32>,
    %swap3A_1995 = vector.shape_cast %swap3A_1994 : vector<16xf32> to vector<16xf32>
    %swap3A_1996 = vector.shape_cast %add3A_1992 : vector<16xf32> to vector<16xf32>
    tpu.vector_store %arg14[%swap3A_1993], %swap3A_1996 {strides = array<i32>} : memref<1024xf32, #tpu.memory_space<vmem>>, vector<16xf32>,
    %get3A_1997 = arith.constant 896 : index
    %get3A_1998 = tpu.vector_load %arg10[%get3A_1997] {strides = array<i32>} : memref<1024xf32, #tpu.memory_space<vmem>>, vector<16xf32>,
    %get3A_1999 = vector.shape_cast %get3A_1998 : vector<16xf32> to vector<16xf32>
    %get3A_2000 = arith.constant 896 : index
    %get3A_2001 = tpu.vector_load %arg12[%get3A_2000] {strides = array<i32>} : memref<1024xf32, #tpu.memory_space<vmem>>, vector<16xf32>,
    %get3A_2002 = vector.shape_cast %get3A_2001 : vector<16xf32> to vector<16xf32>
    %get3A_2003 = arith.constant 896 : index
    %get3A_2004 = tpu.vector_load %arg11[%get3A_2003] {strides = array<i32>} : memref<1024xf32, #tpu.memory_space<vmem>>, vector<16xf32>,
    %get3A_2005 = vector.shape_cast %get3A_2004 : vector<16xf32> to vector<16xf32>
    %sub3A_2006 = arith.subf %get3A_2005, %get3A_1999 : vector<16xf32>
    %get3A_2007 = arith.constant 896 : index
    %get3A_2008 = tpu.vector_load %arg13[%get3A_2007] {strides = array<i32>} : memref<1024xf32, #tpu.memory_space<vmem>>, vector<16xf32>,
    %get3A_2009 = vector.shape_cast %get3A_2008 : vector<16xf32> to vector<16xf32>
    %sub3A_2010 = arith.subf %get3A_2009, %get3A_2002 : vector<16xf32>
    %div3A_2011 = arith.divf %sub3A_2006, %sub3A_2010 : vector<16xf32>
    %get3A_2012 = arith.constant 896 : index
    %get3A_2013 = tpu.vector_load %arg9[%get3A_2012] {strides = array<i32>} : memref<1024xf32, #tpu.memory_space<vmem>>, vector<16xf32>,
    %get3A_2014 = vector.shape_cast %get3A_2013 : vector<16xf32> to vector<16xf32>
    %sub3A_2015 = arith.subf %get3A_2014, %get3A_2002 : vector<16xf32>
    %mul3A_2016 = arith.mulf %div3A_2011, %sub3A_2015 : vector<16xf32>
    %add3A_2017 = arith.addf %get3A_1999, %mul3A_2016 : vector<16xf32>
    %swap3A_2018 = arith.constant 896 : index
    %swap3A_2019 = tpu.vector_load %arg14[%swap3A_2018] {strides = array<i32>} : memref<1024xf32, #tpu.memory_space<vmem>>, vector<16xf32>,
    %swap3A_2020 = vector.shape_cast %swap3A_2019 : vector<16xf32> to vector<16xf32>
    %swap3A_2021 = vector.shape_cast %add3A_2017 : vector<16xf32> to vector<16xf32>
    tpu.vector_store %arg14[%swap3A_2018], %swap3A_2021 {strides = array<i32>} : memref<1024xf32, #tpu.memory_space<vmem>>, vector<16xf32>,
    %get3A_2022 = arith.constant 912 : index
    %get3A_2023 = tpu.vector_load %arg10[%get3A_2022] {strides = array<i32>} : memref<1024xf32, #tpu.memory_space<vmem>>, vector<16xf32>,
    %get3A_2024 = vector.shape_cast %get3A_2023 : vector<16xf32> to vector<16xf32>
    %get3A_2025 = arith.constant 912 : index
    %get3A_2026 = tpu.vector_load %arg12[%get3A_2025] {strides = array<i32>} : memref<1024xf32, #tpu.memory_space<vmem>>, vector<16xf32>,
    %get3A_2027 = vector.shape_cast %get3A_2026 : vector<16xf32> to vector<16xf32>
    %get3A_2028 = arith.constant 912 : index
    %get3A_2029 = tpu.vector_load %arg11[%get3A_2028] {strides = array<i32>} : memref<1024xf32, #tpu.memory_space<vmem>>, vector<16xf32>,
    %get3A_2030 = vector.shape_cast %get3A_2029 : vector<16xf32> to vector<16xf32>
    %sub3A_2031 = arith.subf %get3A_2030, %get3A_2024 : vector<16xf32>
    %get3A_2032 = arith.constant 912 : index
    %get3A_2033 = tpu.vector_load %arg13[%get3A_2032] {strides = array<i32>} : memref<1024xf32, #tpu.memory_space<vmem>>, vector<16xf32>,
    %get3A_2034 = vector.shape_cast %get3A_2033 : vector<16xf32> to vector<16xf32>
    %sub3A_2035 = arith.subf %get3A_2034, %get3A_2027 : vector<16xf32>
    %div3A_2036 = arith.divf %sub3A_2031, %sub3A_2035 : vector<16xf32>
    %get3A_2037 = arith.constant 912 : index
    %get3A_2038 = tpu.vector_load %arg9[%get3A_2037] {strides = array<i32>} : memref<1024xf32, #tpu.memory_space<vmem>>, vector<16xf32>,
    %get3A_2039 = vector.shape_cast %get3A_2038 : vector<16xf32> to vector<16xf32>
    %sub3A_2040 = arith.subf %get3A_2039, %get3A_2027 : vector<16xf32>
    %mul3A_2041 = arith.mulf %div3A_2036, %sub3A_2040 : vector<16xf32>
    %add3A_2042 = arith.addf %get3A_2024, %mul3A_2041 : vector<16xf32>
    %swap3A_2043 = arith.constant 912 : index
    %swap3A_2044 = tpu.vector_load %arg14[%swap3A_2043] {strides = array<i32>} : memref<1024xf32, #tpu.memory_space<vmem>>, vector<16xf32>,
    %swap3A_2045 = vector.shape_cast %swap3A_2044 : vector<16xf32> to vector<16xf32>
    %swap3A_2046 = vector.shape_cast %add3A_2042 : vector<16xf32> to vector<16xf32>
    tpu.vector_store %arg14[%swap3A_2043], %swap3A_2046 {strides = array<i32>} : memref<1024xf32, #tpu.memory_space<vmem>>, vector<16xf32>,
    %get3A_2047 = arith.constant 928 : index
    %get3A_2048 = tpu.vector_load %arg10[%get3A_2047] {strides = array<i32>} : memref<1024xf32, #tpu.memory_space<vmem>>, vector<16xf32>,
    %get3A_2049 = vector.shape_cast %get3A_2048 : vector<16xf32> to vector<16xf32>
    %get3A_2050 = arith.constant 928 : index
    %get3A_2051 = tpu.vector_load %arg12[%get3A_2050] {strides = array<i32>} : memref<1024xf32, #tpu.memory_space<vmem>>, vector<16xf32>,
    %get3A_2052 = vector.shape_cast %get3A_2051 : vector<16xf32> to vector<16xf32>
    %get3A_2053 = arith.constant 928 : index
    %get3A_2054 = tpu.vector_load %arg11[%get3A_2053] {strides = array<i32>} : memref<1024xf32, #tpu.memory_space<vmem>>, vector<16xf32>,
    %get3A_2055 = vector.shape_cast %get3A_2054 : vector<16xf32> to vector<16xf32>
    %sub3A_2056 = arith.subf %get3A_2055, %get3A_2049 : vector<16xf32>
    %get3A_2057 = arith.constant 928 : index
    %get3A_2058 = tpu.vector_load %arg13[%get3A_2057] {strides = array<i32>} : memref<1024xf32, #tpu.memory_space<vmem>>, vector<16xf32>,
    %get3A_2059 = vector.shape_cast %get3A_2058 : vector<16xf32> to vector<16xf32>
    %sub3A_2060 = arith.subf %get3A_2059, %get3A_2052 : vector<16xf32>
    %div3A_2061 = arith.divf %sub3A_2056, %sub3A_2060 : vector<16xf32>
    %get3A_2062 = arith.constant 928 : index
    %get3A_2063 = tpu.vector_load %arg9[%get3A_2062] {strides = array<i32>} : memref<1024xf32, #tpu.memory_space<vmem>>, vector<16xf32>,
    %get3A_2064 = vector.shape_cast %get3A_2063 : vector<16xf32> to vector<16xf32>
    %sub3A_2065 = arith.subf %get3A_2064, %get3A_2052 : vector<16xf32>
    %mul3A_2066 = arith.mulf %div3A_2061, %sub3A_2065 : vector<16xf32>
    %add3A_2067 = arith.addf %get3A_2049, %mul3A_2066 : vector<16xf32>
    %swap3A_2068 = arith.constant 928 : index
    %swap3A_2069 = tpu.vector_load %arg14[%swap3A_2068] {strides = array<i32>} : memref<1024xf32, #tpu.memory_space<vmem>>, vector<16xf32>,
    %swap3A_2070 = vector.shape_cast %swap3A_2069 : vector<16xf32> to vector<16xf32>
    %swap3A_2071 = vector.shape_cast %add3A_2067 : vector<16xf32> to vector<16xf32>
    tpu.vector_store %arg14[%swap3A_2068], %swap3A_2071 {strides = array<i32>} : memref<1024xf32, #tpu.memory_space<vmem>>, vector<16xf32>,
    %get3A_2072 = arith.constant 944 : index
    %get3A_2073 = tpu.vector_load %arg10[%get3A_2072] {strides = array<i32>} : memref<1024xf32, #tpu.memory_space<vmem>>, vector<16xf32>,
    %get3A_2074 = vector.shape_cast %get3A_2073 : vector<16xf32> to vector<16xf32>
    %get3A_2075 = arith.constant 944 : index
    %get3A_2076 = tpu.vector_load %arg12[%get3A_2075] {strides = array<i32>} : memref<1024xf32, #tpu.memory_space<vmem>>, vector<16xf32>,
    %get3A_2077 = vector.shape_cast %get3A_2076 : vector<16xf32> to vector<16xf32>
    %get3A_2078 = arith.constant 944 : index
    %get3A_2079 = tpu.vector_load %arg11[%get3A_2078] {strides = array<i32>} : memref<1024xf32, #tpu.memory_space<vmem>>, vector<16xf32>,
    %get3A_2080 = vector.shape_cast %get3A_2079 : vector<16xf32> to vector<16xf32>
    %sub3A_2081 = arith.subf %get3A_2080, %get3A_2074 : vector<16xf32>
    %get3A_2082 = arith.constant 944 : index
    %get3A_2083 = tpu.vector_load %arg13[%get3A_2082] {strides = array<i32>} : memref<1024xf32, #tpu.memory_space<vmem>>, vector<16xf32>,
    %get3A_2084 = vector.shape_cast %get3A_2083 : vector<16xf32> to vector<16xf32>
    %sub3A_2085 = arith.subf %get3A_2084, %get3A_2077 : vector<16xf32>
    %div3A_2086 = arith.divf %sub3A_2081, %sub3A_2085 : vector<16xf32>
    %get3A_2087 = arith.constant 944 : index
    %get3A_2088 = tpu.vector_load %arg9[%get3A_2087] {strides = array<i32>} : memref<1024xf32, #tpu.memory_space<vmem>>, vector<16xf32>,
    %get3A_2089 = vector.shape_cast %get3A_2088 : vector<16xf32> to vector<16xf32>
    %sub3A_2090 = arith.subf %get3A_2089, %get3A_2077 : vector<16xf32>
    %mul3A_2091 = arith.mulf %div3A_2086, %sub3A_2090 : vector<16xf32>
    %add3A_2092 = arith.addf %get3A_2074, %mul3A_2091 : vector<16xf32>
    %swap3A_2093 = arith.constant 944 : index
    %swap3A_2094 = tpu.vector_load %arg14[%swap3A_2093] {strides = array<i32>} : memref<1024xf32, #tpu.memory_space<vmem>>, vector<16xf32>,
    %swap3A_2095 = vector.shape_cast %swap3A_2094 : vector<16xf32> to vector<16xf32>
    %swap3A_2096 = vector.shape_cast %add3A_2092 : vector<16xf32> to vector<16xf32>
    tpu.vector_store %arg14[%swap3A_2093], %swap3A_2096 {strides = array<i32>} : memref<1024xf32, #tpu.memory_space<vmem>>, vector<16xf32>,
    %get3A_2097 = arith.constant 960 : index
    %get3A_2098 = tpu.vector_load %arg10[%get3A_2097] {strides = array<i32>} : memref<1024xf32, #tpu.memory_space<vmem>>, vector<16xf32>,
    %get3A_2099 = vector.shape_cast %get3A_2098 : vector<16xf32> to vector<16xf32>
    %get3A_2100 = arith.constant 960 : index
    %get3A_2101 = tpu.vector_load %arg12[%get3A_2100] {strides = array<i32>} : memref<1024xf32, #tpu.memory_space<vmem>>, vector<16xf32>,
    %get3A_2102 = vector.shape_cast %get3A_2101 : vector<16xf32> to vector<16xf32>
    %get3A_2103 = arith.constant 960 : index
    %get3A_2104 = tpu.vector_load %arg11[%get3A_2103] {strides = array<i32>} : memref<1024xf32, #tpu.memory_space<vmem>>, vector<16xf32>,
    %get3A_2105 = vector.shape_cast %get3A_2104 : vector<16xf32> to vector<16xf32>
    %sub3A_2106 = arith.subf %get3A_2105, %get3A_2099 : vector<16xf32>
    %get3A_2107 = arith.constant 960 : index
    %get3A_2108 = tpu.vector_load %arg13[%get3A_2107] {strides = array<i32>} : memref<1024xf32, #tpu.memory_space<vmem>>, vector<16xf32>,
    %get3A_2109 = vector.shape_cast %get3A_2108 : vector<16xf32> to vector<16xf32>
    %sub3A_2110 = arith.subf %get3A_2109, %get3A_2102 : vector<16xf32>
    %div3A_2111 = arith.divf %sub3A_2106, %sub3A_2110 : vector<16xf32>
    %get3A_2112 = arith.constant 960 : index
    %get3A_2113 = tpu.vector_load %arg9[%get3A_2112] {strides = array<i32>} : memref<1024xf32, #tpu.memory_space<vmem>>, vector<16xf32>,
    %get3A_2114 = vector.shape_cast %get3A_2113 : vector<16xf32> to vector<16xf32>
    %sub3A_2115 = arith.subf %get3A_2114, %get3A_2102 : vector<16xf32>
    %mul3A_2116 = arith.mulf %div3A_2111, %sub3A_2115 : vector<16xf32>
    %add3A_2117 = arith.addf %get3A_2099, %mul3A_2116 : vector<16xf32>
    %swap3A_2118 = arith.constant 960 : index
    %swap3A_2119 = tpu.vector_load %arg14[%swap3A_2118] {strides = array<i32>} : memref<1024xf32, #tpu.memory_space<vmem>>, vector<16xf32>,
    %swap3A_2120 = vector.shape_cast %swap3A_2119 : vector<16xf32> to vector<16xf32>
    %swap3A_2121 = vector.shape_cast %add3A_2117 : vector<16xf32> to vector<16xf32>
    tpu.vector_store %arg14[%swap3A_2118], %swap3A_2121 {strides = array<i32>} : memref<1024xf32, #tpu.memory_space<vmem>>, vector<16xf32>,
    %get3A_2122 = arith.constant 976 : index
    %get3A_2123 = tpu.vector_load %arg10[%get3A_2122] {strides = array<i32>} : memref<1024xf32, #tpu.memory_space<vmem>>, vector<16xf32>,
    %get3A_2124 = vector.shape_cast %get3A_2123 : vector<16xf32> to vector<16xf32>
    %get3A_2125 = arith.constant 976 : index
    %get3A_2126 = tpu.vector_load %arg12[%get3A_2125] {strides = array<i32>} : memref<1024xf32, #tpu.memory_space<vmem>>, vector<16xf32>,
    %get3A_2127 = vector.shape_cast %get3A_2126 : vector<16xf32> to vector<16xf32>
    %get3A_2128 = arith.constant 976 : index
    %get3A_2129 = tpu.vector_load %arg11[%get3A_2128] {strides = array<i32>} : memref<1024xf32, #tpu.memory_space<vmem>>, vector<16xf32>,
    %get3A_2130 = vector.shape_cast %get3A_2129 : vector<16xf32> to vector<16xf32>
    %sub3A_2131 = arith.subf %get3A_2130, %get3A_2124 : vector<16xf32>
    %get3A_2132 = arith.constant 976 : index
    %get3A_2133 = tpu.vector_load %arg13[%get3A_2132] {strides = array<i32>} : memref<1024xf32, #tpu.memory_space<vmem>>, vector<16xf32>,
    %get3A_2134 = vector.shape_cast %get3A_2133 : vector<16xf32> to vector<16xf32>
    %sub3A_2135 = arith.subf %get3A_2134, %get3A_2127 : vector<16xf32>
    %div3A_2136 = arith.divf %sub3A_2131, %sub3A_2135 : vector<16xf32>
    %get3A_2137 = arith.constant 976 : index
    %get3A_2138 = tpu.vector_load %arg9[%get3A_2137] {strides = array<i32>} : memref<1024xf32, #tpu.memory_space<vmem>>, vector<16xf32>,
    %get3A_2139 = vector.shape_cast %get3A_2138 : vector<16xf32> to vector<16xf32>
    %sub3A_2140 = arith.subf %get3A_2139, %get3A_2127 : vector<16xf32>
    %mul3A_2141 = arith.mulf %div3A_2136, %sub3A_2140 : vector<16xf32>
    %add3A_2142 = arith.addf %get3A_2124, %mul3A_2141 : vector<16xf32>
    %swap3A_2143 = arith.constant 976 : index
    %swap3A_2144 = tpu.vector_load %arg14[%swap3A_2143] {strides = array<i32>} : memref<1024xf32, #tpu.memory_space<vmem>>, vector<16xf32>,
    %swap3A_2145 = vector.shape_cast %swap3A_2144 : vector<16xf32> to vector<16xf32>
    %swap3A_2146 = vector.shape_cast %add3A_2142 : vector<16xf32> to vector<16xf32>
    tpu.vector_store %arg14[%swap3A_2143], %swap3A_2146 {strides = array<i32>} : memref<1024xf32, #tpu.memory_space<vmem>>, vector<16xf32>,
    %get3A_2147 = arith.constant 992 : index
    %get3A_2148 = tpu.vector_load %arg10[%get3A_2147] {strides = array<i32>} : memref<1024xf32, #tpu.memory_space<vmem>>, vector<16xf32>,
    %get3A_2149 = vector.shape_cast %get3A_2148 : vector<16xf32> to vector<16xf32>
    %get3A_2150 = arith.constant 992 : index
    %get3A_2151 = tpu.vector_load %arg12[%get3A_2150] {strides = array<i32>} : memref<1024xf32, #tpu.memory_space<vmem>>, vector<16xf32>,
    %get3A_2152 = vector.shape_cast %get3A_2151 : vector<16xf32> to vector<16xf32>
    %get3A_2153 = arith.constant 992 : index
    %get3A_2154 = tpu.vector_load %arg11[%get3A_2153] {strides = array<i32>} : memref<1024xf32, #tpu.memory_space<vmem>>, vector<16xf32>,
    %get3A_2155 = vector.shape_cast %get3A_2154 : vector<16xf32> to vector<16xf32>
    %sub3A_2156 = arith.subf %get3A_2155, %get3A_2149 : vector<16xf32>
    %get3A_2157 = arith.constant 992 : index
    %get3A_2158 = tpu.vector_load %arg13[%get3A_2157] {strides = array<i32>} : memref<1024xf32, #tpu.memory_space<vmem>>, vector<16xf32>,
    %get3A_2159 = vector.shape_cast %get3A_2158 : vector<16xf32> to vector<16xf32>
    %sub3A_2160 = arith.subf %get3A_2159, %get3A_2152 : vector<16xf32>
    %div3A_2161 = arith.divf %sub3A_2156, %sub3A_2160 : vector<16xf32>
    %get3A_2162 = arith.constant 992 : index
    %get3A_2163 = tpu.vector_load %arg9[%get3A_2162] {strides = array<i32>} : memref<1024xf32, #tpu.memory_space<vmem>>, vector<16xf32>,
    %get3A_2164 = vector.shape_cast %get3A_2163 : vector<16xf32> to vector<16xf32>
    %sub3A_2165 = arith.subf %get3A_2164, %get3A_2152 : vector<16xf32>
    %mul3A_2166 = arith.mulf %div3A_2161, %sub3A_2165 : vector<16xf32>
    %add3A_2167 = arith.addf %get3A_2149, %mul3A_2166 : vector<16xf32>
    %swap3A_2168 = arith.constant 992 : index
    %swap3A_2169 = tpu.vector_load %arg14[%swap3A_2168] {strides = array<i32>} : memref<1024xf32, #tpu.memory_space<vmem>>, vector<16xf32>,
    %swap3A_2170 = vector.shape_cast %swap3A_2169 : vector<16xf32> to vector<16xf32>
    %swap3A_2171 = vector.shape_cast %add3A_2167 : vector<16xf32> to vector<16xf32>
    tpu.vector_store %arg14[%swap3A_2168], %swap3A_2171 {strides = array<i32>} : memref<1024xf32, #tpu.memory_space<vmem>>, vector<16xf32>,
    %get3A_2172 = arith.constant 1008 : index
    %get3A_2173 = tpu.vector_load %arg10[%get3A_2172] {strides = array<i32>} : memref<1024xf32, #tpu.memory_space<vmem>>, vector<16xf32>,
    %get3A_2174 = vector.shape_cast %get3A_2173 : vector<16xf32> to vector<16xf32>
    %get3A_2175 = arith.constant 1008 : index
    %get3A_2176 = tpu.vector_load %arg12[%get3A_2175] {strides = array<i32>} : memref<1024xf32, #tpu.memory_space<vmem>>, vector<16xf32>,
    %get3A_2177 = vector.shape_cast %get3A_2176 : vector<16xf32> to vector<16xf32>
    %get3A_2178 = arith.constant 1008 : index
    %get3A_2179 = tpu.vector_load %arg11[%get3A_2178] {strides = array<i32>} : memref<1024xf32, #tpu.memory_space<vmem>>, vector<16xf32>,
    %get3A_2180 = vector.shape_cast %get3A_2179 : vector<16xf32> to vector<16xf32>
    %sub3A_2181 = arith.subf %get3A_2180, %get3A_2174 : vector<16xf32>
    %get3A_2182 = arith.constant 1008 : index
    %get3A_2183 = tpu.vector_load %arg13[%get3A_2182] {strides = array<i32>} : memref<1024xf32, #tpu.memory_space<vmem>>, vector<16xf32>,
    %get3A_2184 = vector.shape_cast %get3A_2183 : vector<16xf32> to vector<16xf32>
    %sub3A_2185 = arith.subf %get3A_2184, %get3A_2177 : vector<16xf32>
    %div3A_2186 = arith.divf %sub3A_2181, %sub3A_2185 : vector<16xf32>
    %get3A_2187 = arith.constant 1008 : index
    %get3A_2188 = tpu.vector_load %arg9[%get3A_2187] {strides = array<i32>} : memref<1024xf32, #tpu.memory_space<vmem>>, vector<16xf32>,
    %get3A_2189 = vector.shape_cast %get3A_2188 : vector<16xf32> to vector<16xf32>
    %sub3A_2190 = arith.subf %get3A_2189, %get3A_2177 : vector<16xf32>
    %mul3A_2191 = arith.mulf %div3A_2186, %sub3A_2190 : vector<16xf32>
    %add3A_2192 = arith.addf %get3A_2174, %mul3A_2191 : vector<16xf32>
    %swap3A_2193 = arith.constant 1008 : index
    %swap3A_2194 = tpu.vector_load %arg14[%swap3A_2193] {strides = array<i32>} : memref<1024xf32, #tpu.memory_space<vmem>>, vector<16xf32>,
    %swap3A_2195 = vector.shape_cast %swap3A_2194 : vector<16xf32> to vector<16xf32>
    %swap3A_2196 = vector.shape_cast %add3A_2192 : vector<16xf32> to vector<16xf32>
    tpu.vector_store %arg14[%swap3A_2193], %swap3A_2196 {strides = array<i32>} : memref<1024xf32, #tpu.memory_space<vmem>>, vector<16xf32>,
    %add3A_2197 = arith.constant 512 : i32
    %add3A_2198 = arith.addi %mul3A_0, %add3A_2197 : i32
    %dma_start3A_2199 = arith.constant 512 : i32
    %dma_start3A_2200 = tpu.memref_slice %arg14[%dma_start3A_2199] : memref<1024xf32, #tpu.memory_space<vmem>> -> memref<512xf32, #tpu.memory_space<vmem>>
    %dma_start3A_2201 = tpu.memref_slice %arg6[%add3A_2198] : memref<16384xf32, #tpu.memory_space<hbm>> -> memref<512xf32, #tpu.memory_space<hbm>>
    %dma_start3A_2202 = tpu.memref_slice %arg6[%add3A_2198] : memref<16384xf32, #tpu.memory_space<hbm>> -> memref<512xf32, #tpu.memory_space<hbm>>
    %dma_start3A_2203 = arith.constant 512 : i32
    %dma_start3A_2204 = tpu.memref_slice %arg14[%dma_start3A_2203] : memref<1024xf32, #tpu.memory_space<vmem>> -> memref<512xf32, #tpu.memory_space<vmem>>
    tpu.enqueue_dma source(%dma_start3A_2204 : memref<512xf32, #tpu.memory_space<vmem>>) target(%dma_start3A_2202 : memref<512xf32, #tpu.memory_space<hbm>>) target_semaphore(%arg15 : memref<!tpu.dma_semaphore, #tpu.memory_space<semaphore_mem>>)
    %dma_wait3A_2205 = arith.constant 0 : i32
    %dma_wait3A_2206 = tpu.memref_slice %arg14[%dma_wait3A_2205] : memref<1024xf32, #tpu.memory_space<vmem>> -> memref<512xf32, #tpu.memory_space<vmem>>
    %dma_wait3A_2207 = tpu.memref_slice %arg6[%add3A_1390] : memref<16384xf32, #tpu.memory_space<hbm>> -> memref<512xf32, #tpu.memory_space<hbm>>
    %dma_wait3A_2208 = tpu.memref_slice %arg6[%add3A_1390] : memref<16384xf32, #tpu.memory_space<hbm>> -> memref<512xf32, #tpu.memory_space<hbm>>
    %dma_wait3A_2209 = arith.constant 0 : i32
    %dma_wait3A_2210 = tpu.memref_slice %arg14[%dma_wait3A_2209] : memref<1024xf32, #tpu.memory_space<vmem>> -> memref<512xf32, #tpu.memory_space<vmem>>
    tpu.wait_dma2 semaphore(%arg15 : memref<!tpu.dma_semaphore, #tpu.memory_space<semaphore_mem>>) src(%dma_wait3A_2210 : memref<512xf32, #tpu.memory_space<vmem>>) dst(%dma_wait3A_2208 : memref<512xf32, #tpu.memory_space<hbm>>)
    %dma_wait3A_2211 = arith.constant 512 : i32
    %dma_wait3A_2212 = tpu.memref_slice %arg14[%dma_wait3A_2211] : memref<1024xf32, #tpu.memory_space<vmem>> -> memref<512xf32, #tpu.memory_space<vmem>>
    %dma_wait3A_2213 = tpu.memref_slice %arg6[%add3A_2198] : memref<16384xf32, #tpu.memory_space<hbm>> -> memref<512xf32, #tpu.memory_space<hbm>>
    %dma_wait3A_2214 = tpu.memref_slice %arg6[%add3A_2198] : memref<16384xf32, #tpu.memory_space<hbm>> -> memref<512xf32, #tpu.memory_space<hbm>>
    %dma_wait3A_2215 = arith.constant 512 : i32
    %dma_wait3A_2216 = tpu.memref_slice %arg14[%dma_wait3A_2215] : memref<1024xf32, #tpu.memory_space<vmem>> -> memref<512xf32, #tpu.memory_space<vmem>>
    tpu.wait_dma2 semaphore(%arg15 : memref<!tpu.dma_semaphore, #tpu.memory_space<semaphore_mem>>) src(%dma_wait3A_2216 : memref<512xf32, #tpu.memory_space<vmem>>) dst(%dma_wait3A_2214 : memref<512xf32, #tpu.memory_space<hbm>>)
    return
  }
}

</mosaic_0001>

<sc_bundles>
// kernel: kernel.3.cloned.1.call-start
scs
__scs_entry_jumppad:
0x0: {  	(pc) =	sbr.rel $0x88, $3  }
0x1: {  	(tag) =	ssettag $0x0;
	lr =	simm.s32 $0x1  }
0x2: {  	[smem:$0x3F9E] =	sst lr;
	_ =	strace $0xD0000000  }
0x3: {  	_ = 	snop  }
0x4: {  	_ = 	snop  }
0x5: {  	_ = 	snop  }
0x6: {  	_ = 	snop  }
0x7: {  	_ = 	snop  }
__scs_overlays_trampoline_lowered:
0x8: {  	[smem:$0x3FAD] =	sst s0  }
0x9: {  	[smem:$0x3FAE] =	sst s1  }
0xa: {  	[smem:$0x3FAF] =	sst s2  }
0xb: {  	[smem:$0x3FB0] =	sst s3  }
0xc: {  	[smem:$0x3FB1] =	sst s4  }
0xd: {  	[smem:$0x3FB2] =	sst s5  }
0xe: {  	[smem:$0x3FB3] =	sst s6  }
0xf: {  	[smem:$0x3FB4] =	sst s7  }
0x10: {  	[smem:$0x3FB5] =	sst s8  }
0x11: {  	[smem:$0x3FB6] =	sst s9;
	s0 =	simm.s32 @!p0 $0x0  }
0x12: {  	s1 =	sld [smem:$0x3F9C];
	s0 =	simm.s32 @p0 $0x1  }
0x13: {  	[smem:$0x3FB7] =	sst s0;
	s0 =	simm.s32 @!p1 $0x0  }
0x14: {  	s2 =	sld [smem:$0x3F9B];
	s0 =	simm.s32 @p1 $0x1  }
0x15: {  	[smem:$0x3FB8] =	sst s0;
	s0 =	simm.s32 @!p2 $0x0  }
0x16: {  	s3 =	sld [smem:$0x3FDB];
	s0 =	simm.s32 @p2 $0x1  }
0x17: {  	s4 =	simm.s32 $0x1BF5;
	[smem:$0x3FBA] =	sst s0  }
0x18: {  	s0 =	sld [smem:$0x3F9D];
	_ =	swait.ge [sflag:s4], $0x0  }
0x19: {  	s7 =	sld [smem:$0x3F9E]  }
0x1a: {  	s8 =	sadd.s32 $0xFFFFE003, lr  }
0x1b: {  	s9 =	sadd.s32 $0xFFFFFEF7, lr;
	s5 =	simm.s32 $0xFFFFFFFF;
	p2 =	slt.u32 s8, $0xFFFFF086  }
0x1c: {  	p1 =	slt.u32 s9, $0xF7A;
	s5 =	simm.s32 @!p2 $0x0  }
0x1d: {  	s5 =	simm.s32 @p1 $0x1;
	p0 =	seq.s32 s7, s2  }
0x1e: {  	s7 =	smul.u32 @!p0 $0xF7A, s2;
	p2 =	seq.s32 @!p0 s5, $0x0  }
0x1f: {  	s9 =	smul.u32 $0xF7A, s1;
	s8 =	simm.s32 @!p0 $0x1BF5;
	p2 =	por !p2, p0  }
0x20: {  	[sflag:s8] =	ssyncset.s32 @!p0 $0xFFFFF086;
	s6 =	sadd.s32 @!p0 s3, s7;
	s7 =	simm.s32 @!p0 $0x108  }
0x21: {  	s3 =	sadd.s32 s3, s9;
	s6 =	sadd.s32 @!p0 $0x88, s6;
	s7 =	simm.s32 @p2 $0x1082  }
0x22: {  	[simem:s7], [sflag:s8] =	dma.local @!p0 [hbm:s6], $0xF7A  }
0x23: {  	s9 =	sor.u32 $0xD0000000, s2;
	s6 =	simm.s32 $0x108;
	_ =	swait.ge @!p0 [sflag:s8], $0x0  }
0x24: {  	s3 =	sadd.s32 $0x88, s3;
	s6 =	simm.s32 @!p1 $0x1082;
	[sflag:s4] =	ssyncset.s32 $0xFFFFF086  }
0x25: {  	[simem:s6], [sflag:s4] =	dma.local [hbm:s3], $0xF7A  }
0x26: {  	[smem:$0x3F9E] =	sst s1;
	(tag) =	ssettag s2;
	_ =	strace s9  }
0x27: {  	s1 =	sld [smem:$0x3FAE]  }
0x28: {  	s2 =	sld [smem:$0x3FAF]  }
0x29: {  	s4 =	sld [smem:$0x3FB1]  }
0x2a: {  	p0 =	seq.s32 s5, $0x0;
	s5 =	sld [smem:$0x3FB2]  }
0x2b: {  	s6 =	sld [smem:$0x3FB3]  }
0x2c: {  	s7 =	sld [smem:$0x3FB4]  }
0x2d: {  	s3 =	simm.s32 $0x108;
	s8 =	sld [smem:$0x3FB5]  }
0x2e: {  	s3 =	simm.s32 @!p0 $0x1082;
	s9 =	sld [smem:$0x3FB6]  }
0x2f: {  	lr =	sadd.s32 s0, s3;
	s0 =	sld [smem:$0x3FAD]  }
0x30: {  	s3 =	sld [smem:$0x3FB0]  }
0x31: {  	[smem:$0x3FB9] =	sst s10  }
0x32: {  	s10 =	sld [smem:$0x3FB7];
	_ =	sdelay $0x3  }
0x33: {  	p0 =	seq.s32 s10, $0x1;
	s10 =	sld [smem:$0x3FB9];
	_ =	sdelay $0x3  }
0x34: {  	[smem:$0x3FB9] =	sst s10  }
0x35: {  	s10 =	sld [smem:$0x3FB8];
	_ =	sdelay $0x3  }
0x36: {  	p1 =	seq.s32 s10, $0x1;
	s10 =	sld [smem:$0x3FB9];
	_ =	sdelay $0x3  }
0x37: {  	[smem:$0x3FB9] =	sst s10  }
0x38: {  	s10 =	sld [smem:$0x3FBA]  }
0x39: {  	_ = 	snop;
	(pc) =	sbr.ind lr, $3  }
0x3a: {  	_ = 	snop  }
0x3b: {  	_ = 	snop  }
0x3c: {  	p2 =	seq.s32 s10, $0x1;
	s10 =	sld [smem:$0x3FB9]  }
0x3d: {  	_ =	shalt  }
0x3e: {  	_ =	shalt  }
0x3f: {  	_ =	shalt  }
0x40: {  	_ =	shalt  }
0x41: {  	_ =	shalt  }
0x42: {  	_ =	shalt  }
0x43: {  	_ =	shalt  }
0x44: {  	_ =	shalt  }
0x45: {  	_ =	shalt  }
0x46: {  	_ =	shalt  }
0x47: {  	_ =	shalt  }
0x48: {  	_ =	shalt  }
0x49: {  	_ =	shalt  }
0x4a: {  	_ =	shalt  }
0x4b: {  	_ =	shalt  }
0x4c: {  	_ =	shalt  }
0x4d: {  	_ =	shalt  }
0x4e: {  	_ =	shalt  }
0x4f: {  	_ =	shalt  }
0x50: {  	_ =	shalt  }
0x51: {  	_ =	shalt  }
0x52: {  	_ =	shalt  }
0x53: {  	_ =	shalt  }
0x54: {  	_ =	shalt  }
0x55: {  	_ =	shalt  }
0x56: {  	_ =	shalt  }
0x57: {  	_ =	shalt  }
0x58: {  	_ =	shalt  }
0x59: {  	_ =	shalt  }
0x5a: {  	_ =	shalt  }
0x5b: {  	_ =	shalt  }
0x5c: {  	_ =	shalt  }
0x5d: {  	_ =	shalt  }
0x5e: {  	_ =	shalt  }
0x5f: {  	_ =	shalt  }
0x60: {  	_ =	shalt  }
0x61: {  	_ =	shalt  }
0x62: {  	_ =	shalt  }
0x63: {  	_ =	shalt  }
0x64: {  	_ =	shalt  }
0x65: {  	_ =	shalt  }
0x66: {  	_ =	shalt  }
0x67: {  	_ =	shalt  }
0x68: {  	_ =	shalt  }
0x69: {  	_ =	shalt  }
0x6a: {  	_ =	shalt  }
0x6b: {  	_ =	shalt  }
0x6c: {  	_ =	shalt  }
0x6d: {  	_ =	shalt  }
0x6e: {  	_ =	shalt  }
0x6f: {  	_ =	shalt  }
0x70: {  	_ =	shalt  }
0x71: {  	_ =	shalt  }
0x72: {  	_ =	shalt  }
0x73: {  	_ =	shalt  }
0x74: {  	_ =	shalt  }
0x75: {  	_ =	shalt  }
0x76: {  	_ =	shalt  }
0x77: {  	_ =	shalt  }
0x78: {  	_ =	shalt  }
0x79: {  	_ =	shalt  }
0x7a: {  	_ =	shalt  }
0x7b: {  	_ =	shalt  }
0x7c: {  	_ =	shalt  }
0x7d: {  	_ =	shalt  }
0x7e: {  	_ =	shalt  }
0x7f: {  	_ =	shalt  }
0x80: {  	_ =	shalt  }
0x81: {  	_ =	shalt  }
0x82: {  	_ =	shalt  }
0x83: {  	_ =	shalt  }
0x84: {  	_ =	shalt  }
0x85: {  	_ =	shalt  }
0x86: {  	_ =	shalt  }
0x87: {  	_ =	shalt  }
.Lfunc_end0:
.L_simem_size_0:
called_computation_lowered:
.L_overlay_start_0:
0x88: {  	s0 =	sld [smem:$0x3FD9]  }
0x89: {  	s1 =	sld [smem:$0x3FFE];
	_ =	sdelay $0x3  }
0x8a: {  	s0 =	sadd.s32 s1, s0  }
0x8b: {  	[smem:$0x3FC5] =	sst s0  }
0x8c: {  	_ = 	snop  }
0x8d: {  	s0 =	sld [smem:$0x3FC9]  }
0x8e: {  	s16 =	sld [smem:$0x3FC8]  }
0x8f: {  	s2 =	sld [smem:$0x3FC7]  }
0x90: {  	s3 =	sld [smem:$0x3FD0];
	(tm) =	ssettm $0x1  }
0x91: {  	s4 =	sld [smem:$0x3FFB];
	_ =	sdelay $0x3  }
0x92: {  	_ =	strace s4  }
0x93: {  	s4 =	sld [smem:$0x3FFC];
	_ =	sdelay $0x3  }
0x94: {  	_ =	strace s4  }
0x95: {  	s4 =	sld [smem:$0x3FFD];
	_ =	sdelay $0x3  }
0x96: {  	_ =	strace s4  }
0x97: {  	_ =	strace $0x8FFFFFFF  }
0x98: {  	s17 =	sld [smem:$0x3FDB];
	_ =	sdelay $0x1  }
0x99: {  	s5 =	simm.s32 $_scs_section_size  }
0x9a: {  	s6 =	simm.s32 $_size__tile_overlayer_lowered;
	s7 =	simm.s32 $_tile_overlayer_lowered  }
0x9b: {  	s20 =	simm.s32 $0x1BFF;
	s19 =	sshll.u32 s7, $0x1;
	s4 =	sadd.s32 s5, s17  }
0x9c: {  	s8 =	simm.s32 $0x0;
	s18 =	sshll.u32 s6, $0x1;
	s6 =	sadd.s32 s19, s4  }
0x9d: {  	[timem:s8], [sflag:s20] =	dma.local [hbm:s6], s18  }
0x9e: {  	_ =	swait.ge [sflag:s20], s18  }
0x9f: {  	s5 =	ssub.s32 $0x0, s18;
	[sflag:s20] =	ssyncset.done $0x0  }
0xa0: {  	[sflag:s20] =	ssyncadd.s32 s5;
	_ =	sdelay $0x1  }
0xa1: {  	s21 =	simm.s32 $0x1B8B  }
0xa2: {  	_ =	swait.ge [sflag:s21], $0x1  }
0xa3: {  	[sflag:s21] =	ssyncset.done $0x0  }
0xa4: {  	s23 =	simm.s32 $0x1B8E;
	s22 =	sld [smem:$0x3FFE];
	[sflag:s21] =	ssyncadd.s32 $0xFFFFFFFF  }
0xa5: {  	s24 =	simm.s32 $execute0_lowered;
	[smem:$0x3FD2] =	sst s23  }
0xa6: {  	s6 =	sshll.u32 s24, $0x1;
	_ =	strace $0x80000046;
	[dreg:$0x1] =	wrdreg $0xFFFFFFFF  }
0xa7: {  	s25 =	simm.s32 $_size_execute0_lowered;
	s4 =	sadd.s32 s4, s6;
	[dreg:$0x0] =	wrdreg $0x0  }
0xa8: {  	s6 =	sshll.u32 s25, $0x1;
	[dreg:$0x2] =	wrdreg s4  }
0xa9: {  	[dreg:$0x3] =	wrdreg s6  }
0xaa: {  	[dreg:$0x4] =	wrdreg $0xC0  }
0xab: {  	_ =	task [dreg:s8], $0x5FFFF  }
0xac: {  	[dreg:$0x1] =	wrdreg $0xFFFFFFFF  }
0xad: {  	[dreg:$0x0] =	wrdreg $0x60  }
0xae: {  	[dreg:$0x2] =	wrdreg s0  }
0xaf: {  	[dreg:$0x3] =	wrdreg s16  }
0xb0: {  	[dreg:$0x4] =	wrdreg s22  }
0xb1: {  	[dreg:$0x5] =	wrdreg s2  }
0xb2: {  	[dreg:$0x6] =	wrdreg s3  }
0xb3: {  	[dreg:$0x7] =	wrdreg $0x9  }
0xb4: {  	_ =	task.clear_ibuf [dreg:s8], $0x8FFFF;
	_ =	strace $0x90000046  }
0xb5: {  	s26 =	simm.s32 $0x9;
	_ =	strace $0x80000048  }
0xb6: {  	_ =	swait.ge [sflag:s26], $0x1  }
0xb7: {  	[sflag:s26] =	ssyncadd.s32 $0xFFFFFFFF  }
0xb8: {  	_ =	strace $0x90000048  }
0xb9: {  	_ =	sfence  }
0xba: {  	s28 =	sld [smem:$0x0];
	_ =	sdelay $0x1  }
0xbb: {  	s29 =	srdreg.scid  }
0xbc: {  	s30 =	sshll.u32 s29, $0xD;
	s31 =	sshrl.u32 s29, $0x2  }
0xbd: {  	s1 =	sand.u32 $0x1, s29;
	s2 =	sand.u32 $0x4000, s30;
	s0 =	sadd.s32 s31, s28  }
0xbe: {  	s1 =	sor.u32 s2, s1;
	s0 =	sshll.u32 s0, $0x11  }
0xbf: {  	s0 =	sor.u32 s0, s1  }
0xc0: {  	s0 =	sadd.s32 $0x8F2B, s0  }
0xc1: {  	[sflag:s0] =	ssyncadd.remote.s32 $0x1  }
0xc2: {  	_ =	sfence.sel $0xFFFF  }
0xc3: {  	[dreg:$0x0] =	wrdreg $0xFFFFFFFF;
	(pc) =	sbr.abs _section_cstart, $3  }
0xc4: {  	[dreg:$0x1] =	wrdreg $0xFFFFFFFF  }
0xc5: {  	_ =	task.clear_ibuf [dreg:s8], $0x2FFFF;
	_ =	strace $0x9FFFFFFF  }
0xc6: {  	(tm) =	ssettm $0x7FFFFFFF  }
0xc7: {  	_ =	shalt  }
tec
execute0_lowered:
.L_overlay_start_1:
0x0: {  	(tag) =	ssettag $0x1  }
0x1: {  	s6 =	rddreg [dreg:$0x0]  }
0x2: {  	s7 =	rddreg [dreg:$0x1]  }
0x3: {  	s3 =	rddreg [dreg:$0x2]  }
0x4: {  	s8 =	rddreg [dreg:$0x3]  }
0x5: {  	s4 =	rddreg [dreg:$0x4];
	s2 =	simm.s32 $0x0  }
0x6: {  	[smem:$0x7FF] =	sst s2  }
0x7: {  	s0 =	rddreg [dreg:$0x5];
	_ =	strace $0x80000047  }
0x8: {  	[tilespmem:s2], [sflag:$0x3] =	stream.linear.gather [hbm4b:s3+s2], $0x200, $0x38;
	[tilespmem:$0x1C80] =	vst v63  }
0x9: {  	s1 =	stileid.u32;
	s5 =	simm.s32 $0x200;
	s3 =	sadd.s32 $0x40, s3  }
0xa: {  	[tilespmem:s5], [sflag:$0x4] =	stream.linear.gather [hbm4b:s3+s2], $0x200, $0x38;
	[tilespmem:$0x1C80] =	vst v63  }
0xb: {  	s9 =	simm.s32 $0x400;
	s11 =	simm.s32 $0x480;
	s5 =	sshll.u32 s1, $0x7  }
0xc: {  	[tilespmem:s9], [sflag:$0x5] =	stream.linear.gather [hbm4b:s8+s2], $0x10, $0x38;
	[tilespmem:$0x1C80] =	vst v63  }
0xd: {  	s25 =	simm.s32 $0x80;
	s23 =	sshll.u32 s1, $0xA;
	s8 =	sadd.s32 s8, s5  }
0xe: {  	[tilespmem:s11], [sflag:$0x1] =	stream.linear.gather [hbm4b:s8+s2], $0x400, $0x38;
	[tilespmem:$0x1C80] =	vst v63  }
0xf: {  	s12 =	simm.s32 $0x880;
	s10 =	sadd.s32 s7, s23;
	s24 =	sor.u32 $0x10, s23  }
0x10: {  	[tilespmem:s12], [sflag:$0x1] =	stream.strided.gather [hbm4b:s10+s25], $0x400, s9, s25, $0x38;
	[tilespmem:$0x1C80] =	vst v63  }
0x11: {  	s28 =	simm.s32 $0xC80;
	s26 =	sadd.s32 s7, s24  }
0x12: {  	[tilespmem:s28], [sflag:$0x1] =	stream.strided.gather [hbm4b:s26+s25], $0x400, s9, s25, $0x38;
	[tilespmem:$0x1C80] =	vst v63  }
0x13: {  	s29 =	simm.s32 $0x1080;
	s3 =	sadd.s32 s6, s23  }
0x14: {  	[tilespmem:s29], [sflag:$0x1] =	stream.strided.gather [hbm4b:s3+s25], $0x400, s9, s25, $0x38;
	[tilespmem:$0x1C80] =	vst v63  }
0x15: {  	s31 =	simm.s32 $0x1480;
	s30 =	sadd.s32 s6, s24  }
0x16: {  	[tilespmem:s31], [sflag:$0x1] =	stream.strided.gather [hbm4b:s30+s25], $0x400, s9, s25, $0x38;
	[tilespmem:$0x1C80] =	vst v63  }
0x17: {  	s9 =	simm.s32 $0x5  }
0x18: {  	_ =	swait.ge [sflag:s9], $0x10  }
0x19: {  	[sflag:s9] =	ssyncset.done $0x0  }
0x1a: {  	s10 =	simm.s32 $0x3;
	[sflag:s9] =	ssyncadd.s32 $0xFFFFFFF0  }
0x1b: {  	v0 =	vld.msk [tilespmem:$0x400 ss:$0x0], $0xffff;
	_ =	swait.ge [sflag:s10], $0x200  }
0x1c: {  	[sflag:s10] =	ssyncset.done $0x0  }
0x1d: {  	[sflag:s10] =	ssyncadd.s32 $0xFFFFFE00  }
0x1e: {  	v1 =	vld [tilespmem:$0x0]  }
0x1f: {  	v2 =	vld [tilespmem:$0x10]  }
0x20: {  	v3 =	vld [tilespmem:$0x20]  }
0x21: {  	v4 =	vld [tilespmem:$0x30]  }
0x22: {  	v5 =	vld [tilespmem:$0x40]  }
0x23: {  	v6 =	vld [tilespmem:$0x50]  }
0x24: {  	v7 =	vld [tilespmem:$0x60]  }
0x25: {  	v8 =	vld [tilespmem:$0x70]  }
0x26: {  	v9 =	vld [tilespmem:$0x80];
	vm0 =	vlt.f32 v1, v0;
	v1 =	vimm.s32 $0x0;
	vm1 =	vlt.f32 v2, v0  }
0x27: {  	v34 =	vld [tilespmem:$0x90];
	vm14 =	vlt.f32 v3, v0;
	v10 =	vsel vm0, $0x1, v1;
	v11 =	vsel vm1, $0x1, v1  }
0x28: {  	v35 =	vld [tilespmem:$0xA0];
	vm15 =	vlt.f32 v4, v0;
	v36 =	vsel vm14, $0x1, v1;
	v10 =	vadd.s32 v10, v11  }
0x29: {  	v37 =	vld [tilespmem:$0xB0];
	vm4 =	vlt.f32 v5, v0;
	v38 =	vsel vm15, $0x1, v1;
	v10 =	vadd.s32 v36, v10  }
0x2a: {  	v39 =	vld [tilespmem:$0xC0];
	vm5 =	vlt.f32 v6, v0;
	v40 =	vsel vm4, $0x1, v1;
	v10 =	vadd.s32 v38, v10  }
0x2b: {  	v41 =	vld [tilespmem:$0xD0];
	vm6 =	vlt.f32 v7, v0;
	v42 =	vsel vm5, $0x1, v1;
	v10 =	vadd.s32 v40, v10  }
0x2c: {  	v43 =	vld [tilespmem:$0xE0];
	vm7 =	vlt.f32 v8, v0;
	v44 =	vsel vm6, $0x1, v1;
	v10 =	vadd.s32 v42, v10  }
0x2d: {  	v45 =	vld [tilespmem:$0xF0];
	vm8 =	vlt.f32 v9, v0;
	v46 =	vsel vm7, $0x1, v1;
	v10 =	vadd.s32 v44, v10  }
0x2e: {  	v47 =	vld [tilespmem:$0x100];
	vm9 =	vlt.f32 v34, v0;
	v48 =	vsel vm8, $0x1, v1;
	v10 =	vadd.s32 v46, v10  }
0x2f: {  	v49 =	vld [tilespmem:$0x110];
	vm10 =	vlt.f32 v35, v0;
	v50 =	vsel vm9, $0x1, v1;
	v10 =	vadd.s32 v48, v10  }
0x30: {  	v51 =	vld [tilespmem:$0x120];
	vm11 =	vlt.f32 v37, v0;
	v52 =	vsel vm10, $0x1, v1;
	v10 =	vadd.s32 v50, v10  }
0x31: {  	v53 =	vld [tilespmem:$0x130];
	vm12 =	vlt.f32 v39, v0;
	v54 =	vsel vm11, $0x1, v1;
	v10 =	vadd.s32 v52, v10  }
0x32: {  	v55 =	vld [tilespmem:$0x140];
	vm13 =	vlt.f32 v41, v0;
	v56 =	vsel vm12, $0x1, v1;
	v10 =	vadd.s32 v54, v10  }
0x33: {  	v57 =	vld [tilespmem:$0x150];
	v58 =	vsel vm13, $0x1, v1;
	vm14 =	vlt.f32 v43, v0;
	v10 =	vadd.s32 v56, v10  }
0x34: {  	v59 =	vld [tilespmem:$0x160];
	vm15 =	vlt.f32 v45, v0;
	v60 =	vsel vm14, $0x1, v1;
	v10 =	vadd.s32 v58, v10  }
0x35: {  	v61 =	vld [tilespmem:$0x170];
	vm4 =	vlt.f32 v47, v0;
	v62 =	vsel vm15, $0x1, v1;
	v10 =	vadd.s32 v60, v10  }
0x36: {  	v63 =	vld [tilespmem:$0x180];
	vm5 =	vlt.f32 v49, v0;
	v12 =	vsel vm4, $0x1, v1;
	v10 =	vadd.s32 v62, v10  }
0x37: {  	v13 =	vld [tilespmem:$0x190];
	vm6 =	vlt.f32 v51, v0;
	v14 =	vsel vm5, $0x1, v1;
	v10 =	vadd.s32 v12, v10  }
0x38: {  	v15 =	vld [tilespmem:$0x1A0];
	vm7 =	vlt.f32 v53, v0;
	v16 =	vsel vm6, $0x1, v1;
	v10 =	vadd.s32 v14, v10  }
0x39: {  	v17 =	vld [tilespmem:$0x1B0];
	vm8 =	vlt.f32 v55, v0;
	v18 =	vsel vm7, $0x1, v1;
	v10 =	vadd.s32 v16, v10  }
0x3a: {  	v19 =	vld [tilespmem:$0x1C0];
	vm9 =	vlt.f32 v57, v0;
	v20 =	vsel vm8, $0x1, v1;
	v10 =	vadd.s32 v18, v10  }
0x3b: {  	v21 =	vld [tilespmem:$0x1D0];
	vm10 =	vlt.f32 v59, v0;
	v22 =	vsel vm9, $0x1, v1;
	v10 =	vadd.s32 v20, v10  }
0x3c: {  	s11 =	simm.s32 $0x4;
	v23 =	vld [tilespmem:$0x1E0];
	vm11 =	vlt.f32 v61, v0;
	v24 =	vsel vm10, $0x1, v1;
	v10 =	vadd.s32 v22, v10  }
0x3d: {  	v25 =	vld [tilespmem:$0x1F0];
	_ =	swait.ge [sflag:s11], $0x200;
	vm12 =	vlt.f32 v63, v0;
	v26 =	vsel vm11, $0x1, v1;
	v10 =	vadd.s32 v24, v10  }
0x3e: {  	[sflag:s11] =	ssyncset.done $0x0;
	vm13 =	vlt.f32 v13, v0;
	v28 =	vsel vm12, $0x1, v1;
	v27 =	vadd.s32 v26, v10  }
0x3f: {  	[sflag:s11] =	ssyncadd.s32 $0xFFFFFE00;
	v30 =	vsel vm13, $0x1, v1;
	vm14 =	vlt.f32 v15, v0;
	v29 =	vadd.s32 v28, v27  }
0x40: {  	v31 =	vld [tilespmem:$0x200];
	vm15 =	vlt.f32 v17, v0;
	v3 =	vsel vm14, $0x1, v1;
	v2 =	vadd.s32 v30, v29  }
0x41: {  	v33 =	vld [tilespmem:$0x210];
	vm4 =	vlt.f32 v19, v0;
	v32 =	vsel vm15, $0x1, v1;
	v2 =	vadd.s32 v3, v2  }
0x42: {  	v35 =	vld [tilespmem:$0x220];
	vm5 =	vlt.f32 v21, v0;
	v34 =	vsel vm4, $0x1, v1;
	v2 =	vadd.s32 v32, v2  }
0x43: {  	v37 =	vld [tilespmem:$0x230];
	vm6 =	vlt.f32 v23, v0;
	v36 =	vsel vm5, $0x1, v1;
	v2 =	vadd.s32 v34, v2  }
0x44: {  	v39 =	vld [tilespmem:$0x240];
	vm7 =	vlt.f32 v25, v0;
	v38 =	vsel vm6, $0x1, v1;
	v2 =	vadd.s32 v36, v2  }
0x45: {  	v41 =	vld [tilespmem:$0x250];
	vm8 =	vlt.f32 v31, v0;
	v40 =	vsel vm7, $0x1, v1;
	v2 =	vadd.s32 v38, v2  }
0x46: {  	v43 =	vld [tilespmem:$0x260];
	vm9 =	vlt.f32 v33, v0;
	v42 =	vsel vm8, $0x1, v1;
	v2 =	vadd.s32 v40, v2  }
0x47: {  	v45 =	vld [tilespmem:$0x270];
	vm10 =	vlt.f32 v35, v0;
	v44 =	vsel vm9, $0x1, v1;
	v2 =	vadd.s32 v42, v2  }
0x48: {  	v47 =	vld [tilespmem:$0x280];
	vm11 =	vlt.f32 v37, v0;
	v46 =	vsel vm10, $0x1, v1;
	v2 =	vadd.s32 v44, v2  }
0x49: {  	v49 =	vld [tilespmem:$0x290];
	vm12 =	vlt.f32 v39, v0;
	v48 =	vsel vm11, $0x1, v1;
	v2 =	vadd.s32 v46, v2  }
0x4a: {  	v51 =	vld [tilespmem:$0x2A0];
	vm13 =	vlt.f32 v41, v0;
	v50 =	vsel vm12, $0x1, v1;
	v2 =	vadd.s32 v48, v2  }
0x4b: {  	v53 =	vld [tilespmem:$0x2B0];
	vm14 =	vlt.f32 v43, v0;
	v52 =	vsel vm13, $0x1, v1;
	v2 =	vadd.s32 v50, v2  }
0x4c: {  	v55 =	vld [tilespmem:$0x2C0];
	vm15 =	vlt.f32 v45, v0;
	v54 =	vsel vm14, $0x1, v1;
	v2 =	vadd.s32 v52, v2  }
0x4d: {  	v57 =	vld [tilespmem:$0x2D0];
	vm4 =	vlt.f32 v47, v0;
	v56 =	vsel vm15, $0x1, v1;
	v2 =	vadd.s32 v54, v2  }
0x4e: {  	v59 =	vld [tilespmem:$0x2E0];
	vm5 =	vlt.f32 v49, v0;
	v58 =	vsel vm4, $0x1, v1;
	v2 =	vadd.s32 v56, v2  }
0x4f: {  	v61 =	vld [tilespmem:$0x2F0];
	vm6 =	vlt.f32 v51, v0;
	v60 =	vsel vm5, $0x1, v1;
	v2 =	vadd.s32 v58, v2  }
0x50: {  	v63 =	vld [tilespmem:$0x300];
	vm7 =	vlt.f32 v53, v0;
	v62 =	vsel vm6, $0x1, v1;
	v2 =	vadd.s32 v60, v2  }
0x51: {  	vm8 =	vlt.f32 v55, v0;
	v11 =	vsel vm7, $0x1, v1;
	v12 =	vld [tilespmem:$0x310];
	v2 =	vadd.s32 v62, v2  }
0x52: {  	v13 =	vsel vm8, $0x1, v1;
	vm9 =	vlt.f32 v57, v0;
	v14 =	vld [tilespmem:$0x320];
	v2 =	vadd.s32 v11, v2  }
0x53: {  	v15 =	vsel vm9, $0x1, v1;
	vm10 =	vlt.f32 v59, v0;
	v16 =	vld [tilespmem:$0x330];
	v2 =	vadd.s32 v13, v2  }
0x54: {  	v17 =	vsel vm10, $0x1, v1;
	vm11 =	vlt.f32 v61, v0;
	v18 =	vld [tilespmem:$0x340];
	v2 =	vadd.s32 v15, v2  }
0x55: {  	v19 =	vsel vm11, $0x1, v1;
	vm12 =	vlt.f32 v63, v0;
	v20 =	vld [tilespmem:$0x350];
	v2 =	vadd.s32 v17, v2  }
0x56: {  	v21 =	vsel vm12, $0x1, v1;
	vm13 =	vlt.f32 v12, v0;
	v22 =	vld [tilespmem:$0x360];
	v2 =	vadd.s32 v19, v2  }
0x57: {  	v23 =	vsel vm13, $0x1, v1;
	vm14 =	vlt.f32 v14, v0;
	v24 =	vld [tilespmem:$0x370];
	v2 =	vadd.s32 v21, v2  }
0x58: {  	v25 =	vsel vm14, $0x1, v1;
	vm15 =	vlt.f32 v16, v0;
	v26 =	vld [tilespmem:$0x380];
	v2 =	vadd.s32 v23, v2  }
0x59: {  	v27 =	vsel vm15, $0x1, v1;
	vm4 =	vlt.f32 v18, v0;
	v28 =	vld [tilespmem:$0x390];
	v2 =	vadd.s32 v25, v2  }
0x5a: {  	v29 =	vsel vm4, $0x1, v1;
	vm5 =	vlt.f32 v20, v0;
	v30 =	vld [tilespmem:$0x3A0];
	v2 =	vadd.s32 v27, v2  }
0x5b: {  	v31 =	vsel vm5, $0x1, v1;
	vm6 =	vlt.f32 v22, v0;
	v32 =	vld [tilespmem:$0x3B0];
	v2 =	vadd.s32 v29, v2  }
0x5c: {  	v33 =	vsel vm6, $0x1, v1;
	vm7 =	vlt.f32 v24, v0;
	v34 =	vld [tilespmem:$0x3C0];
	v2 =	vadd.s32 v31, v2  }
0x5d: {  	v35 =	vsel vm7, $0x1, v1;
	vm8 =	vlt.f32 v26, v0;
	v36 =	vld [tilespmem:$0x3D0];
	v2 =	vadd.s32 v33, v2  }
0x5e: {  	v37 =	vsel vm8, $0x1, v1;
	vm9 =	vlt.f32 v28, v0;
	v38 =	vld [tilespmem:$0x3E0];
	v2 =	vadd.s32 v35, v2  }
0x5f: {  	v39 =	vsel vm9, $0x1, v1;
	vm10 =	vlt.f32 v30, v0;
	v40 =	vld [tilespmem:$0x3F0];
	v2 =	vadd.s32 v37, v2  }
0x60: {  	v41 =	vsel vm10, $0x1, v1;
	vm11 =	vlt.f32 v32, v0;
	v2 =	vadd.s32 v39, v2  }
0x61: {  	v42 =	vsel vm11, $0x1, v1;
	vm12 =	vlt.f32 v34, v0;
	v2 =	vadd.s32 v41, v2  }
0x62: {  	v43 =	vsel vm12, $0x1, v1;
	vm13 =	vlt.f32 v36, v0;
	v2 =	vadd.s32 v42, v2  }
0x63: {  	v44 =	vsel vm13, $0x1, v1;
	vm14 =	vlt.f32 v38, v0;
	v2 =	vadd.s32 v43, v2  }
0x64: {  	v45 =	vsel vm14, $0x1, v1;
	vm15 =	vlt.f32 v40, v0;
	v2 =	vadd.s32 v44, v2  }
0x65: {  	v1 =	vsel vm15, $0x1, v1;
	v46 =	vadd.s32 v45, v2  }
0x66: {  	v0 =	vadd.s32 v1, v46  }
0x67: {  	(v2sf) =	vpush v0, $0x0  }
0x68: {  	(v2sf) =	vpush v0, $0x1  }
0x69: {  	(v2sf) =	vpush v0, $0x2  }
0x6a: {  	(v2sf) =	vpush v0, $0x3  }
0x6b: {  	(v2sf) =	vpush v0, $0x4  }
0x6c: {  	(v2sf) =	vpush v0, $0x5  }
0x6d: {  	(v2sf) =	vpush v0, $0x6  }
0x6e: {  	(v2sf) =	vpush v0, $0x7  }
0x6f: {  	(v2sf) =	vpush v0, $0x8  }
0x70: {  	(v2sf) =	vpush v0, $0x9  }
0x71: {  	(v2sf) =	vpush v0, $0xA  }
0x72: {  	(v2sf) =	vpush v0, $0xB  }
0x73: {  	(v2sf) =	vpush v0, $0xC  }
0x74: {  	(v2sf) =	vpush v0, $0xD  }
0x75: {  	(v2sf) =	vpush v0, $0xE  }
0x76: {  	s12 =	spop (v2sf);
	(v2sf) =	vpush v0, $0xF  }
0x77: {  	s15 =	spop (v2sf)  }
0x78: {  	s16 =	spop (v2sf)  }
0x79: {  	s17 =	spop (v2sf)  }
0x7a: {  	s18 =	spop (v2sf)  }
0x7b: {  	s19 =	spop (v2sf)  }
0x7c: {  	s13 =	spop (v2sf)  }
0x7d: {  	s3 =	sadd.s32 s15, s12;
	s14 =	spop (v2sf)  }
0x7e: {  	s3 =	sadd.s32 s16, s3;
	s20 =	spop (v2sf)  }
0x7f: {  	s3 =	sadd.s32 s17, s3;
	s21 =	spop (v2sf)  }
0x80: {  	s3 =	sadd.s32 s18, s3;
	s22 =	spop (v2sf)  }
0x81: {  	s3 =	sadd.s32 s19, s3;
	s23 =	spop (v2sf)  }
0x82: {  	s3 =	sadd.s32 s13, s3;
	s24 =	spop (v2sf)  }
0x83: {  	s3 =	sadd.s32 s14, s3;
	s25 =	spop (v2sf)  }
0x84: {  	s3 =	sadd.s32 s20, s3;
	s26 =	spop (v2sf)  }
0x85: {  	s29 =	simm.s32 $0x1;
	s8 =	sadd.s32 s21, s3;
	s28 =	spop (v2sf)  }
0x86: {  	s8 =	sadd.s32 s22, s8;
	_ =	swait.ge [sflag:s29], $0x400  }
0x87: {  	s8 =	sadd.s32 s23, s8;
	[sflag:s29] =	ssyncset.done $0x0  }
0x88: {  	s8 =	sadd.s32 s24, s8;
	[sflag:s29] =	ssyncadd.s32 $0xFFFFFC00  }
0x89: {  	s8 =	sadd.s32 s25, s8;
	_ =	swait.ge [sflag:s29], $0x400  }
0x8a: {  	s8 =	sadd.s32 s26, s8;
	[sflag:s29] =	ssyncset.done $0x0  }
0x8b: {  	s8 =	sadd.s32 s28, s8;
	[sflag:s29] =	ssyncadd.s32 $0xFFFFFC00  }
0x8c: {  	s9 =	sadd.s32 $0xFFFFFC00, s8;
	_ =	swait.ge [sflag:s29], $0x400  }
0x8d: {  	p0 =	slt.u32 s9, $0xFFFFFC02;
	[sflag:s29] =	ssyncset.done $0x0  }
0x8e: {  	s9 =	sadd.s32 @!p0 $0xFFFFFFFF, s8;
	[sflag:s29] =	ssyncadd.s32 $0xFFFFFC00  }
0x8f: {  	s10 =	sshll.u32 @!p0 s9, $0xE;
	s9 =	sshll.u32 @!p0 s9, $0x7;
	_ =	swait.ge [sflag:s29], $0x400  }
0x90: {  	s10 =	sand.u32 @!p0 $0x7FFE0000, s10;
	s9 =	sand.u32 @!p0 $0x380, s9;
	[sflag:s29] =	ssyncset.done $0x0  }
0x91: {  	s11 =	sshll.u32 @!p0 s1, $0xD;
	s9 =	sor.u32 @!p0 s10, s9;
	[sflag:s29] =	ssyncadd.s32 $0xFFFFFC00  }
0x92: {  	s12 =	simm.s32 @!p0 $0x80;
	s9 =	sor.u32 @!p0 s11, s9;
	_ =	swait.ge [sflag:s29], $0x400  }
0x93: {  	s13 =	simm.s32 @!p0 $0x400;
	s9 =	sshrl.u32 @!p0 s9, $0x3;
	[sflag:s29] =	ssyncset.done $0x0  }
0x94: {  	s14 =	simm.s32 @!p0 $0x880;
	s10 =	sadd.s32 @!p0 s7, s9;
	[sflag:s29] =	ssyncadd.s32 $0xFFFFFC00  }
0x95: {  	[tilespmem:s14], [sflag:$0x2] =	stream.strided.gather @!p0 [hbm4b:s10+s12], $0x400, s13, s12, $0x38;
	[tilespmem:$0x1C80] =	vst v63  }
0x96: {  	s10 =	sshll.u32 @!p0 s8, $0xE;
	s8 =	sshll.u32 @!p0 s8, $0x7  }
0x97: {  	s10 =	sand.u32 @!p0 $0xFE0000, s10;
	s8 =	sand.u32 @!p0 $0x380, s8  }
0x98: {  	s8 =	sor.u32 @!p0 s10, s8  }
0x99: {  	s8 =	sor.u32 @!p0 s11, s8  }
0x9a: {  	s8 =	sshrl.u32 @!p0 s8, $0x3  }
0x9b: {  	s10 =	simm.s32 @!p0 $0xC80;
	s7 =	sadd.s32 @!p0 s7, s8  }
0x9c: {  	[tilespmem:s10], [sflag:$0x2] =	stream.strided.gather @!p0 [hbm4b:s7+s12], $0x400, s13, s12, $0x38;
	[tilespmem:$0x1C80] =	vst v63  }
0x9d: {  	s7 =	sadd.s32 @!p0 s6, s9;
	s9 =	simm.s32 @!p0 $0x1080  }
0x9e: {  	[tilespmem:s9], [sflag:$0x2] =	stream.strided.gather @!p0 [hbm4b:s7+s12], $0x400, s13, s12, $0x38;
	[tilespmem:$0x1C80] =	vst v63  }
0x9f: {  	s6 =	sadd.s32 @!p0 s6, s8;
	s7 =	simm.s32 @!p0 $0x1480  }
0xa0: {  	[tilespmem:s7], [sflag:$0x2] =	stream.strided.gather @!p0 [hbm4b:s6+s12], $0x400, s13, s12, $0x38;
	[tilespmem:$0x1C80] =	vst v63  }
0xa1: {  	s6 =	simm.s32 @!p0 $0x2  }
0xa2: {  	_ =	swait.ge @!p0 [sflag:s6], $0x400  }
0xa3: {  	[sflag:s6] =	ssyncset.done @!p0 $0x0  }
0xa4: {  	[sflag:s6] =	ssyncadd.s32 @!p0 $0xFFFFFC00  }
0xa5: {  	_ =	swait.ge @!p0 [sflag:s6], $0x400  }
0xa6: {  	[sflag:s6] =	ssyncset.done @!p0 $0x0  }
0xa7: {  	[sflag:s6] =	ssyncadd.s32 @!p0 $0xFFFFFC00  }
0xa8: {  	_ =	swait.ge @!p0 [sflag:s6], $0x400  }
0xa9: {  	[sflag:s6] =	ssyncset.done @!p0 $0x0  }
0xaa: {  	[sflag:s6] =	ssyncadd.s32 @!p0 $0xFFFFFC00  }
0xab: {  	_ =	swait.ge @!p0 [sflag:s6], $0x400  }
0xac: {  	[sflag:s6] =	ssyncset.done @!p0 $0x0  }
0xad: {  	[sflag:s6] =	ssyncadd.s32 @!p0 $0xFFFFFC00  }
0xae: {  	v47 =	vld [tilespmem:$0x1080]  }
0xaf: {  	v48 =	vld [tilespmem:$0x1480]  }
0xb0: {  	v49 =	vld [tilespmem:$0x1090]  }
0xb1: {  	v50 =	vld [tilespmem:$0x1490]  }
0xb2: {  	v51 =	vld [tilespmem:$0x880]  }
0xb3: {  	v52 =	vld [tilespmem:$0xC80]  }
0xb4: {  	v53 =	vld [tilespmem:$0x890]  }
0xb5: {  	v54 =	vld [tilespmem:$0xC90]  }
0xb6: {  	v55 =	vld [tilespmem:$0x480]  }
0xb7: {  	v56 =	vld [tilespmem:$0x490]  }
0xb8: {  	v6 =	vld [tilespmem:$0x8A0]  }
0xb9: {  	v15 =	vld [tilespmem:$0xCA0]  }
0xba: {  	v20 =	vld [tilespmem:$0x4A0]  }
0xbb: {  	v22 =	vld [tilespmem:$0x8B0]  }
0xbc: {  	v31 =	vld [tilespmem:$0x10B0]  }
0xbd: {  	v19 =	vld [tilespmem:$0xCB0]  }
0xbe: {  	v4 =	vld [tilespmem:$0x14B0]  }
0xbf: {  	v32 =	vld [tilespmem:$0x4B0]  }
0xc0: {  	v33 =	vld [tilespmem:$0x8C0]  }
0xc1: {  	v36 =	vld [tilespmem:$0x10C0]  }
0xc2: {  	v39 =	vld [tilespmem:$0xCC0]  }
0xc3: {  	v14 =	vld [tilespmem:$0x14C0]  }
0xc4: {  	v40 =	vld [tilespmem:$0x4C0]  }
0xc5: {  	v13 =	vld [tilespmem:$0x8D0]  }
0xc6: {  	v42 =	vld [tilespmem:$0x10D0]  }
0xc7: {  	v43 =	vld [tilespmem:$0xCD0]  }
0xc8: {  	v16 =	vld [tilespmem:$0x14D0]  }
0xc9: {  	v26 =	vld [tilespmem:$0x14E0]  }
0xca: {  	v12 =	vld [tilespmem:$0x8F0]  }
0xcb: {  	v9 =	vld [tilespmem:$0x10F0]  }
0xcc: {  	v7 =	vld [tilespmem:$0x14F0]  }
0xcd: {  	v62 =	vld [tilespmem:$0x4F0]  }
0xce: {  	v8 =	vld [tilespmem:$0x1100]  }
0xcf: {  	v61 =	vld [tilespmem:$0x500]  }
0xd0: {  	v34 =	vld [tilespmem:$0x910]  }
0xd1: {  	v60 =	vld [tilespmem:$0xD10]  }
0xd2: {  	v10 =	vld [tilespmem:$0x1510]  }
0xd3: {  	v63 =	vld [tilespmem:$0x510]  }
0xd4: {  	v37 =	vld [tilespmem:$0x920]  }
0xd5: {  	v11 =	vld [tilespmem:$0xD20]  }
0xd6: {  	v17 =	vld [tilespmem:$0x520]  }
0xd7: {  	v24 =	vld [tilespmem:$0x930]  }
0xd8: {  	v18 =	vld [tilespmem:$0xD30]  }
0xd9: {  	v21 =	vld [tilespmem:$0x530]  }
0xda: {  	v30 =	vld [tilespmem:$0x940]  }
0xdb: {  	v44 =	vld [tilespmem:$0x1140]  }
0xdc: {  	v23 =	vld [tilespmem:$0xD40]  }
0xdd: {  	v25 =	vld [tilespmem:$0x540]  }
0xde: {  	v29 =	vld [tilespmem:$0x950]  }
0xdf: {  	v45 =	vld [tilespmem:$0x1150]  }
0xe0: {  	v27 =	vld [tilespmem:$0xD50]  }
0xe1: {  	v28 =	vld [tilespmem:$0x550]  }
0xe2: {  	v35 =	vld [tilespmem:$0xD60]  }
0xe3: {  	v38 =	vld [tilespmem:$0x560]  }
0xe4: {  	v46 =	vld [tilespmem:$0x970]  }
0xe5: {  	v41 =	vld [tilespmem:$0xD70]  }
0xe6: {  	v1 =	vsub.f32 v48, v47;
	v48 =	vld [tilespmem:$0x4D0]  }
0xe7: {  	v3 =	vsub.f32 v50, v49;
	v2 =	vsub.f32 v56, v49;
	v49 =	vld [tilespmem:$0x8E0]  }
0xe8: {  	v0 =	vsub.f32 v55, v47;
	v55 =	vld [tilespmem:$0xCE0]  }
0xe9: {  	v56 =	vld [tilespmem:$0x1110]  }
0xea: {  	[tilespmem:$0x1FCE0] =	vst v60;
	v60 =	vld [tilespmem:$0x1120]  }
0xeb: {  	[tilespmem:$0x1FCF0] =	vst v11;
	v11 =	vld [tilespmem:$0x1520];
	(erf) = vrcp.f32 v1  }
0xec: {  	[tilespmem:$0x1FD10] =	vst v17;
	v17 =	vld [tilespmem:$0x1130];
	(erf) = vrcp.f32 v3  }
0xed: {  	[tilespmem:$0x1FD20] =	vst v18;
	v18 =	vld [tilespmem:$0x1530]  }
0xee: {  	[tilespmem:$0x1FD30] =	vst v21;
	v21 =	vld [tilespmem:$0x1540]  }
0xef: {  	[tilespmem:$0x1FD40] =	vst v23;
	v23 =	vld [tilespmem:$0x1550]  }
0xf0: {  	v5 =	vsub.f32 v54, v53;
	v54 =	vld [tilespmem:$0x960]  }
0xf1: {  	[tilespmem:$0x1FD60] =	vst v25;
	v25 =	vld [tilespmem:$0x1160]  }
0xf2: {  	[tilespmem:$0x1FD80] =	vst v35;
	v35 =	vld [tilespmem:$0x1560]  }
0xf3: {  	[tilespmem:$0x1FD50] =	vst v27;
	v27 =	vld [tilespmem:$0x1170]  }
0xf4: {  	[tilespmem:$0x1FD00] =	vst v63;
	v63 =	vld [tilespmem:$0x580];
	v57 =	vpop (erf)  }
0xf5: {  	v50 =	vld [tilespmem:$0x1570];
	v58 =	vpop (erf)  }
0xf6: {  	v47 =	vld [tilespmem:$0x570];
	v3 =	vsub.f32 v52, v51;
	v5 =	vmul.f32 v58, v5  }
0xf7: {  	[tilespmem:$0x1FD70] =	vst v28;
	v28 =	vld [tilespmem:$0x1180]  }
0xf8: {  	[tilespmem:$0x1FDA0] =	vst v38;
	v38 =	vld [tilespmem:$0x990];
	v3 =	vmul.f32 v57, v3;
	v2 =	vmul.f32 v5, v2  }
0xf9: {  	[tilespmem:$0x1FDD0] =	vst v63;
	v63 =	vld [tilespmem:$0xD90]  }
0xfa: {  	v0 =	vmul.f32 v3, v0;
	v3 =	vld [tilespmem:$0x10A0];
	v59 =	vadd.f32 v2, v53  }
0xfb: {  	v2 =	vld [tilespmem:$0x14A0]  }
0xfc: {  	[tilespmem:$0x1890] =	vst v59;
	v59 =	vld [tilespmem:$0xD80]  }
0xfd: {  	[tilespmem:$0x1FD90] =	vst v41;
	v41 =	vld [tilespmem:$0x1580]  }
0xfe: {  	v52 =	vld [tilespmem:$0x900];
	[tilespmem:$0x1FDC0] =	vst v47  }
0xff: {  	v47 =	vld [tilespmem:$0x980];
	[tilespmem:$0x1FDE0] =	vst v38  }
0x100: {  	v38 =	vld [tilespmem:$0x1190];
	[tilespmem:$0x1FDF0] =	vst v63  }
0x101: {  	v63 =	vld [tilespmem:$0x1590];
	[tilespmem:$0x1FDB0] =	vst v59;
	v59 =	vsub.f32 v2, v3  }
0x102: {  	v57 =	vld [tilespmem:$0xCF0]  }
0x103: {  	(erf) = vrcp.f32 v59;
	v59 =	vld [tilespmem:$0x590]  }
0x104: {  	v58 =	vld [tilespmem:$0x4E0];
	v0 =	vadd.f32 v0, v51  }
0x105: {  	v5 =	vld [tilespmem:$0x1500]  }
0x106: {  	v51 =	vld [tilespmem:$0x10E0];
	[tilespmem:$0x1880] =	vst v0;
	v0 =	vsub.f32 v4, v31  }
0x107: {  	v53 =	vld [tilespmem:$0xD00];
	v4 =	vsub.f32 v14, v36  }
0x108: {  	v14 =	vld [tilespmem:$0x11A0];
	(erf) = vrcp.f32 v0;
	[tilespmem:$0x1FE10] =	vst v59  }
0x109: {  	v59 =	vld [tilespmem:$0x9A0];
	(erf) = vrcp.f32 v4  }
0x10a: {  	v0 =	vsub.f32 v16, v42;
	v4 =	vld [tilespmem:$0xDA0]  }
0x10b: {  	v16 =	vld [tilespmem:$0x5A0]  }
0x10c: {  	v2 =	vld [tilespmem:$0x11B0]  }
0x10d: {  	v1 =	vsub.f32 v15, v6;
	v15 =	vsub.f32 v26, v51;
	v26 =	vld [tilespmem:$0xDB0]  }
0x10e: {  	v5 =	vsub.f32 v5, v8;
	v8 =	vsub.f32 v61, v8;
	(erf) = vrcp.f32 v0;
	v61 =	vld [tilespmem:$0x1FCF0];
	v0 =	vpop (erf)  }
0x10f: {  	(erf) = vrcp.f32 v15;
	v15 =	vld [tilespmem:$0x15B0];
	v0 =	vmul.f32 v0, v1  }
0x110: {  	v1 =	vsub.f32 v20, v3;
	v20 =	vsub.f32 v19, v22;
	v19 =	vld [tilespmem:$0x5B0]  }
0x111: {  	v3 =	vld [tilespmem:$0x9C0]  }
0x112: {  	[tilespmem:$0x1FE00] =	vst v4;
	v4 =	vld [tilespmem:$0x15A0]  }
0x113: {  	v7 =	vsub.f32 v7, v9;
	[tilespmem:$0x1FE20] =	vst v16;
	v16 =	vld [tilespmem:$0x9B0];
	v1 =	vmul.f32 v0, v1;
	v0 =	vpop (erf)  }
0x114: {  	v39 =	vsub.f32 v39, v33;
	v31 =	vsub.f32 v32, v31;
	v20 =	vmul.f32 v0, v20;
	v0 =	vld [tilespmem:$0x11C0]  }
0x115: {  	v15 =	vsub.f32 v15, v2;
	v32 =	vpop (erf);
	v2 =	vsub.f32 v19, v2;
	v19 =	vld [tilespmem:$0x630]  }
0x116: {  	(erf) = vrcp.f32 v7;
	v7 =	vmul.f32 v32, v39;
	v39 =	vsub.f32 v40, v36;
	v36 =	vld [tilespmem:$0xDC0]  }
0x117: {  	v40 =	vld [tilespmem:$0x15C0]  }
0x118: {  	v32 =	vadd.f32 v1, v6;
	v6 =	vld [tilespmem:$0x9D0]  }
0x119: {  	v1 =	vsub.f32 v43, v13;
	v43 =	vmul.f32 v20, v31;
	v31 =	vld [tilespmem:$0x5C0]  }
0x11a: {  	v10 =	vsub.f32 v10, v56;
	v7 =	vmul.f32 v7, v39;
	v39 =	vsub.f32 v48, v42;
	v48 =	vld [tilespmem:$0xDD0]  }
0x11b: {  	(erf) = vrcp.f32 v5;
	[tilespmem:$0x18A0] =	vst v32;
	v32 =	vld [tilespmem:$0x1640]  }
0x11c: {  	v11 =	vsub.f32 v11, v60;
	v20 =	vpop (erf);
	v42 =	vadd.f32 v43, v22;
	(erf) = vrcp.f32 v10;
	v22 =	vld [tilespmem:$0x11D0]  }
0x11d: {  	v1 =	vmul.f32 v20, v1;
	v10 =	vadd.f32 v7, v33;
	v33 =	vsub.f32 v18, v17;
	v18 =	vld [tilespmem:$0x15D0]  }
0x11e: {  	v58 =	vsub.f32 v58, v51;
	[tilespmem:$0x18B0] =	vst v42;
	v42 =	vld [tilespmem:$0x1650]  }
0x11f: {  	v51 =	vsub.f32 v57, v12;
	(erf) = vrcp.f32 v11;
	v1 =	vmul.f32 v1, v39;
	v39 =	vld [tilespmem:$0x5D0]  }
0x120: {  	v57 =	vsub.f32 v21, v44;
	v43 =	vsub.f32 v55, v49;
	v55 =	vpop (erf);
	(erf) = vrcp.f32 v33;
	v33 =	vld [tilespmem:$0x11E0]  }
0x121: {  	v40 =	vsub.f32 v40, v0;
	v0 =	vsub.f32 v31, v0;
	v31 =	vld [tilespmem:$0x1260]  }
0x122: {  	v9 =	vsub.f32 v62, v9;
	v5 =	vmul.f32 v55, v43;
	v55 =	vpop (erf);
	(erf) = vrcp.f32 v57;
	v57 =	vld [tilespmem:$0x1FD00]  }
0x123: {  	v62 =	vsub.f32 v23, v45;
	v43 =	vadd.f32 v1, v13;
	v13 =	vld [tilespmem:$0x9E0]  }
0x124: {  	v53 =	vsub.f32 v53, v52;
	v5 =	vmul.f32 v5, v58;
	v1 =	vmul.f32 v55, v51;
	v51 =	vld [tilespmem:$0xDE0]  }
0x125: {  	v58 =	vpop (erf);
	(erf) = vrcp.f32 v62;
	v62 =	vsub.f32 v61, v37;
	v61 =	vld [tilespmem:$0x1FD10]  }
0x126: {  	v7 =	vmul.f32 v58, v53;
	v55 =	vadd.f32 v5, v49;
	v49 =	vld [tilespmem:$0x1FCE0]  }
0x127: {  	v5 =	vld [tilespmem:$0x9F0]  }
0x128: {  	v1 =	vmul.f32 v1, v9;
	v9 =	vld [tilespmem:$0x15E0];
	v7 =	vmul.f32 v7, v8  }
0x129: {  	v20 =	vsub.f32 v57, v56;
	v56 =	vld [tilespmem:$0x5F0]  }
0x12a: {  	v58 =	vadd.f32 v1, v12;
	v1 =	vadd.f32 v7, v52;
	v52 =	vld [tilespmem:$0x11F0]  }
0x12b: {  	v23 =	vpop (erf);
	v7 =	vld [tilespmem:$0xDF0]  }
0x12c: {  	v12 =	vsub.f32 v35, v25;
	v35 =	vpop (erf);
	v53 =	vsub.f32 v49, v34;
	v49 =	vld [tilespmem:$0x5E0]  }
0x12d: {  	v50 =	vsub.f32 v50, v27;
	v11 =	vmul.f32 v35, v62;
	v35 =	vld [tilespmem:$0x1FD20]  }
0x12e: {  	v62 =	vsub.f32 v61, v60;
	(erf) = vrcp.f32 v12;
	v60 =	vsub.f32 v41, v28;
	v41 =	vld [tilespmem:$0x1FD50]  }
0x12f: {  	[tilespmem:$0x18F0] =	vst v58;
	v58 =	vld [tilespmem:$0x1670];
	v61 =	vpop (erf);
	(erf) = vrcp.f32 v50  }
0x130: {  	v57 =	vsub.f32 v63, v38;
	v8 =	vmul.f32 v23, v53;
	v53 =	vmul.f32 v11, v62;
	v62 =	vld [tilespmem:$0x1FD30]  }
0x131: {  	v11 =	vld [tilespmem:$0xA00];
	(erf) = vrcp.f32 v60  }
0x132: {  	v50 =	vpop (erf);
	(erf) = vrcp.f32 v57;
	v57 =	vld [tilespmem:$0x1FDB0]  }
0x133: {  	v8 =	vmul.f32 v8, v20;
	v20 =	vadd.f32 v53, v37;
	v53 =	vld [tilespmem:$0x1FD60]  }
0x134: {  	v37 =	vld [tilespmem:$0x1210]  }
0x135: {  	v12 =	vsub.f32 v35, v24;
	v35 =	vld [tilespmem:$0x15F0]  }
0x136: {  	[tilespmem:$0x18E0] =	vst v55;
	v55 =	vsub.f32 v49, v33;
	v49 =	vld [tilespmem:$0xA60]  }
0x137: {  	v17 =	vsub.f32 v62, v17;
	v62 =	vld [tilespmem:$0x1FD80]  }
0x138: {  	v8 =	vadd.f32 v8, v34;
	v34 =	vld [tilespmem:$0x1FD40]  }
0x139: {  	v4 =	vsub.f32 v4, v14;
	v23 =	vsub.f32 v53, v44;
	v53 =	vld [tilespmem:$0x1FDA0]  }
0x13a: {  	v12 =	vmul.f32 v61, v12;
	v61 =	vld [tilespmem:$0x1FD70]  }
0x13b: {  	v60 =	vpop (erf);
	(erf) = vrcp.f32 v4;
	[tilespmem:$0x1920] =	vst v20;
	v20 =	vld [tilespmem:$0xA50]  }
0x13c: {  	v12 =	vmul.f32 v12, v17;
	v17 =	vsub.f32 v41, v29;
	v41 =	vld [tilespmem:$0xE00];
	v4 =	vsub.f32 v62, v54  }
0x13d: {  	v44 =	vld [tilespmem:$0x600];
	v63 =	vpop (erf);
	(erf) = vrcp.f32 v15  }
0x13e: {  	v15 =	vsub.f32 v57, v47;
	v57 =	vld [tilespmem:$0x1FDE0];
	v4 =	vmul.f32 v63, v4;
	v25 =	vsub.f32 v53, v25  }
0x13f: {  	v17 =	vmul.f32 v60, v17;
	v45 =	vsub.f32 v61, v45;
	v61 =	vld [tilespmem:$0x1FDC0]  }
0x140: {  	v63 =	vld [tilespmem:$0x1FDD0];
	v4 =	vmul.f32 v4, v25  }
0x141: {  	v17 =	vmul.f32 v17, v45;
	v45 =	vld [tilespmem:$0x1FD90]  }
0x142: {  	v21 =	vsub.f32 v34, v30;
	v4 =	vadd.f32 v4, v54;
	v54 =	vld [tilespmem:$0x1FDF0]  }
0x143: {  	v34 =	vld [tilespmem:$0x1200];
	v60 =	vpop (erf)  }
0x144: {  	(erf) = vrcp.f32 v40;
	v40 =	vld [tilespmem:$0xE20];
	v62 =	vpop (erf);
	v21 =	vmul.f32 v50, v21  }
0x145: {  	v50 =	vld [tilespmem:$0x1600];
	v15 =	vmul.f32 v62, v15;
	v25 =	vsub.f32 v63, v28  }
0x146: {  	v21 =	vmul.f32 v21, v23;
	v23 =	vld [tilespmem:$0x1610];
	v29 =	vadd.f32 v17, v29;
	v17 =	vsub.f32 v45, v46  }
0x147: {  	v27 =	vsub.f32 v61, v27;
	v61 =	vld [tilespmem:$0x1FE00];
	v15 =	vmul.f32 v15, v25;
	v25 =	vsub.f32 v54, v57  }
0x148: {  	v26 =	vsub.f32 v26, v16;
	v28 =	vld [tilespmem:$0x1220];
	v45 =	vmul.f32 v60, v17;
	v60 =	vpop (erf)  }
0x149: {  	v36 =	vsub.f32 v36, v3;
	v18 =	vsub.f32 v18, v22;
	v25 =	vmul.f32 v60, v25;
	v60 =	vld [tilespmem:$0x1FE10]  }
0x14a: {  	v22 =	vsub.f32 v39, v22;
	v63 =	vsub.f32 v50, v34;
	v50 =	vld [tilespmem:$0x1630]  }
0x14b: {  	v9 =	vsub.f32 v9, v33;
	v7 =	vsub.f32 v7, v5;
	v17 =	vld [tilespmem:$0xA20]  }
0x14c: {  	v35 =	vsub.f32 v35, v52;
	(erf) = vrcp.f32 v18;
	v27 =	vmul.f32 v45, v27;
	v45 =	vld [tilespmem:$0x1620]  }
0x14d: {  	v54 =	vsub.f32 v61, v59;
	v15 =	vadd.f32 v15, v47;
	v47 =	vld [tilespmem:$0xA30]  }
0x14e: {  	v27 =	vadd.f32 v27, v46;
	v46 =	vpop (erf);
	v38 =	vsub.f32 v60, v38;
	v60 =	vld [tilespmem:$0x1FE20]  }
0x14f: {  	v12 =	vadd.f32 v12, v24;
	v21 =	vadd.f32 v21, v30;
	(erf) = vrcp.f32 v9;
	v9 =	vld [tilespmem:$0xE30];
	v62 =	vpop (erf)  }
0x150: {  	v34 =	vsub.f32 v44, v34;
	v46 =	vmul.f32 v46, v54;
	v54 =	vld [tilespmem:$0x1230];
	v26 =	vmul.f32 v62, v26  }
0x151: {  	v23 =	vsub.f32 v23, v37;
	v61 =	vsub.f32 v48, v6;
	v48 =	vld [tilespmem:$0x1660];
	(erf) = vrcp.f32 v35  }
0x152: {  	v24 =	vld [tilespmem:$0xA10];
	v44 =	vsub.f32 v40, v17;
	(erf) = vrcp.f32 v63;
	v2 =	vmul.f32 v26, v2  }
0x153: {  	v30 =	vld [tilespmem:$0xE10];
	v63 =	vsub.f32 v45, v28;
	v14 =	vsub.f32 v60, v14;
	v60 =	vpop (erf);
	(erf) = vrcp.f32 v23  }
0x154: {  	v35 =	vld [tilespmem:$0x1240];
	v9 =	vsub.f32 v9, v47;
	v2 =	vadd.f32 v2, v16;
	v25 =	vmul.f32 v25, v38  }
0x155: {  	v45 =	vsub.f32 v50, v54;
	v26 =	vmul.f32 v60, v36;
	v36 =	vld [tilespmem:$0x1250];
	v62 =	vpop (erf);
	(erf) = vrcp.f32 v63  }
0x156: {  	[tilespmem:$0x18C0] =	vst v10;
	v53 =	vld [tilespmem:$0x610];
	v16 =	vsub.f32 v48, v31;
	v54 =	vsub.f32 v19, v54  }
0x157: {  	[tilespmem:$0x18D0] =	vst v43;
	v25 =	vadd.f32 v25, v57;
	v60 =	vsub.f32 v41, v11;
	v0 =	vmul.f32 v26, v0;
	v26 =	vld [tilespmem:$0x1270]  }
0x158: {  	[tilespmem:$0x1900] =	vst v1;
	v18 =	vld [tilespmem:$0x620];
	v14 =	vmul.f32 v46, v14;
	v10 =	vmul.f32 v62, v61;
	v46 =	vsub.f32 v51, v13  }
0x159: {  	[tilespmem:$0x1910] =	vst v8;
	v38 =	vld [tilespmem:$0xA40];
	v50 =	vpop (erf);
	(erf) = vrcp.f32 v45;
	v62 =	vsub.f32 v32, v35;
	v32 =	vsub.f32 v30, v24  }
0x15a: {  	[tilespmem:$0x1930] =	vst v12;
	v41 =	vld [tilespmem:$0xE50];
	v57 =	vpop (erf);
	v14 =	vadd.f32 v14, v59;
	v51 =	vmul.f32 v10, v22;
	v63 =	vsub.f32 v42, v36  }
0x15b: {  	[tilespmem:$0x1950] =	vst v29;
	v45 =	vld [tilespmem:$0x650];
	v7 =	vmul.f32 v57, v7;
	v59 =	vsub.f32 v56, v52;
	v61 =	vpop (erf);
	(erf) = vrcp.f32 v62  }
0x15c: {  	[tilespmem:$0x1940] =	vst v21;
	v10 =	vld [tilespmem:$0xE40];
	v0 =	vadd.f32 v0, v3;
	v42 =	vsub.f32 v58, v26;
	v39 =	vpop (erf);
	(erf) = vrcp.f32 v63  }
0x15d: {  	[tilespmem:$0x1960] =	vst v4;
	v57 =	vld [tilespmem:$0xE70];
	v3 =	vmul.f32 v50, v46;
	v46 =	vsub.f32 v53, v37;
	(erf) = vrcp.f32 v16  }
0x15e: {  	[tilespmem:$0x1980] =	vst v15;
	v53 =	vld [tilespmem:$0xE60];
	v1 =	vadd.f32 v51, v6;
	v7 =	vmul.f32 v7, v59;
	v48 =	vpop (erf);
	(erf) = vrcp.f32 v42  }
0x15f: {  	[tilespmem:$0x1970] =	vst v27;
	v6 =	vmul.f32 v61, v60;
	v51 =	vsub.f32 v18, v28;
	v3 =	vmul.f32 v3, v55;
	v55 =	vld [tilespmem:$0xA70]  }
0x160: {  	v8 =	vld [tilespmem:$0x640];
	[tilespmem:$0x19B0] =	vst v2;
	v19 =	vsub.f32 v41, v20;
	v29 =	vsub.f32 v45, v36;
	v50 =	vmul.f32 v48, v44  }
0x161: {  	[tilespmem:$0x1990] =	vst v25;
	v60 =	vld [tilespmem:$0x660];
	v6 =	vmul.f32 v6, v34;
	v5 =	vadd.f32 v7, v5;
	v43 =	vmul.f32 v39, v32  }
0x162: {  	[tilespmem:$0x19A0] =	vst v14;
	v3 =	vadd.f32 v3, v13;
	v62 =	vsub.f32 v10, v38;
	v63 =	vld [tilespmem:$0x670];
	v56 =	vmul.f32 v50, v51  }
0x163: {  	[tilespmem:$0x19C0] =	vst v0;
	v58 =	vadd.f32 v6, v11;
	v27 =	vsub.f32 v53, v49;
	v52 =	vpop (erf);
	v4 =	vmul.f32 v43, v46  }
0x164: {  	[tilespmem:$0x19D0] =	vst v1;
	v9 =	vmul.f32 v52, v9;
	v12 =	vsub.f32 v57, v55;
	v61 =	vadd.f32 v56, v17;
	v17 =	vpop (erf)  }
0x165: {  	[tilespmem:$0x19F0] =	vst v5;
	v4 =	vadd.f32 v4, v24;
	v24 =	vsub.f32 v8, v35;
	v22 =	vmul.f32 v17, v62;
	v25 =	vpop (erf)  }
0x166: {  	[tilespmem:$0x19E0] =	vst v3;
	v59 =	vmul.f32 v9, v54;
	v35 =	vsub.f32 v60, v31;
	v28 =	vmul.f32 v25, v19;
	v32 =	vpop (erf)  }
0x167: {  	[tilespmem:$0x1A00] =	vst v58;
	v40 =	vsub.f32 v63, v26;
	v33 =	vmul.f32 v22, v24;
	v34 =	vmul.f32 v32, v27;
	v36 =	vpop (erf)  }
0x168: {  	v16 =	vadd.f32 v59, v47;
	[tilespmem:$0x1A10] =	vst v4;
	v37 =	vmul.f32 v28, v29;
	v39 =	vmul.f32 v36, v12  }
0x169: {  	[tilespmem:$0x1A20] =	vst v61;
	v41 =	vadd.f32 v33, v38;
	v42 =	vmul.f32 v34, v35  }
0x16a: {  	[tilespmem:$0x1A30] =	vst v16;
	v43 =	vadd.f32 v37, v20;
	v44 =	vmul.f32 v39, v40  }
0x16b: {  	[tilespmem:$0x1A40] =	vst v41;
	v45 =	vadd.f32 v42, v49  }
0x16c: {  	[tilespmem:$0x1A50] =	vst v43;
	v46 =	vadd.f32 v44, v55  }
0x16d: {  	[tilespmem:$0x1A60] =	vst v45  }
0x16e: {  	s4 =	sadd.s32 s4, s5;
	s30 =	simm.s32 $0x1880;
	[tilespmem:$0x1A70] =	vst v46  }
0x16f: {  	[hbm4b:s4+s2] =	stream.linear.scatter [tilespmem:s30], [sflag:$0x1], $0x200, $0x38;
	[tilespmem:$0x1C80] =	vst v63  }
0x170: {  	v6 =	vld [tilespmem:$0xA80]  }
0x171: {  	v3 =	vld [tilespmem:$0x1280]  }
0x172: {  	v14 =	vld [tilespmem:$0xE80]  }
0x173: {  	v7 =	vld [tilespmem:$0x1680]  }
0x174: {  	v21 =	vld [tilespmem:$0x680]  }
0x175: {  	v28 =	vld [tilespmem:$0xA90]  }
0x176: {  	v34 =	vld [tilespmem:$0x1290]  }
0x177: {  	v36 =	vld [tilespmem:$0xE90]  }
0x178: {  	v10 =	vld [tilespmem:$0x1690]  }
0x179: {  	v39 =	vld [tilespmem:$0x690]  }
0x17a: {  	v9 =	vld [tilespmem:$0xAA0]  }
0x17b: {  	v42 =	vld [tilespmem:$0x12A0]  }
0x17c: {  	v43 =	vld [tilespmem:$0xEA0]  }
0x17d: {  	v19 =	vld [tilespmem:$0x16A0]  }
0x17e: {  	v45 =	vld [tilespmem:$0x6A0]  }
0x17f: {  	v35 =	vld [tilespmem:$0xAB0]  }
0x180: {  	v52 =	vld [tilespmem:$0x12B0]  }
0x181: {  	v58 =	vld [tilespmem:$0xEB0]  }
0x182: {  	v4 =	vld [tilespmem:$0x16B0]  }
0x183: {  	v33 =	vld [tilespmem:$0x6B0]  }
0x184: {  	v48 =	vld [tilespmem:$0xAC0]  }
0x185: {  	v1 =	vld [tilespmem:$0x12C0]  }
0x186: {  	v20 =	vld [tilespmem:$0xEC0]  }
0x187: {  	v2 =	vld [tilespmem:$0x16C0]  }
0x188: {  	v40 =	vld [tilespmem:$0x6C0]  }
0x189: {  	v11 =	vld [tilespmem:$0xAD0]  }
0x18a: {  	v49 =	vld [tilespmem:$0x12D0]  }
0x18b: {  	v41 =	vld [tilespmem:$0xED0]  }
0x18c: {  	v5 =	vld [tilespmem:$0x16D0]  }
0x18d: {  	v46 =	vld [tilespmem:$0x6D0]  }
0x18e: {  	v54 =	vld [tilespmem:$0xAE0]  }
0x18f: {  	v55 =	vld [tilespmem:$0x12E0]  }
0x190: {  	v59 =	vld [tilespmem:$0xEE0]  }
0x191: {  	v8 =	vld [tilespmem:$0x16E0]  }
0x192: {  	v47 =	vld [tilespmem:$0x6E0]  }
0x193: {  	v15 =	vld [tilespmem:$0xAF0]  }
0x194: {  	v44 =	vld [tilespmem:$0x12F0]  }
0x195: {  	v50 =	vld [tilespmem:$0xEF0]  }
0x196: {  	v13 =	vld [tilespmem:$0x16F0]  }
0x197: {  	v51 =	vld [tilespmem:$0x6F0]  }
0x198: {  	v61 =	vld [tilespmem:$0x1300]  }
0x199: {  	v53 =	vld [tilespmem:$0xF00]  }
0x19a: {  	v12 =	vld [tilespmem:$0x1700]  }
0x19b: {  	v56 =	vld [tilespmem:$0x700]  }
0x19c: {  	v29 =	vld [tilespmem:$0xB10]  }
0x19d: {  	v57 =	vld [tilespmem:$0xF10]  }
0x19e: {  	v17 =	vld [tilespmem:$0x1710]  }
0x19f: {  	v60 =	vld [tilespmem:$0x710]  }
0x1a0: {  	v31 =	vld [tilespmem:$0xB20]  }
0x1a1: {  	v62 =	vld [tilespmem:$0xF20]  }
0x1a2: {  	v16 =	vld [tilespmem:$0x1720]  }
0x1a3: {  	v63 =	vld [tilespmem:$0x720]  }
0x1a4: {  	v24 =	vld [tilespmem:$0xB30]  }
0x1a5: {  	v22 =	vld [tilespmem:$0x1330]  }
0x1a6: {  	v18 =	vld [tilespmem:$0xF30]  }
0x1a7: {  	v23 =	vld [tilespmem:$0x730]  }
0x1a8: {  	v27 =	vld [tilespmem:$0xB40]  }
0x1a9: {  	v37 =	vld [tilespmem:$0x1340]  }
0x1aa: {  	v25 =	vld [tilespmem:$0xF40]  }
0x1ab: {  	v32 =	vld [tilespmem:$0x1740]  }
0x1ac: {  	v26 =	vld [tilespmem:$0x740]  }
0x1ad: {  	v38 =	vld [tilespmem:$0x1350]  }
0x1ae: {  	v30 =	vld [tilespmem:$0xF50]  }
0x1af: {  	v0 =	vld [tilespmem:$0xF90];
	[tilespmem:$0x1FE30] =	vst v47  }
0x1b0: {  	[tilespmem:$0x1FE40] =	vst v50;
	v50 =	vld [tilespmem:$0xB00]  }
0x1b1: {  	[tilespmem:$0x1FE50] =	vst v53;
	v53 =	vld [tilespmem:$0x1310]  }
0x1b2: {  	[tilespmem:$0x1FE80] =	vst v57;
	v57 =	vld [tilespmem:$0x1320]  }
0x1b3: {  	[tilespmem:$0x1FEC0] =	vst v18;
	v18 =	vld [tilespmem:$0x1730]  }
0x1b4: {  	[tilespmem:$0x1FF00] =	vst v26;
	v26 =	vld [tilespmem:$0xB50]  }
0x1b5: {  	[tilespmem:$0x1FEF0] =	vst v30;
	v30 =	vld [tilespmem:$0x1750]  }
0x1b6: {  	[tilespmem:$0x1FE60] =	vst v51;
	v47 =	vld [tilespmem:$0x750]  }
0x1b7: {  	[tilespmem:$0x1FE70] =	vst v56;
	v56 =	vld [tilespmem:$0xB60]  }
0x1b8: {  	[tilespmem:$0x1FED0] =	vst v23;
	v23 =	vld [tilespmem:$0x1360]  }
0x1b9: {  	[tilespmem:$0x1FEA0] =	vst v60;
	v51 =	vld [tilespmem:$0xF60]  }
0x1ba: {  	[tilespmem:$0x1FE90] =	vst v62;
	v60 =	vld [tilespmem:$0x760]  }
0x1bb: {  	[tilespmem:$0x1FEB0] =	vst v63;
	v63 =	vld [tilespmem:$0xF70]  }
0x1bc: {  	[tilespmem:$0x1FEE0] =	vst v25;
	v62 =	vld [tilespmem:$0x1760]  }
0x1bd: {  	v25 =	vld [tilespmem:$0x1370];
	[tilespmem:$0x1FFA0] =	vst v0  }
0x1be: {  	v0 =	vsub.f32 v2, v1;
	v2 =	vld [tilespmem:$0x13A0];
	[tilespmem:$0x1FF30] =	vst v51  }
0x1bf: {  	[tilespmem:$0x1FF50] =	vst v60;
	v51 =	vld [tilespmem:$0xB70];
	v60 =	vsub.f32 v7, v3  }
0x1c0: {  	v10 =	vsub.f32 v10, v34;
	[tilespmem:$0x1FF40] =	vst v63;
	v63 =	vld [tilespmem:$0x1770]  }
0x1c1: {  	[tilespmem:$0x1FF20] =	vst v47;
	v47 =	vld [tilespmem:$0x770];
	(erf) = vrcp.f32 v60  }
0x1c2: {  	(erf) = vrcp.f32 v10;
	v10 =	vld [tilespmem:$0x780]  }
0x1c3: {  	v19 =	vsub.f32 v19, v42;
	v7 =	vld [tilespmem:$0x1380]  }
0x1c4: {  	v60 =	vld [tilespmem:$0xF80]  }
0x1c5: {  	v1 =	vsub.f32 v40, v1;
	(erf) = vrcp.f32 v19;
	v19 =	vld [tilespmem:$0x1790]  }
0x1c6: {  	v40 =	vsub.f32 v59, v54;
	v59 =	vsub.f32 v18, v22;
	v18 =	vld [tilespmem:$0x17D0]  }
0x1c7: {  	[tilespmem:$0x1FF80] =	vst v10;
	v10 =	vld [tilespmem:$0xB90]  }
0x1c8: {  	v4 =	vsub.f32 v4, v52;
	[tilespmem:$0x1FF70] =	vst v47;
	v47 =	vld [tilespmem:$0xB80]  }
0x1c9: {  	v14 =	vsub.f32 v14, v6;
	[tilespmem:$0x1FF60] =	vst v60;
	v60 =	vld [tilespmem:$0x1780]  }
0x1ca: {  	(erf) = vrcp.f32 v4;
	v4 =	vsub.f32 v36, v28;
	[tilespmem:$0x1FF10] =	vst v19;
	v19 =	vld [tilespmem:$0x790];
	v36 =	vpop (erf)  }
0x1cb: {  	v14 =	vmul.f32 v36, v14;
	v36 =	vld [tilespmem:$0xFA0]  }
0x1cc: {  	v3 =	vsub.f32 v21, v3;
	v21 =	vpop (erf);
	[tilespmem:$0x1FF90] =	vst v10;
	v10 =	vld [tilespmem:$0x1390]  }
0x1cd: {  	(erf) = vrcp.f32 v0;
	v0 =	vmul.f32 v21, v4;
	v21 =	vsub.f32 v39, v34;
	v39 =	vld [tilespmem:$0x7A0]  }
0x1ce: {  	v34 =	vld [tilespmem:$0x17A0]  }
0x1cf: {  	[tilespmem:$0x1FFB0] =	vst v19;
	v19 =	vld [tilespmem:$0xBA0]  }
0x1d0: {  	v14 =	vmul.f32 v14, v3;
	v3 =	vld [tilespmem:$0xBB0];
	v0 =	vmul.f32 v0, v21  }
0x1d1: {  	v5 =	vsub.f32 v5, v49;
	v43 =	vsub.f32 v43, v9;
	v21 =	vld [tilespmem:$0x13B0]  }
0x1d2: {  	v6 =	vadd.f32 v14, v6;
	v0 =	vadd.f32 v0, v28;
	v28 =	vpop (erf);
	[tilespmem:$0x1FFC0] =	vst v39;
	v39 =	vld [tilespmem:$0xFB0]  }
0x1d3: {  	v4 =	vmul.f32 v28, v43;
	v43 =	vsub.f32 v45, v42;
	v42 =	vld [tilespmem:$0x7B0]  }
0x1d4: {  	(erf) = vrcp.f32 v5;
	v5 =	vsub.f32 v8, v55;
	[tilespmem:$0x1FFD0] =	vst v6;
	v6 =	vld [tilespmem:$0xBC0]  }
0x1d5: {  	v45 =	vsub.f32 v58, v35;
	v28 =	vsub.f32 v13, v44;
	v13 =	vld [tilespmem:$0x1FE50]  }
0x1d6: {  	(erf) = vrcp.f32 v5;
	[tilespmem:$0x1FFF0] =	vst v0;
	v0 =	vld [tilespmem:$0x17B0]  }
0x1d7: {  	v12 =	vsub.f32 v12, v61;
	v58 =	vpop (erf);
	v4 =	vmul.f32 v4, v43;
	(erf) = vrcp.f32 v28;
	v28 =	vld [tilespmem:$0x13C0]  }
0x1d8: {  	v43 =	vsub.f32 v20, v48;
	v5 =	vmul.f32 v58, v45;
	v20 =	vsub.f32 v33, v52;
	v33 =	vld [tilespmem:$0x17C0]  }
0x1d9: {  	v45 =	vpop (erf);
	(erf) = vrcp.f32 v12;
	v12 =	vld [tilespmem:$0x1FE40]  }
0x1da: {  	v5 =	vmul.f32 v5, v20;
	v20 =	vsub.f32 v16, v57;
	v16 =	vld [tilespmem:$0x1FE90]  }
0x1db: {  	v8 =	vmul.f32 v45, v43;
	v45 =	vld [tilespmem:$0xFC0]  }
0x1dc: {  	v58 =	vsub.f32 v17, v53;
	[tilespmem:$0x1FFE0] =	vst v42;
	v42 =	vld [tilespmem:$0x7C0]  }
0x1dd: {  	v52 =	vsub.f32 v41, v11;
	v43 =	vadd.f32 v4, v9;
	v9 =	vld [tilespmem:$0xBD0]  }
0x1de: {  	v14 =	vpop (erf);
	(erf) = vrcp.f32 v58;
	v58 =	vld [tilespmem:$0xFD0]  }
0x1df: {  	v4 =	vmul.f32 v14, v52;
	v52 =	vadd.f32 v5, v35;
	v35 =	vld [tilespmem:$0x13D0]  }
0x1e0: {  	v17 =	vsub.f32 v46, v49;
	(erf) = vrcp.f32 v20;
	v20 =	vld [tilespmem:$0x1FE60]  }
0x1e1: {  	v1 =	vmul.f32 v8, v1;
	[tilespmem:$0x1AA0] =	vst v43;
	v43 =	vld [tilespmem:$0x1870]  }
0x1e2: {  	v41 =	vmul.f32 v4, v17;
	v17 =	vld [tilespmem:$0xBE0]  }
0x1e3: {  	v46 =	vpop (erf);
	v49 =	vadd.f32 v1, v48;
	v48 =	vld [tilespmem:$0x1FE30]  }
0x1e4: {  	v32 =	vsub.f32 v32, v37;
	v4 =	vmul.f32 v46, v40;
	v46 =	vsub.f32 v30, v38;
	v30 =	vld [tilespmem:$0x17E0]  }
0x1e5: {  	v33 =	vsub.f32 v33, v28;
	v28 =	vsub.f32 v42, v28;
	v42 =	vld [tilespmem:$0x1450]  }
0x1e6: {  	(erf) = vrcp.f32 v59;
	v14 =	vpop (erf);
	v8 =	vsub.f32 v20, v44;
	v44 =	vld [tilespmem:$0x13E0]  }
0x1e7: {  	v1 =	vsub.f32 v12, v15;
	[tilespmem:$0x1AC0] =	vst v49;
	v49 =	vld [tilespmem:$0x840];
	v40 =	vpop (erf);
	(erf) = vrcp.f32 v32;
	v32 =	vsub.f32 v62, v23  }
0x1e8: {  	v62 =	vsub.f32 v63, v25;
	v63 =	vsub.f32 v60, v7;
	v60 =	vld [tilespmem:$0x1FF00]  }
0x1e9: {  	v1 =	vmul.f32 v14, v1;
	v5 =	vsub.f32 v48, v55;
	v48 =	vld [tilespmem:$0x7D0]  }
0x1ea: {  	v55 =	vadd.f32 v41, v11;
	v41 =	vld [tilespmem:$0x1FE70]  }
0x1eb: {  	v1 =	vmul.f32 v1, v8;
	v8 =	vld [tilespmem:$0xBF0]  }
0x1ec: {  	(erf) = vrcp.f32 v46;
	v46 =	vld [tilespmem:$0x1FEB0];
	v4 =	vmul.f32 v4, v5  }
0x1ed: {  	v5 =	vsub.f32 v13, v50;
	[tilespmem:$0x1AD0] =	vst v55;
	v55 =	vld [tilespmem:$0x1050]  }
0x1ee: {  	v14 =	vadd.f32 v4, v54;
	v54 =	vld [tilespmem:$0x1FE80];
	v4 =	vadd.f32 v1, v15  }
0x1ef: {  	v20 =	vpop (erf);
	v1 =	vsub.f32 v16, v31;
	v12 =	vsub.f32 v41, v61;
	v61 =	vld [tilespmem:$0xFE0]  }
0x1f0: {  	v5 =	vmul.f32 v40, v5;
	v40 =	vpop (erf);
	v41 =	vld [tilespmem:$0x1FEA0]  }
0x1f1: {  	v1 =	vmul.f32 v40, v1;
	v40 =	vld [tilespmem:$0x17F0]  }
0x1f2: {  	v5 =	vmul.f32 v5, v12;
	v12 =	vld [tilespmem:$0x7F0]  }
0x1f3: {  	v59 =	vsub.f32 v54, v29;
	v54 =	vld [tilespmem:$0x7E0]  }
0x1f4: {  	v13 =	vadd.f32 v5, v50;
	v50 =	vld [tilespmem:$0x13F0]  }
0x1f5: {  	v15 =	vsub.f32 v41, v53;
	v53 =	vsub.f32 v46, v57;
	v46 =	vld [tilespmem:$0x1FED0]  }
0x1f6: {  	v5 =	vld [tilespmem:$0xFF0]  }
0x1f7: {  	(erf) = vrcp.f32 v32;
	v57 =	vld [tilespmem:$0x1FEC0];
	v11 =	vmul.f32 v20, v59  }
0x1f8: {  	v41 =	vpop (erf);
	(erf) = vrcp.f32 v62;
	v62 =	vld [tilespmem:$0x1FF10]  }
0x1f9: {  	v1 =	vmul.f32 v1, v53;
	v53 =	vld [tilespmem:$0x1FEE0];
	v11 =	vmul.f32 v11, v15  }
0x1fa: {  	v20 =	vsub.f32 v46, v22;
	v22 =	vld [tilespmem:$0xC00]  }
0x1fb: {  	v32 =	vadd.f32 v11, v29;
	v29 =	vld [tilespmem:$0x1400]  }
0x1fc: {  	v31 =	vadd.f32 v1, v31;
	v59 =	vsub.f32 v57, v24;
	v57 =	vld [tilespmem:$0x1FEF0]  }
0x1fd: {  	v46 =	vld [tilespmem:$0x1800]  }
0x1fe: {  	[tilespmem:$0x1B20] =	vst v31;
	v31 =	vld [tilespmem:$0xC70]  }
0x1ff: {  	v16 =	vmul.f32 v41, v59;
	v41 =	vld [tilespmem:$0x1000]  }
0x200: {  	v11 =	vsub.f32 v53, v27;
	v53 =	vld [tilespmem:$0x1FF20]  }
0x201: {  	[tilespmem:$0x1B10] =	vst v32;
	v32 =	vld [tilespmem:$0xC40];
	v15 =	vmul.f32 v16, v20;
	v59 =	vpop (erf);
	v20 =	vsub.f32 v62, v10  }
0x202: {  	(erf) = vrcp.f32 v63;
	v1 =	vsub.f32 v57, v26;
	v11 =	vmul.f32 v59, v11;
	v59 =	vld [tilespmem:$0x1FF30]  }
0x203: {  	v16 =	vsub.f32 v60, v37;
	v63 =	vpop (erf);
	(erf) = vrcp.f32 v20;
	v20 =	vld [tilespmem:$0x1410]  }
0x204: {  	v37 =	vmul.f32 v63, v1;
	v1 =	vld [tilespmem:$0x800]  }
0x205: {  	v34 =	vsub.f32 v34, v2;
	v11 =	vmul.f32 v11, v16;
	v16 =	vld [tilespmem:$0xC10]  }
0x206: {  	v38 =	vsub.f32 v53, v38;
	v53 =	vld [tilespmem:$0x1FF50]  }
0x207: {  	v0 =	vsub.f32 v0, v21;
	(erf) = vrcp.f32 v34;
	v34 =	vld [tilespmem:$0x1810]  }
0x208: {  	v57 =	vmul.f32 v37, v38;
	v37 =	vld [tilespmem:$0x1010]  }
0x209: {  	v62 =	vpop (erf);
	(erf) = vrcp.f32 v0;
	v38 =	vld [tilespmem:$0x1FF40];
	v60 =	vsub.f32 v59, v56  }
0x20a: {  	v15 =	vadd.f32 v15, v24;
	v59 =	vpop (erf);
	(erf) = vrcp.f32 v33;
	v33 =	vld [tilespmem:$0x1020]  }
0x20b: {  	v24 =	vadd.f32 v57, v26;
	v57 =	vld [tilespmem:$0x1FF60];
	v63 =	vmul.f32 v62, v60;
	v23 =	vsub.f32 v53, v23  }
0x20c: {  	v26 =	vld [tilespmem:$0x1420]  }
0x20d: {  	v23 =	vmul.f32 v63, v23;
	v63 =	vld [tilespmem:$0x1FF80]  }
0x20e: {  	v53 =	vld [tilespmem:$0x810]  }
0x20f: {  	v60 =	vld [tilespmem:$0x1FF70]  }
0x210: {  	v27 =	vadd.f32 v11, v27;
	v23 =	vadd.f32 v23, v56;
	v56 =	vld [tilespmem:$0x1FF90]  }
0x211: {  	v11 =	vsub.f32 v38, v51;
	v0 =	vsub.f32 v57, v47;
	v57 =	vld [tilespmem:$0x1FFA0]  }
0x212: {  	v18 =	vsub.f32 v18, v35;
	v7 =	vsub.f32 v63, v7;
	v63 =	vld [tilespmem:$0x1FFC0]  }
0x213: {  	v36 =	vsub.f32 v36, v19;
	v30 =	vsub.f32 v30, v44;
	v62 =	vpop (erf);
	v38 =	vmul.f32 v59, v11;
	v11 =	vld [tilespmem:$0xC20]  }
0x214: {  	v39 =	vsub.f32 v39, v3;
	v59 =	vpop (erf);
	(erf) = vrcp.f32 v18;
	v0 =	vmul.f32 v62, v0;
	v62 =	vld [tilespmem:$0x1FFB0]  }
0x215: {  	v40 =	vsub.f32 v40, v50;
	v25 =	vsub.f32 v60, v25;
	v60 =	vpop (erf);
	(erf) = vrcp.f32 v30;
	v30 =	vld [tilespmem:$0x1030]  }
0x216: {  	v5 =	vsub.f32 v5, v8;
	v0 =	vmul.f32 v0, v7;
	v7 =	vsub.f32 v57, v56;
	v57 =	vld [tilespmem:$0x1FFE0]  }
0x217: {  	v12 =	vsub.f32 v12, v50;
	v2 =	vsub.f32 v63, v2;
	v63 =	vld [tilespmem:$0x1FFD0]  }
0x218: {  	v1 =	vsub.f32 v1, v29;
	v25 =	vmul.f32 v38, v25;
	v38 =	vld [tilespmem:$0x1820];
	v0 =	vadd.f32 v0, v47  }
0x219: {  	v7 =	vmul.f32 v59, v7;
	v10 =	vsub.f32 v62, v10;
	v47 =	vld [tilespmem:$0x1430];
	v62 =	vsub.f32 v46, v29  }
0x21a: {  	v36 =	vmul.f32 v60, v36;
	v60 =	vpop (erf);
	(erf) = vrcp.f32 v40;
	v25 =	vadd.f32 v25, v51;
	v46 =	vld [tilespmem:$0x1830]  }
0x21b: {  	v59 =	vld [tilespmem:$0x1FFF0];
	v7 =	vmul.f32 v7, v10;
	v10 =	vmul.f32 v60, v39;
	v60 =	vsub.f32 v45, v6  }
0x21c: {  	v40 =	vld [tilespmem:$0x1440];
	v2 =	vmul.f32 v36, v2;
	v21 =	vsub.f32 v57, v21;
	[tilespmem:$0x1A80] =	vst v63;
	v63 =	vsub.f32 v34, v20  }
0x21d: {  	v51 =	vld [tilespmem:$0xC30];
	(erf) = vrcp.f32 v62;
	v7 =	vadd.f32 v7, v56;
	v62 =	vpop (erf);
	v56 =	vsub.f32 v38, v26  }
0x21e: {  	[tilespmem:$0x1AB0] =	vst v52;
	v39 =	vld [tilespmem:$0x1460];
	v2 =	vadd.f32 v2, v19;
	v19 =	vmul.f32 v62, v60;
	v52 =	vpop (erf);
	(erf) = vrcp.f32 v63  }
0x21f: {  	v45 =	vsub.f32 v58, v9;
	v10 =	vmul.f32 v10, v21;
	v58 =	vsub.f32 v46, v47;
	v34 =	vld [tilespmem:$0x1840]  }
0x220: {  	v57 =	vld [tilespmem:$0x1850];
	[tilespmem:$0x1A90] =	vst v59;
	v59 =	vsub.f32 v48, v35;
	v19 =	vmul.f32 v19, v28;
	(erf) = vrcp.f32 v56  }
0x221: {  	v60 =	vsub.f32 v61, v17;
	v61 =	vld [tilespmem:$0x1860];
	v20 =	vsub.f32 v53, v20  }
0x222: {  	[tilespmem:$0x1AF0] =	vst v4;
	v62 =	vpop (erf);
	v3 =	vadd.f32 v10, v3;
	v4 =	vadd.f32 v19, v6;
	v19 =	vld [tilespmem:$0x1470]  }
0x223: {  	[tilespmem:$0x1AE0] =	vst v14;
	v36 =	vld [tilespmem:$0x830];
	v10 =	vmul.f32 v52, v45;
	v35 =	vpop (erf);
	v52 =	vsub.f32 v37, v16;
	(erf) = vrcp.f32 v58  }
0x224: {  	[tilespmem:$0x1B40] =	vst v27;
	v27 =	vld [tilespmem:$0xC50];
	v63 =	vsub.f32 v54, v44;
	v5 =	vmul.f32 v35, v5;
	v48 =	vsub.f32 v34, v40  }
0x225: {  	[tilespmem:$0x1B00] =	vst v13;
	v46 =	vld [tilespmem:$0x1040];
	v44 =	vsub.f32 v41, v22;
	v50 =	vsub.f32 v57, v42;
	v10 =	vmul.f32 v10, v59  }
0x226: {  	[tilespmem:$0x1B30] =	vst v15;
	v18 =	vld [tilespmem:$0x820];
	v6 =	vmul.f32 v62, v60;
	v21 =	vsub.f32 v61, v39;
	v45 =	vpop (erf);
	(erf) = vrcp.f32 v48  }
0x227: {  	[tilespmem:$0x1B50] =	vst v24;
	v24 =	vld [tilespmem:$0x1060];
	v56 =	vsub.f32 v33, v11;
	v28 =	vsub.f32 v43, v19;
	v54 =	vpop (erf);
	(erf) = vrcp.f32 v50  }
0x228: {  	[tilespmem:$0x1B60] =	vst v23;
	v29 =	vld [tilespmem:$0xC60];
	v59 =	vsub.f32 v30, v51;
	v30 =	vsub.f32 v36, v47;
	(erf) = vrcp.f32 v21  }
0x229: {  	[tilespmem:$0x1B70] =	vst v25;
	v37 =	vld [tilespmem:$0x860];
	v47 =	vsub.f32 v49, v40;
	v5 =	vmul.f32 v5, v12;
	v58 =	vpop (erf);
	(erf) = vrcp.f32 v28  }
0x22a: {  	[tilespmem:$0x1B80] =	vst v0;
	v38 =	vsub.f32 v46, v32;
	v9 =	vadd.f32 v10, v9;
	v34 =	vld [tilespmem:$0x1070];
	v10 =	vmul.f32 v45, v44  }
0x22b: {  	[tilespmem:$0x1B90] =	vst v7;
	v6 =	vmul.f32 v6, v63;
	v63 =	vsub.f32 v18, v26;
	v5 =	vadd.f32 v5, v8  }
0x22c: {  	[tilespmem:$0x1BA0] =	vst v2;
	v57 =	vld [tilespmem:$0x850];
	v44 =	vsub.f32 v55, v27;
	v61 =	vmul.f32 v10, v1;
	v15 =	vmul.f32 v54, v52;
	v60 =	vpop (erf)  }
0x22d: {  	[tilespmem:$0x1BB0] =	vst v3;
	v33 =	vadd.f32 v6, v17;
	v48 =	vsub.f32 v24, v29;
	v28 =	vmul.f32 v60, v59  }
0x22e: {  	v41 =	vld [tilespmem:$0x870];
	[tilespmem:$0x1BC0] =	vst v4;
	v0 =	vadd.f32 v61, v22;
	v62 =	vmul.f32 v58, v56;
	v26 =	vmul.f32 v15, v20  }
0x22f: {  	[tilespmem:$0x1BD0] =	vst v9;
	v6 =	vsub.f32 v34, v31;
	v54 =	vsub.f32 v37, v39;
	v36 =	vmul.f32 v28, v30;
	v43 =	vpop (erf)  }
0x230: {  	[tilespmem:$0x1BF0] =	vst v5;
	v1 =	vmul.f32 v62, v63;
	v35 =	vadd.f32 v26, v16;
	v46 =	vmul.f32 v43, v38;
	v45 =	vpop (erf)  }
0x231: {  	[tilespmem:$0x1BE0] =	vst v33;
	v7 =	vadd.f32 v36, v51;
	v51 =	vsub.f32 v57, v42;
	v49 =	vpop (erf);
	v50 =	vmul.f32 v45, v44  }
0x232: {  	[tilespmem:$0x1C00] =	vst v0;
	v1 =	vadd.f32 v1, v11;
	v52 =	vmul.f32 v46, v47;
	v53 =	vmul.f32 v49, v48;
	v55 =	vpop (erf)  }
0x233: {  	v58 =	vsub.f32 v41, v19;
	[tilespmem:$0x1C10] =	vst v35;
	v56 =	vmul.f32 v50, v51;
	v57 =	vmul.f32 v55, v6  }
0x234: {  	[tilespmem:$0x1C20] =	vst v1;
	v0 =	vadd.f32 v52, v32;
	v59 =	vmul.f32 v53, v54  }
0x235: {  	[tilespmem:$0x1C30] =	vst v7;
	v60 =	vadd.f32 v56, v27;
	v61 =	vmul.f32 v57, v58  }
0x236: {  	[tilespmem:$0x1C40] =	vst v0;
	v62 =	vadd.f32 v59, v29  }
0x237: {  	[tilespmem:$0x1C50] =	vst v60;
	v63 =	vadd.f32 v61, v31  }
0x238: {  	[tilespmem:$0x1C60] =	vst v62  }
0x239: {  	s31 =	simm.s32 $0x1A80;
	s4 =	sadd.s32 $0x40, s4;
	[tilespmem:$0x1C70] =	vst v63  }
0x23a: {  	[hbm4b:s4+s2] =	stream.linear.scatter [tilespmem:s31], [sflag:$0x1], $0x200, $0x38;
	[tilespmem:$0x1C80] =	vst v63  }
0x23b: {  	_ =	swait.ge [sflag:s29], $0x200  }
0x23c: {  	[sflag:s29] =	ssyncset.done $0x0  }
0x23d: {  	[sflag:s29] =	ssyncadd.s32 $0xFFFFFE00  }
0x23e: {  	_ =	swait.ge [sflag:s29], $0x200  }
0x23f: {  	[sflag:s29] =	ssyncset.done $0x0  }
0x240: {  	[sflag:s29] =	ssyncadd.s32 $0xFFFFFE00  }
0x241: {  	_ =	sfence.sel $0x180000  }
0x242: {  	[bflag:$0x0] =	sbarrier.arrive $0xFFFF  }
0x243: {  	p0 =	sne.s32 s1, $0x0;
	_ =	strace $0x90000047  }
0x244: {  	s0 =	sadd.s32 @!p0 $0x100000, s0;
	[bflag:$0x2] =	sbarrier.arrive $0xFFFF  }
0x245: {  	[sflag:s0] =	ssyncadd.tile.s32 @!p0 $0x1;
	_ =	shalt  }
.Lfunc_end2:
_tile_overlayer_lowered:
.L_overlay_start_2:
0x246: {  	(tag) =	ssettag $0x2  }
0x247: {  	s0 =	rddreg [dreg:$0x0];
	s2 =	stileid.u32  }
0x248: {  	s1 =	rddreg [dreg:$0x1];
	p0 =	sne.s32 s2, $0x0  }
0x249: {  	s3 =	rddreg [dreg:$0x2];
	[bflag:$0x3] =	sbarrier.arrive $0xFFFF;
	s2 =	simm.s32 @!p0 $0x1C06  }
0x24a: {  	[timem:s3], [sflag:s2] =	dma.local @!p0 [hbm:s0], s1  }
0x24b: {  	s0 =	simm.s32 @!p0 $0x6  }
0x24c: {  	_ =	swait.ge @!p0 [sflag:s0], s1  }
0x24d: {  	s1 =	ssub.s32 @!p0 $0x0, s1;
	[sflag:s0] =	ssyncset.done @!p0 $0x0  }
0x24e: {  	[sflag:s0] =	ssyncadd.s32 @!p0 s1  }
0x24f: {  	[bflag:$0x3] =	sbarrier.arrive $0xFFFF  }
0x250: {  	_ =	shalt  }

</sc_bundles>
